<compile_context>
chip_gen: v7x
topology: tpu7x:2x2x1
jax: 0.10.2.dev20260603
libtpu: 0.0.44.dev20260713+nightly
codegen_flags: <defaults>
</compile_context>

<pallas_src>
import jax
import jax.numpy as jnp
from jax import lax
from jax.experimental import pallas as pl
from jax.experimental.pallas import tpu as pltpu
from jax.experimental.pallas import tpu_sc as plsc

NUM_NODES = 1000000
EMBED_DIM = 32
BATCH = 16384

NC = 2
NS = 16
NW = NC * NS
BPW = BATCH // NW
NG = BPW // 16


def _edge_kernel(src_hbm, dst_hbm, emb_hbm, wb_hbm,
                 out_hbm,
                 idx_v, sg0, sg1, dg0, dg1, ubuf, out_v, wb_v, sem0, sem1):
    wid = lax.axis_index("c") * NS + lax.axis_index("s")

    pltpu.sync_copy(src_hbm.at[pl.ds(wid, 1)], idx_v.at[pl.ds(0, 1)])
    pltpu.sync_copy(dst_hbm.at[pl.ds(wid, 1)], idx_v.at[pl.ds(1, 1)])
    pltpu.sync_copy(wb_hbm, wb_v)

    w_lo = wb_v[pl.ds(0, 16)]
    w_hi = wb_v[pl.ds(16, 16)]
    bvec = wb_v[pl.ds(EMBED_DIM, 16)]
    lane16 = lax.iota(jnp.int32, 16) * 16

    bufs = ((sg0, dg0), (sg1, dg1))
    sems = (sem0, sem1)

    def fire(g, sb, db, sem):
        sv = idx_v[0, pl.ds(g * 16, 16)]
        dv = idx_v[1, pl.ds(g * 16, 16)]
        for k in range(16):
            pltpu.async_copy(emb_hbm.at[pl.ds(sv[k], 1)], sb.at[pl.ds(k, 1)], sem)
            pltpu.async_copy(emb_hbm.at[pl.ds(dv[k], 1)], db.at[pl.ds(k, 1)], sem)

    def drain(sb, db, sem):
        pltpu.make_async_copy(emb_hbm.at[pl.ds(0, 16)], sb, sem).wait()
        pltpu.make_async_copy(emb_hbm.at[pl.ds(0, 16)], db, sem).wait()

    def compute(g, sb, db):
        for r in range(16):
            s_lo = sb[r, pl.ds(0, 16)]
            s_hi = sb[r, pl.ds(16, 16)]
            d_lo = db[r, pl.ds(0, 16)]
            d_hi = db[r, pl.ds(16, 16)]
            ubuf[pl.ds(r * 16, 16)] = (s_lo * d_lo) * w_lo + (s_hi * d_hi) * w_hi
        acc = bvec
        for k in range(16):
            acc = acc + plsc.load_gather(ubuf, [lane16 + k])
        out_v[0, pl.ds(g * 16, 16)] = 1.0 / (1.0 + jnp.exp(-acc))

    fire(0, sg0, dg0, sem0)

    def body(i, carry):
        for b in range(2):
            g = 2 * i + b
            sb, db = bufs[b]
            nsb, ndb = bufs[1 - b]

            @pl.when(g + 1 < NG)
            def _():
                fire(g + 1, nsb, ndb, sems[1 - b])

            drain(sb, db, sems[b])
            compute(g, sb, db)
        return carry

    lax.fori_loop(0, NG // 2, body, 0)

    pltpu.sync_copy(out_v, out_hbm.at[pl.ds(wid, 1)])


@jax.jit
def kernel(src_id, dst_id, embedding, W, b):
    src2 = src_id.astype(jnp.int32).reshape(NW, BPW)
    dst2 = dst_id.astype(jnp.int32).reshape(NW, BPW)
    wb = jnp.concatenate([W.reshape(EMBED_DIM),
                          jnp.broadcast_to(b, (16,))]).astype(jnp.float32)

    mesh = plsc.VectorSubcoreMesh(core_axis_name="c", subcore_axis_name="s")
    out = pl.kernel(
        _edge_kernel,
        mesh=mesh,
        compiler_params=pltpu.CompilerParams(
            needs_layout_passes=False, skip_device_barrier=True),
        out_type=jax.ShapeDtypeStruct((NW, BPW), jnp.float32),
        scratch_types=[
            pltpu.VMEM((2, BPW), jnp.int32),
            pltpu.VMEM((16, EMBED_DIM), jnp.float32),
            pltpu.VMEM((16, EMBED_DIM), jnp.float32),
            pltpu.VMEM((16, EMBED_DIM), jnp.float32),
            pltpu.VMEM((16, EMBED_DIM), jnp.float32),
            pltpu.VMEM((256,), jnp.float32),
            pltpu.VMEM((1, BPW), jnp.float32),
            pltpu.VMEM((EMBED_DIM + 16,), jnp.float32),
            pltpu.SemaphoreType.DMA,
            pltpu.SemaphoreType.DMA,
        ],
    )(src2, dst2, embedding, wb)
    return out.reshape(BATCH, 1)

# --- scband reference (transcript-rebuilt; emitter-appended) ---
"""Pipeline reference for scband-model-78924319031791 (READ-ONLY COPY).

The authoritative reference and input builder live on the scoring server;
editing this copy changes nothing except your own understanding.
"""

import jax, jax.numpy as jnp
import numpy as np

NUM_NODES = 1000000
EMBED_DIM = 32
BATCH = 16384

def setup_inputs(seed: int = 0) -> dict:
    key = jax.random.key(seed)
    k1, k2, k3, k4, k5 = jax.random.split(key, 5)
    src_id = jax.random.randint(k1, (BATCH,), 0, NUM_NODES)
    dst_id = jax.random.randint(k2, (BATCH,), 0, NUM_NODES)
    # precomputed node embedding table (self.embedding in the original model)
    embedding = jax.random.normal(k3, (NUM_NODES, EMBED_DIM), dtype=jnp.float32)
    # BinaryClassifier(h_feat): linear h_feat -> 1 followed by sigmoid
    W = jax.random.normal(k4, (EMBED_DIM, 1), dtype=jnp.float32) * (1.0 / np.sqrt(EMBED_DIM))
    b = jnp.zeros((1,), dtype=jnp.float32)
    return {"src_id": src_id, "dst_id": dst_id, "embedding": embedding, "W": W, "b": b}

def reference(src_id, dst_id, embedding, W, b):
    # edge_encoder: gather embeddings for src/dst node ids (embedding lookup)
    src = jnp.take(embedding, src_id, axis=0)
    dst = jnp.take(embedding, dst_id, axis=0)
    # encoding_method == 'Hadamard'
    codes = src * dst
    # BinaryClassifier: linear + sigmoid
    logits = codes @ W + b
    return jax.nn.sigmoid(logits)

if __name__ == "__main__":
    import jax
    _d = setup_inputs()
    print(jax.jit(kernel)(*tuple(_d.values())))

</pallas_src>

<mosaic_0001>
#map = affine_map<(d0, d1) -> (0, 0)>
#map1 = affine_map<(d0, d1) -> (0)>
module attributes {stable_mosaic.version = 14 : i64} {
  func.func @_edge_kernel(%arg0: i32, %arg1: i32, %arg2: memref<32x512xi32, #tpu.memory_space<hbm>>, %arg3: memref<32x512xi32, #tpu.memory_space<hbm>>, %arg4: memref<1000000x32xf32, #tpu.memory_space<hbm>>, %arg5: memref<48xf32, #tpu.memory_space<hbm>>, %arg6: memref<32x512xf32, #tpu.memory_space<hbm>>, %arg7: memref<2x512xi32, #tpu.memory_space<vmem>>, %arg8: memref<16x32xf32, #tpu.memory_space<vmem>>, %arg9: memref<16x32xf32, #tpu.memory_space<vmem>>, %arg10: memref<16x32xf32, #tpu.memory_space<vmem>>, %arg11: memref<16x32xf32, #tpu.memory_space<vmem>>, %arg12: memref<256xf32, #tpu.memory_space<vmem>>, %arg13: memref<1x512xf32, #tpu.memory_space<vmem>>, %arg14: memref<48xf32, #tpu.memory_space<vmem>>, %arg15: memref<!tpu.dma_semaphore, #tpu.memory_space<semaphore_mem>>, %arg16: memref<!tpu.dma_semaphore, #tpu.memory_space<semaphore_mem>>) attributes {dimension_semantics = [#tpu.dimension_semantics<core_parallel>, #tpu.dimension_semantics<subcore_parallel>], iteration_bounds = array<i64: 2, 16>, scalar_prefetch = 0 : i64, scratch_operands = 10 : i64, tpu.core_type = #tpu.core_type<sc_vector_subcore>, window_params = [{transform_indices = #map}, {transform_indices = #map}, {transform_indices = #map}, {transform_indices = #map1}, {transform_indices = #map}]} {
    %mul3A = arith.constant 16 : i32
    %mul3A_0 = arith.muli %arg0, %mul3A : i32
    %add3A = arith.addi %mul3A_0, %arg1 : i32
    "tpu.region"() ({
      %run_scoped3A = tpu.sem_alloc : memref<!tpu.dma_semaphore, #tpu.memory_space<semaphore_mem>>
      %dma_start3A_403 = arith.constant 0 : i32
      %dma_start3A_404 = arith.constant 0 : i32
      %dma_start3A_405 = tpu.memref_slice %arg7[%dma_start3A_403, %dma_start3A_404] : memref<2x512xi32, #tpu.memory_space<vmem>> -> memref<1x512xi32, #tpu.memory_space<vmem>>
      %dma_start3A_406 = arith.constant 0 : i32
      %dma_start3A_407 = tpu.memref_slice %arg2[%add3A, %dma_start3A_406] : memref<32x512xi32, #tpu.memory_space<hbm>> -> memref<1x512xi32, #tpu.memory_space<hbm>>
      %dma_start3A_408 = arith.constant 0 : i32
      %dma_start3A_409 = arith.constant 0 : i32
      %dma_start3A_410 = tpu.memref_slice %arg7[%dma_start3A_408, %dma_start3A_409] : memref<2x512xi32, #tpu.memory_space<vmem>> -> memref<1x512xi32, #tpu.memory_space<vmem>>
      %dma_start3A_411 = arith.constant 0 : i32
      %dma_start3A_412 = tpu.memref_slice %arg2[%add3A, %dma_start3A_411] : memref<32x512xi32, #tpu.memory_space<hbm>> -> memref<1x512xi32, #tpu.memory_space<hbm>>
      tpu.enqueue_dma source(%dma_start3A_412 : memref<1x512xi32, #tpu.memory_space<hbm>>) target(%dma_start3A_410 : memref<1x512xi32, #tpu.memory_space<vmem>>) target_semaphore(%run_scoped3A : memref<!tpu.dma_semaphore, #tpu.memory_space<semaphore_mem>>)
      %dma_wait3A = arith.constant 0 : i32
      %dma_wait3A_413 = arith.constant 0 : i32
      %dma_wait3A_414 = tpu.memref_slice %arg7[%dma_wait3A, %dma_wait3A_413] : memref<2x512xi32, #tpu.memory_space<vmem>> -> memref<1x512xi32, #tpu.memory_space<vmem>>
      %dma_wait3A_415 = arith.constant 0 : i32
      %dma_wait3A_416 = tpu.memref_slice %arg2[%add3A, %dma_wait3A_415] : memref<32x512xi32, #tpu.memory_space<hbm>> -> memref<1x512xi32, #tpu.memory_space<hbm>>
      %dma_wait3A_417 = arith.constant 0 : i32
      %dma_wait3A_418 = arith.constant 0 : i32
      %dma_wait3A_419 = tpu.memref_slice %arg7[%dma_wait3A_417, %dma_wait3A_418] : memref<2x512xi32, #tpu.memory_space<vmem>> -> memref<1x512xi32, #tpu.memory_space<vmem>>
      %dma_wait3A_420 = arith.constant 0 : i32
      %dma_wait3A_421 = tpu.memref_slice %arg2[%add3A, %dma_wait3A_420] : memref<32x512xi32, #tpu.memory_space<hbm>> -> memref<1x512xi32, #tpu.memory_space<hbm>>
      tpu.wait_dma2 semaphore(%run_scoped3A : memref<!tpu.dma_semaphore, #tpu.memory_space<semaphore_mem>>) src(%dma_wait3A_421 : memref<1x512xi32, #tpu.memory_space<hbm>>) dst(%dma_wait3A_419 : memref<1x512xi32, #tpu.memory_space<vmem>>)
      tpu.yield
    }) : () -> ()
    "tpu.region"() ({
      %run_scoped3A = tpu.sem_alloc : memref<!tpu.dma_semaphore, #tpu.memory_space<semaphore_mem>>
      %dma_start3A_403 = arith.constant 1 : i32
      %dma_start3A_404 = arith.constant 0 : i32
      %dma_start3A_405 = tpu.memref_slice %arg7[%dma_start3A_403, %dma_start3A_404] : memref<2x512xi32, #tpu.memory_space<vmem>> -> memref<1x512xi32, #tpu.memory_space<vmem>>
      %dma_start3A_406 = arith.constant 0 : i32
      %dma_start3A_407 = tpu.memref_slice %arg3[%add3A, %dma_start3A_406] : memref<32x512xi32, #tpu.memory_space<hbm>> -> memref<1x512xi32, #tpu.memory_space<hbm>>
      %dma_start3A_408 = arith.constant 1 : i32
      %dma_start3A_409 = arith.constant 0 : i32
      %dma_start3A_410 = tpu.memref_slice %arg7[%dma_start3A_408, %dma_start3A_409] : memref<2x512xi32, #tpu.memory_space<vmem>> -> memref<1x512xi32, #tpu.memory_space<vmem>>
      %dma_start3A_411 = arith.constant 0 : i32
      %dma_start3A_412 = tpu.memref_slice %arg3[%add3A, %dma_start3A_411] : memref<32x512xi32, #tpu.memory_space<hbm>> -> memref<1x512xi32, #tpu.memory_space<hbm>>
      tpu.enqueue_dma source(%dma_start3A_412 : memref<1x512xi32, #tpu.memory_space<hbm>>) target(%dma_start3A_410 : memref<1x512xi32, #tpu.memory_space<vmem>>) target_semaphore(%run_scoped3A : memref<!tpu.dma_semaphore, #tpu.memory_space<semaphore_mem>>)
      %dma_wait3A = arith.constant 1 : i32
      %dma_wait3A_413 = arith.constant 0 : i32
      %dma_wait3A_414 = tpu.memref_slice %arg7[%dma_wait3A, %dma_wait3A_413] : memref<2x512xi32, #tpu.memory_space<vmem>> -> memref<1x512xi32, #tpu.memory_space<vmem>>
      %dma_wait3A_415 = arith.constant 0 : i32
      %dma_wait3A_416 = tpu.memref_slice %arg3[%add3A, %dma_wait3A_415] : memref<32x512xi32, #tpu.memory_space<hbm>> -> memref<1x512xi32, #tpu.memory_space<hbm>>
      %dma_wait3A_417 = arith.constant 1 : i32
      %dma_wait3A_418 = arith.constant 0 : i32
      %dma_wait3A_419 = tpu.memref_slice %arg7[%dma_wait3A_417, %dma_wait3A_418] : memref<2x512xi32, #tpu.memory_space<vmem>> -> memref<1x512xi32, #tpu.memory_space<vmem>>
      %dma_wait3A_420 = arith.constant 0 : i32
      %dma_wait3A_421 = tpu.memref_slice %arg3[%add3A, %dma_wait3A_420] : memref<32x512xi32, #tpu.memory_space<hbm>> -> memref<1x512xi32, #tpu.memory_space<hbm>>
      tpu.wait_dma2 semaphore(%run_scoped3A : memref<!tpu.dma_semaphore, #tpu.memory_space<semaphore_mem>>) src(%dma_wait3A_421 : memref<1x512xi32, #tpu.memory_space<hbm>>) dst(%dma_wait3A_419 : memref<1x512xi32, #tpu.memory_space<vmem>>)
      tpu.yield
    }) : () -> ()
    "tpu.region"() ({
      %run_scoped3A = tpu.sem_alloc : memref<!tpu.dma_semaphore, #tpu.memory_space<semaphore_mem>>
      tpu.enqueue_dma source(%arg5 : memref<48xf32, #tpu.memory_space<hbm>>) target(%arg14 : memref<48xf32, #tpu.memory_space<vmem>>) target_semaphore(%run_scoped3A : memref<!tpu.dma_semaphore, #tpu.memory_space<semaphore_mem>>)
      tpu.wait_dma2 semaphore(%run_scoped3A : memref<!tpu.dma_semaphore, #tpu.memory_space<semaphore_mem>>) src(%arg5 : memref<48xf32, #tpu.memory_space<hbm>>) dst(%arg14 : memref<48xf32, #tpu.memory_space<vmem>>)
      tpu.yield
    }) : () -> ()
    %get3A = arith.constant 0 : index
    %get3A_1 = tpu.vector_load %arg14[%get3A] {strides = array<i32>} : memref<48xf32, #tpu.memory_space<vmem>>, vector<16xf32>,
    %get3A_2 = arith.constant 16 : index
    %get3A_3 = tpu.vector_load %arg14[%get3A_2] {strides = array<i32>} : memref<48xf32, #tpu.memory_space<vmem>>, vector<16xf32>,
    %get3A_4 = arith.constant 32 : index
    %get3A_5 = tpu.vector_load %arg14[%get3A_4] {strides = array<i32>} : memref<48xf32, #tpu.memory_space<vmem>>, vector<16xf32>,
    %iota3A = tpu.iota {dimensions = array<i32: 0>} : vector<16xi32>
    %mul3A_6 = arith.constant 16 : i32
    %mul3A_7 = vector.broadcast %mul3A_6 : i32 to vector<16xi32>
    %mul3A_8 = arith.muli %iota3A, %mul3A_7 : vector<16xi32>
    %get3A_9 = arith.constant 0 : i32
    %get3A_10 = arith.index_cast %get3A_9 : i32 to index
    %get3A_11 = arith.constant 0 : index
    %get3A_12 = tpu.vector_load %arg7[%get3A_10, %get3A_11] {strides = array<i32>} : memref<2x512xi32, #tpu.memory_space<vmem>>, vector<16xi32>,
    %get3A_13 = arith.constant 1 : i32
    %get3A_14 = arith.index_cast %get3A_13 : i32 to index
    %get3A_15 = arith.constant 0 : index
    %get3A_16 = tpu.vector_load %arg7[%get3A_14, %get3A_15] {strides = array<i32>} : memref<2x512xi32, #tpu.memory_space<vmem>>, vector<16xi32>,
    %slice3A = vector.extract_strided_slice %get3A_12 {offsets = [0], sizes = [1], strides = [1]} : vector<16xi32> to vector<1xi32>
    %squeeze3A = vector.extract %slice3A[0] : i32 from vector<1xi32>
    %dma_start3A = arith.constant 0 : i32
    %dma_start3A_17 = arith.constant 0 : i32
    %dma_start3A_18 = tpu.memref_slice %arg8[%dma_start3A, %dma_start3A_17] : memref<16x32xf32, #tpu.memory_space<vmem>> -> memref<1x32xf32, #tpu.memory_space<vmem>>
    %dma_start3A_19 = arith.constant 0 : i32
    %dma_start3A_20 = tpu.memref_slice %arg4[%squeeze3A, %dma_start3A_19] : memref<1000000x32xf32, #tpu.memory_space<hbm>> -> memref<1x32xf32, #tpu.memory_space<hbm>>
    %dma_start3A_21 = arith.constant 0 : i32
    %dma_start3A_22 = arith.constant 0 : i32
    %dma_start3A_23 = tpu.memref_slice %arg8[%dma_start3A_21, %dma_start3A_22] : memref<16x32xf32, #tpu.memory_space<vmem>> -> memref<1x32xf32, #tpu.memory_space<vmem>>
    %dma_start3A_24 = arith.constant 0 : i32
    %dma_start3A_25 = tpu.memref_slice %arg4[%squeeze3A, %dma_start3A_24] : memref<1000000x32xf32, #tpu.memory_space<hbm>> -> memref<1x32xf32, #tpu.memory_space<hbm>>
    tpu.enqueue_dma source(%dma_start3A_25 : memref<1x32xf32, #tpu.memory_space<hbm>>) target(%dma_start3A_23 : memref<1x32xf32, #tpu.memory_space<vmem>>) target_semaphore(%arg15 : memref<!tpu.dma_semaphore, #tpu.memory_space<semaphore_mem>>)
    %slice3A_26 = vector.extract_strided_slice %get3A_16 {offsets = [0], sizes = [1], strides = [1]} : vector<16xi32> to vector<1xi32>
    %squeeze3A_27 = vector.extract %slice3A_26[0] : i32 from vector<1xi32>
    %dma_start3A_28 = arith.constant 0 : i32
    %dma_start3A_29 = arith.constant 0 : i32
    %dma_start3A_30 = tpu.memref_slice %arg10[%dma_start3A_28, %dma_start3A_29] : memref<16x32xf32, #tpu.memory_space<vmem>> -> memref<1x32xf32, #tpu.memory_space<vmem>>
    %dma_start3A_31 = arith.constant 0 : i32
    %dma_start3A_32 = tpu.memref_slice %arg4[%squeeze3A_27, %dma_start3A_31] : memref<1000000x32xf32, #tpu.memory_space<hbm>> -> memref<1x32xf32, #tpu.memory_space<hbm>>
    %dma_start3A_33 = arith.constant 0 : i32
    %dma_start3A_34 = arith.constant 0 : i32
    %dma_start3A_35 = tpu.memref_slice %arg10[%dma_start3A_33, %dma_start3A_34] : memref<16x32xf32, #tpu.memory_space<vmem>> -> memref<1x32xf32, #tpu.memory_space<vmem>>
    %dma_start3A_36 = arith.constant 0 : i32
    %dma_start3A_37 = tpu.memref_slice %arg4[%squeeze3A_27, %dma_start3A_36] : memref<1000000x32xf32, #tpu.memory_space<hbm>> -> memref<1x32xf32, #tpu.memory_space<hbm>>
    tpu.enqueue_dma source(%dma_start3A_37 : memref<1x32xf32, #tpu.memory_space<hbm>>) target(%dma_start3A_35 : memref<1x32xf32, #tpu.memory_space<vmem>>) target_semaphore(%arg15 : memref<!tpu.dma_semaphore, #tpu.memory_space<semaphore_mem>>)
    %slice3A_38 = vector.extract_strided_slice %get3A_12 {offsets = [1], sizes = [1], strides = [1]} : vector<16xi32> to vector<1xi32>
    %squeeze3A_39 = vector.extract %slice3A_38[0] : i32 from vector<1xi32>
    %dma_start3A_40 = arith.constant 1 : i32
    %dma_start3A_41 = arith.constant 0 : i32
    %dma_start3A_42 = tpu.memref_slice %arg8[%dma_start3A_40, %dma_start3A_41] : memref<16x32xf32, #tpu.memory_space<vmem>> -> memref<1x32xf32, #tpu.memory_space<vmem>>
    %dma_start3A_43 = arith.constant 0 : i32
    %dma_start3A_44 = tpu.memref_slice %arg4[%squeeze3A_39, %dma_start3A_43] : memref<1000000x32xf32, #tpu.memory_space<hbm>> -> memref<1x32xf32, #tpu.memory_space<hbm>>
    %dma_start3A_45 = arith.constant 1 : i32
    %dma_start3A_46 = arith.constant 0 : i32
    %dma_start3A_47 = tpu.memref_slice %arg8[%dma_start3A_45, %dma_start3A_46] : memref<16x32xf32, #tpu.memory_space<vmem>> -> memref<1x32xf32, #tpu.memory_space<vmem>>
    %dma_start3A_48 = arith.constant 0 : i32
    %dma_start3A_49 = tpu.memref_slice %arg4[%squeeze3A_39, %dma_start3A_48] : memref<1000000x32xf32, #tpu.memory_space<hbm>> -> memref<1x32xf32, #tpu.memory_space<hbm>>
    tpu.enqueue_dma source(%dma_start3A_49 : memref<1x32xf32, #tpu.memory_space<hbm>>) target(%dma_start3A_47 : memref<1x32xf32, #tpu.memory_space<vmem>>) target_semaphore(%arg15 : memref<!tpu.dma_semaphore, #tpu.memory_space<semaphore_mem>>)
    %slice3A_50 = vector.extract_strided_slice %get3A_16 {offsets = [1], sizes = [1], strides = [1]} : vector<16xi32> to vector<1xi32>
    %squeeze3A_51 = vector.extract %slice3A_50[0] : i32 from vector<1xi32>
    %dma_start3A_52 = arith.constant 1 : i32
    %dma_start3A_53 = arith.constant 0 : i32
    %dma_start3A_54 = tpu.memref_slice %arg10[%dma_start3A_52, %dma_start3A_53] : memref<16x32xf32, #tpu.memory_space<vmem>> -> memref<1x32xf32, #tpu.memory_space<vmem>>
    %dma_start3A_55 = arith.constant 0 : i32
    %dma_start3A_56 = tpu.memref_slice %arg4[%squeeze3A_51, %dma_start3A_55] : memref<1000000x32xf32, #tpu.memory_space<hbm>> -> memref<1x32xf32, #tpu.memory_space<hbm>>
    %dma_start3A_57 = arith.constant 1 : i32
    %dma_start3A_58 = arith.constant 0 : i32
    %dma_start3A_59 = tpu.memref_slice %arg10[%dma_start3A_57, %dma_start3A_58] : memref<16x32xf32, #tpu.memory_space<vmem>> -> memref<1x32xf32, #tpu.memory_space<vmem>>
    %dma_start3A_60 = arith.constant 0 : i32
    %dma_start3A_61 = tpu.memref_slice %arg4[%squeeze3A_51, %dma_start3A_60] : memref<1000000x32xf32, #tpu.memory_space<hbm>> -> memref<1x32xf32, #tpu.memory_space<hbm>>
    tpu.enqueue_dma source(%dma_start3A_61 : memref<1x32xf32, #tpu.memory_space<hbm>>) target(%dma_start3A_59 : memref<1x32xf32, #tpu.memory_space<vmem>>) target_semaphore(%arg15 : memref<!tpu.dma_semaphore, #tpu.memory_space<semaphore_mem>>)
    %slice3A_62 = vector.extract_strided_slice %get3A_12 {offsets = [2], sizes = [1], strides = [1]} : vector<16xi32> to vector<1xi32>
    %squeeze3A_63 = vector.extract %slice3A_62[0] : i32 from vector<1xi32>
    %dma_start3A_64 = arith.constant 2 : i32
    %dma_start3A_65 = arith.constant 0 : i32
    %dma_start3A_66 = tpu.memref_slice %arg8[%dma_start3A_64, %dma_start3A_65] : memref<16x32xf32, #tpu.memory_space<vmem>> -> memref<1x32xf32, #tpu.memory_space<vmem>>
    %dma_start3A_67 = arith.constant 0 : i32
    %dma_start3A_68 = tpu.memref_slice %arg4[%squeeze3A_63, %dma_start3A_67] : memref<1000000x32xf32, #tpu.memory_space<hbm>> -> memref<1x32xf32, #tpu.memory_space<hbm>>
    %dma_start3A_69 = arith.constant 2 : i32
    %dma_start3A_70 = arith.constant 0 : i32
    %dma_start3A_71 = tpu.memref_slice %arg8[%dma_start3A_69, %dma_start3A_70] : memref<16x32xf32, #tpu.memory_space<vmem>> -> memref<1x32xf32, #tpu.memory_space<vmem>>
    %dma_start3A_72 = arith.constant 0 : i32
    %dma_start3A_73 = tpu.memref_slice %arg4[%squeeze3A_63, %dma_start3A_72] : memref<1000000x32xf32, #tpu.memory_space<hbm>> -> memref<1x32xf32, #tpu.memory_space<hbm>>
    tpu.enqueue_dma source(%dma_start3A_73 : memref<1x32xf32, #tpu.memory_space<hbm>>) target(%dma_start3A_71 : memref<1x32xf32, #tpu.memory_space<vmem>>) target_semaphore(%arg15 : memref<!tpu.dma_semaphore, #tpu.memory_space<semaphore_mem>>)
    %slice3A_74 = vector.extract_strided_slice %get3A_16 {offsets = [2], sizes = [1], strides = [1]} : vector<16xi32> to vector<1xi32>
    %squeeze3A_75 = vector.extract %slice3A_74[0] : i32 from vector<1xi32>
    %dma_start3A_76 = arith.constant 2 : i32
    %dma_start3A_77 = arith.constant 0 : i32
    %dma_start3A_78 = tpu.memref_slice %arg10[%dma_start3A_76, %dma_start3A_77] : memref<16x32xf32, #tpu.memory_space<vmem>> -> memref<1x32xf32, #tpu.memory_space<vmem>>
    %dma_start3A_79 = arith.constant 0 : i32
    %dma_start3A_80 = tpu.memref_slice %arg4[%squeeze3A_75, %dma_start3A_79] : memref<1000000x32xf32, #tpu.memory_space<hbm>> -> memref<1x32xf32, #tpu.memory_space<hbm>>
    %dma_start3A_81 = arith.constant 2 : i32
    %dma_start3A_82 = arith.constant 0 : i32
    %dma_start3A_83 = tpu.memref_slice %arg10[%dma_start3A_81, %dma_start3A_82] : memref<16x32xf32, #tpu.memory_space<vmem>> -> memref<1x32xf32, #tpu.memory_space<vmem>>
    %dma_start3A_84 = arith.constant 0 : i32
    %dma_start3A_85 = tpu.memref_slice %arg4[%squeeze3A_75, %dma_start3A_84] : memref<1000000x32xf32, #tpu.memory_space<hbm>> -> memref<1x32xf32, #tpu.memory_space<hbm>>
    tpu.enqueue_dma source(%dma_start3A_85 : memref<1x32xf32, #tpu.memory_space<hbm>>) target(%dma_start3A_83 : memref<1x32xf32, #tpu.memory_space<vmem>>) target_semaphore(%arg15 : memref<!tpu.dma_semaphore, #tpu.memory_space<semaphore_mem>>)
    %slice3A_86 = vector.extract_strided_slice %get3A_12 {offsets = [3], sizes = [1], strides = [1]} : vector<16xi32> to vector<1xi32>
    %squeeze3A_87 = vector.extract %slice3A_86[0] : i32 from vector<1xi32>
    %dma_start3A_88 = arith.constant 3 : i32
    %dma_start3A_89 = arith.constant 0 : i32
    %dma_start3A_90 = tpu.memref_slice %arg8[%dma_start3A_88, %dma_start3A_89] : memref<16x32xf32, #tpu.memory_space<vmem>> -> memref<1x32xf32, #tpu.memory_space<vmem>>
    %dma_start3A_91 = arith.constant 0 : i32
    %dma_start3A_92 = tpu.memref_slice %arg4[%squeeze3A_87, %dma_start3A_91] : memref<1000000x32xf32, #tpu.memory_space<hbm>> -> memref<1x32xf32, #tpu.memory_space<hbm>>
    %dma_start3A_93 = arith.constant 3 : i32
    %dma_start3A_94 = arith.constant 0 : i32
    %dma_start3A_95 = tpu.memref_slice %arg8[%dma_start3A_93, %dma_start3A_94] : memref<16x32xf32, #tpu.memory_space<vmem>> -> memref<1x32xf32, #tpu.memory_space<vmem>>
    %dma_start3A_96 = arith.constant 0 : i32
    %dma_start3A_97 = tpu.memref_slice %arg4[%squeeze3A_87, %dma_start3A_96] : memref<1000000x32xf32, #tpu.memory_space<hbm>> -> memref<1x32xf32, #tpu.memory_space<hbm>>
    tpu.enqueue_dma source(%dma_start3A_97 : memref<1x32xf32, #tpu.memory_space<hbm>>) target(%dma_start3A_95 : memref<1x32xf32, #tpu.memory_space<vmem>>) target_semaphore(%arg15 : memref<!tpu.dma_semaphore, #tpu.memory_space<semaphore_mem>>)
    %slice3A_98 = vector.extract_strided_slice %get3A_16 {offsets = [3], sizes = [1], strides = [1]} : vector<16xi32> to vector<1xi32>
    %squeeze3A_99 = vector.extract %slice3A_98[0] : i32 from vector<1xi32>
    %dma_start3A_100 = arith.constant 3 : i32
    %dma_start3A_101 = arith.constant 0 : i32
    %dma_start3A_102 = tpu.memref_slice %arg10[%dma_start3A_100, %dma_start3A_101] : memref<16x32xf32, #tpu.memory_space<vmem>> -> memref<1x32xf32, #tpu.memory_space<vmem>>
    %dma_start3A_103 = arith.constant 0 : i32
    %dma_start3A_104 = tpu.memref_slice %arg4[%squeeze3A_99, %dma_start3A_103] : memref<1000000x32xf32, #tpu.memory_space<hbm>> -> memref<1x32xf32, #tpu.memory_space<hbm>>
    %dma_start3A_105 = arith.constant 3 : i32
    %dma_start3A_106 = arith.constant 0 : i32
    %dma_start3A_107 = tpu.memref_slice %arg10[%dma_start3A_105, %dma_start3A_106] : memref<16x32xf32, #tpu.memory_space<vmem>> -> memref<1x32xf32, #tpu.memory_space<vmem>>
    %dma_start3A_108 = arith.constant 0 : i32
    %dma_start3A_109 = tpu.memref_slice %arg4[%squeeze3A_99, %dma_start3A_108] : memref<1000000x32xf32, #tpu.memory_space<hbm>> -> memref<1x32xf32, #tpu.memory_space<hbm>>
    tpu.enqueue_dma source(%dma_start3A_109 : memref<1x32xf32, #tpu.memory_space<hbm>>) target(%dma_start3A_107 : memref<1x32xf32, #tpu.memory_space<vmem>>) target_semaphore(%arg15 : memref<!tpu.dma_semaphore, #tpu.memory_space<semaphore_mem>>)
    %slice3A_110 = vector.extract_strided_slice %get3A_12 {offsets = [4], sizes = [1], strides = [1]} : vector<16xi32> to vector<1xi32>
    %squeeze3A_111 = vector.extract %slice3A_110[0] : i32 from vector<1xi32>
    %dma_start3A_112 = arith.constant 4 : i32
    %dma_start3A_113 = arith.constant 0 : i32
    %dma_start3A_114 = tpu.memref_slice %arg8[%dma_start3A_112, %dma_start3A_113] : memref<16x32xf32, #tpu.memory_space<vmem>> -> memref<1x32xf32, #tpu.memory_space<vmem>>
    %dma_start3A_115 = arith.constant 0 : i32
    %dma_start3A_116 = tpu.memref_slice %arg4[%squeeze3A_111, %dma_start3A_115] : memref<1000000x32xf32, #tpu.memory_space<hbm>> -> memref<1x32xf32, #tpu.memory_space<hbm>>
    %dma_start3A_117 = arith.constant 4 : i32
    %dma_start3A_118 = arith.constant 0 : i32
    %dma_start3A_119 = tpu.memref_slice %arg8[%dma_start3A_117, %dma_start3A_118] : memref<16x32xf32, #tpu.memory_space<vmem>> -> memref<1x32xf32, #tpu.memory_space<vmem>>
    %dma_start3A_120 = arith.constant 0 : i32
    %dma_start3A_121 = tpu.memref_slice %arg4[%squeeze3A_111, %dma_start3A_120] : memref<1000000x32xf32, #tpu.memory_space<hbm>> -> memref<1x32xf32, #tpu.memory_space<hbm>>
    tpu.enqueue_dma source(%dma_start3A_121 : memref<1x32xf32, #tpu.memory_space<hbm>>) target(%dma_start3A_119 : memref<1x32xf32, #tpu.memory_space<vmem>>) target_semaphore(%arg15 : memref<!tpu.dma_semaphore, #tpu.memory_space<semaphore_mem>>)
    %slice3A_122 = vector.extract_strided_slice %get3A_16 {offsets = [4], sizes = [1], strides = [1]} : vector<16xi32> to vector<1xi32>
    %squeeze3A_123 = vector.extract %slice3A_122[0] : i32 from vector<1xi32>
    %dma_start3A_124 = arith.constant 4 : i32
    %dma_start3A_125 = arith.constant 0 : i32
    %dma_start3A_126 = tpu.memref_slice %arg10[%dma_start3A_124, %dma_start3A_125] : memref<16x32xf32, #tpu.memory_space<vmem>> -> memref<1x32xf32, #tpu.memory_space<vmem>>
    %dma_start3A_127 = arith.constant 0 : i32
    %dma_start3A_128 = tpu.memref_slice %arg4[%squeeze3A_123, %dma_start3A_127] : memref<1000000x32xf32, #tpu.memory_space<hbm>> -> memref<1x32xf32, #tpu.memory_space<hbm>>
    %dma_start3A_129 = arith.constant 4 : i32
    %dma_start3A_130 = arith.constant 0 : i32
    %dma_start3A_131 = tpu.memref_slice %arg10[%dma_start3A_129, %dma_start3A_130] : memref<16x32xf32, #tpu.memory_space<vmem>> -> memref<1x32xf32, #tpu.memory_space<vmem>>
    %dma_start3A_132 = arith.constant 0 : i32
    %dma_start3A_133 = tpu.memref_slice %arg4[%squeeze3A_123, %dma_start3A_132] : memref<1000000x32xf32, #tpu.memory_space<hbm>> -> memref<1x32xf32, #tpu.memory_space<hbm>>
    tpu.enqueue_dma source(%dma_start3A_133 : memref<1x32xf32, #tpu.memory_space<hbm>>) target(%dma_start3A_131 : memref<1x32xf32, #tpu.memory_space<vmem>>) target_semaphore(%arg15 : memref<!tpu.dma_semaphore, #tpu.memory_space<semaphore_mem>>)
    %slice3A_134 = vector.extract_strided_slice %get3A_12 {offsets = [5], sizes = [1], strides = [1]} : vector<16xi32> to vector<1xi32>
    %squeeze3A_135 = vector.extract %slice3A_134[0] : i32 from vector<1xi32>
    %dma_start3A_136 = arith.constant 5 : i32
    %dma_start3A_137 = arith.constant 0 : i32
    %dma_start3A_138 = tpu.memref_slice %arg8[%dma_start3A_136, %dma_start3A_137] : memref<16x32xf32, #tpu.memory_space<vmem>> -> memref<1x32xf32, #tpu.memory_space<vmem>>
    %dma_start3A_139 = arith.constant 0 : i32
    %dma_start3A_140 = tpu.memref_slice %arg4[%squeeze3A_135, %dma_start3A_139] : memref<1000000x32xf32, #tpu.memory_space<hbm>> -> memref<1x32xf32, #tpu.memory_space<hbm>>
    %dma_start3A_141 = arith.constant 5 : i32
    %dma_start3A_142 = arith.constant 0 : i32
    %dma_start3A_143 = tpu.memref_slice %arg8[%dma_start3A_141, %dma_start3A_142] : memref<16x32xf32, #tpu.memory_space<vmem>> -> memref<1x32xf32, #tpu.memory_space<vmem>>
    %dma_start3A_144 = arith.constant 0 : i32
    %dma_start3A_145 = tpu.memref_slice %arg4[%squeeze3A_135, %dma_start3A_144] : memref<1000000x32xf32, #tpu.memory_space<hbm>> -> memref<1x32xf32, #tpu.memory_space<hbm>>
    tpu.enqueue_dma source(%dma_start3A_145 : memref<1x32xf32, #tpu.memory_space<hbm>>) target(%dma_start3A_143 : memref<1x32xf32, #tpu.memory_space<vmem>>) target_semaphore(%arg15 : memref<!tpu.dma_semaphore, #tpu.memory_space<semaphore_mem>>)
    %slice3A_146 = vector.extract_strided_slice %get3A_16 {offsets = [5], sizes = [1], strides = [1]} : vector<16xi32> to vector<1xi32>
    %squeeze3A_147 = vector.extract %slice3A_146[0] : i32 from vector<1xi32>
    %dma_start3A_148 = arith.constant 5 : i32
    %dma_start3A_149 = arith.constant 0 : i32
    %dma_start3A_150 = tpu.memref_slice %arg10[%dma_start3A_148, %dma_start3A_149] : memref<16x32xf32, #tpu.memory_space<vmem>> -> memref<1x32xf32, #tpu.memory_space<vmem>>
    %dma_start3A_151 = arith.constant 0 : i32
    %dma_start3A_152 = tpu.memref_slice %arg4[%squeeze3A_147, %dma_start3A_151] : memref<1000000x32xf32, #tpu.memory_space<hbm>> -> memref<1x32xf32, #tpu.memory_space<hbm>>
    %dma_start3A_153 = arith.constant 5 : i32
    %dma_start3A_154 = arith.constant 0 : i32
    %dma_start3A_155 = tpu.memref_slice %arg10[%dma_start3A_153, %dma_start3A_154] : memref<16x32xf32, #tpu.memory_space<vmem>> -> memref<1x32xf32, #tpu.memory_space<vmem>>
    %dma_start3A_156 = arith.constant 0 : i32
    %dma_start3A_157 = tpu.memref_slice %arg4[%squeeze3A_147, %dma_start3A_156] : memref<1000000x32xf32, #tpu.memory_space<hbm>> -> memref<1x32xf32, #tpu.memory_space<hbm>>
    tpu.enqueue_dma source(%dma_start3A_157 : memref<1x32xf32, #tpu.memory_space<hbm>>) target(%dma_start3A_155 : memref<1x32xf32, #tpu.memory_space<vmem>>) target_semaphore(%arg15 : memref<!tpu.dma_semaphore, #tpu.memory_space<semaphore_mem>>)
    %slice3A_158 = vector.extract_strided_slice %get3A_12 {offsets = [6], sizes = [1], strides = [1]} : vector<16xi32> to vector<1xi32>
    %squeeze3A_159 = vector.extract %slice3A_158[0] : i32 from vector<1xi32>
    %dma_start3A_160 = arith.constant 6 : i32
    %dma_start3A_161 = arith.constant 0 : i32
    %dma_start3A_162 = tpu.memref_slice %arg8[%dma_start3A_160, %dma_start3A_161] : memref<16x32xf32, #tpu.memory_space<vmem>> -> memref<1x32xf32, #tpu.memory_space<vmem>>
    %dma_start3A_163 = arith.constant 0 : i32
    %dma_start3A_164 = tpu.memref_slice %arg4[%squeeze3A_159, %dma_start3A_163] : memref<1000000x32xf32, #tpu.memory_space<hbm>> -> memref<1x32xf32, #tpu.memory_space<hbm>>
    %dma_start3A_165 = arith.constant 6 : i32
    %dma_start3A_166 = arith.constant 0 : i32
    %dma_start3A_167 = tpu.memref_slice %arg8[%dma_start3A_165, %dma_start3A_166] : memref<16x32xf32, #tpu.memory_space<vmem>> -> memref<1x32xf32, #tpu.memory_space<vmem>>
    %dma_start3A_168 = arith.constant 0 : i32
    %dma_start3A_169 = tpu.memref_slice %arg4[%squeeze3A_159, %dma_start3A_168] : memref<1000000x32xf32, #tpu.memory_space<hbm>> -> memref<1x32xf32, #tpu.memory_space<hbm>>
    tpu.enqueue_dma source(%dma_start3A_169 : memref<1x32xf32, #tpu.memory_space<hbm>>) target(%dma_start3A_167 : memref<1x32xf32, #tpu.memory_space<vmem>>) target_semaphore(%arg15 : memref<!tpu.dma_semaphore, #tpu.memory_space<semaphore_mem>>)
    %slice3A_170 = vector.extract_strided_slice %get3A_16 {offsets = [6], sizes = [1], strides = [1]} : vector<16xi32> to vector<1xi32>
    %squeeze3A_171 = vector.extract %slice3A_170[0] : i32 from vector<1xi32>
    %dma_start3A_172 = arith.constant 6 : i32
    %dma_start3A_173 = arith.constant 0 : i32
    %dma_start3A_174 = tpu.memref_slice %arg10[%dma_start3A_172, %dma_start3A_173] : memref<16x32xf32, #tpu.memory_space<vmem>> -> memref<1x32xf32, #tpu.memory_space<vmem>>
    %dma_start3A_175 = arith.constant 0 : i32
    %dma_start3A_176 = tpu.memref_slice %arg4[%squeeze3A_171, %dma_start3A_175] : memref<1000000x32xf32, #tpu.memory_space<hbm>> -> memref<1x32xf32, #tpu.memory_space<hbm>>
    %dma_start3A_177 = arith.constant 6 : i32
    %dma_start3A_178 = arith.constant 0 : i32
    %dma_start3A_179 = tpu.memref_slice %arg10[%dma_start3A_177, %dma_start3A_178] : memref<16x32xf32, #tpu.memory_space<vmem>> -> memref<1x32xf32, #tpu.memory_space<vmem>>
    %dma_start3A_180 = arith.constant 0 : i32
    %dma_start3A_181 = tpu.memref_slice %arg4[%squeeze3A_171, %dma_start3A_180] : memref<1000000x32xf32, #tpu.memory_space<hbm>> -> memref<1x32xf32, #tpu.memory_space<hbm>>
    tpu.enqueue_dma source(%dma_start3A_181 : memref<1x32xf32, #tpu.memory_space<hbm>>) target(%dma_start3A_179 : memref<1x32xf32, #tpu.memory_space<vmem>>) target_semaphore(%arg15 : memref<!tpu.dma_semaphore, #tpu.memory_space<semaphore_mem>>)
    %slice3A_182 = vector.extract_strided_slice %get3A_12 {offsets = [7], sizes = [1], strides = [1]} : vector<16xi32> to vector<1xi32>
    %squeeze3A_183 = vector.extract %slice3A_182[0] : i32 from vector<1xi32>
    %dma_start3A_184 = arith.constant 7 : i32
    %dma_start3A_185 = arith.constant 0 : i32
    %dma_start3A_186 = tpu.memref_slice %arg8[%dma_start3A_184, %dma_start3A_185] : memref<16x32xf32, #tpu.memory_space<vmem>> -> memref<1x32xf32, #tpu.memory_space<vmem>>
    %dma_start3A_187 = arith.constant 0 : i32
    %dma_start3A_188 = tpu.memref_slice %arg4[%squeeze3A_183, %dma_start3A_187] : memref<1000000x32xf32, #tpu.memory_space<hbm>> -> memref<1x32xf32, #tpu.memory_space<hbm>>
    %dma_start3A_189 = arith.constant 7 : i32
    %dma_start3A_190 = arith.constant 0 : i32
    %dma_start3A_191 = tpu.memref_slice %arg8[%dma_start3A_189, %dma_start3A_190] : memref<16x32xf32, #tpu.memory_space<vmem>> -> memref<1x32xf32, #tpu.memory_space<vmem>>
    %dma_start3A_192 = arith.constant 0 : i32
    %dma_start3A_193 = tpu.memref_slice %arg4[%squeeze3A_183, %dma_start3A_192] : memref<1000000x32xf32, #tpu.memory_space<hbm>> -> memref<1x32xf32, #tpu.memory_space<hbm>>
    tpu.enqueue_dma source(%dma_start3A_193 : memref<1x32xf32, #tpu.memory_space<hbm>>) target(%dma_start3A_191 : memref<1x32xf32, #tpu.memory_space<vmem>>) target_semaphore(%arg15 : memref<!tpu.dma_semaphore, #tpu.memory_space<semaphore_mem>>)
    %slice3A_194 = vector.extract_strided_slice %get3A_16 {offsets = [7], sizes = [1], strides = [1]} : vector<16xi32> to vector<1xi32>
    %squeeze3A_195 = vector.extract %slice3A_194[0] : i32 from vector<1xi32>
    %dma_start3A_196 = arith.constant 7 : i32
    %dma_start3A_197 = arith.constant 0 : i32
    %dma_start3A_198 = tpu.memref_slice %arg10[%dma_start3A_196, %dma_start3A_197] : memref<16x32xf32, #tpu.memory_space<vmem>> -> memref<1x32xf32, #tpu.memory_space<vmem>>
    %dma_start3A_199 = arith.constant 0 : i32
    %dma_start3A_200 = tpu.memref_slice %arg4[%squeeze3A_195, %dma_start3A_199] : memref<1000000x32xf32, #tpu.memory_space<hbm>> -> memref<1x32xf32, #tpu.memory_space<hbm>>
    %dma_start3A_201 = arith.constant 7 : i32
    %dma_start3A_202 = arith.constant 0 : i32
    %dma_start3A_203 = tpu.memref_slice %arg10[%dma_start3A_201, %dma_start3A_202] : memref<16x32xf32, #tpu.memory_space<vmem>> -> memref<1x32xf32, #tpu.memory_space<vmem>>
    %dma_start3A_204 = arith.constant 0 : i32
    %dma_start3A_205 = tpu.memref_slice %arg4[%squeeze3A_195, %dma_start3A_204] : memref<1000000x32xf32, #tpu.memory_space<hbm>> -> memref<1x32xf32, #tpu.memory_space<hbm>>
    tpu.enqueue_dma source(%dma_start3A_205 : memref<1x32xf32, #tpu.memory_space<hbm>>) target(%dma_start3A_203 : memref<1x32xf32, #tpu.memory_space<vmem>>) target_semaphore(%arg15 : memref<!tpu.dma_semaphore, #tpu.memory_space<semaphore_mem>>)
    %slice3A_206 = vector.extract_strided_slice %get3A_12 {offsets = [8], sizes = [1], strides = [1]} : vector<16xi32> to vector<1xi32>
    %squeeze3A_207 = vector.extract %slice3A_206[0] : i32 from vector<1xi32>
    %dma_start3A_208 = arith.constant 8 : i32
    %dma_start3A_209 = arith.constant 0 : i32
    %dma_start3A_210 = tpu.memref_slice %arg8[%dma_start3A_208, %dma_start3A_209] : memref<16x32xf32, #tpu.memory_space<vmem>> -> memref<1x32xf32, #tpu.memory_space<vmem>>
    %dma_start3A_211 = arith.constant 0 : i32
    %dma_start3A_212 = tpu.memref_slice %arg4[%squeeze3A_207, %dma_start3A_211] : memref<1000000x32xf32, #tpu.memory_space<hbm>> -> memref<1x32xf32, #tpu.memory_space<hbm>>
    %dma_start3A_213 = arith.constant 8 : i32
    %dma_start3A_214 = arith.constant 0 : i32
    %dma_start3A_215 = tpu.memref_slice %arg8[%dma_start3A_213, %dma_start3A_214] : memref<16x32xf32, #tpu.memory_space<vmem>> -> memref<1x32xf32, #tpu.memory_space<vmem>>
    %dma_start3A_216 = arith.constant 0 : i32
    %dma_start3A_217 = tpu.memref_slice %arg4[%squeeze3A_207, %dma_start3A_216] : memref<1000000x32xf32, #tpu.memory_space<hbm>> -> memref<1x32xf32, #tpu.memory_space<hbm>>
    tpu.enqueue_dma source(%dma_start3A_217 : memref<1x32xf32, #tpu.memory_space<hbm>>) target(%dma_start3A_215 : memref<1x32xf32, #tpu.memory_space<vmem>>) target_semaphore(%arg15 : memref<!tpu.dma_semaphore, #tpu.memory_space<semaphore_mem>>)
    %slice3A_218 = vector.extract_strided_slice %get3A_16 {offsets = [8], sizes = [1], strides = [1]} : vector<16xi32> to vector<1xi32>
    %squeeze3A_219 = vector.extract %slice3A_218[0] : i32 from vector<1xi32>
    %dma_start3A_220 = arith.constant 8 : i32
    %dma_start3A_221 = arith.constant 0 : i32
    %dma_start3A_222 = tpu.memref_slice %arg10[%dma_start3A_220, %dma_start3A_221] : memref<16x32xf32, #tpu.memory_space<vmem>> -> memref<1x32xf32, #tpu.memory_space<vmem>>
    %dma_start3A_223 = arith.constant 0 : i32
    %dma_start3A_224 = tpu.memref_slice %arg4[%squeeze3A_219, %dma_start3A_223] : memref<1000000x32xf32, #tpu.memory_space<hbm>> -> memref<1x32xf32, #tpu.memory_space<hbm>>
    %dma_start3A_225 = arith.constant 8 : i32
    %dma_start3A_226 = arith.constant 0 : i32
    %dma_start3A_227 = tpu.memref_slice %arg10[%dma_start3A_225, %dma_start3A_226] : memref<16x32xf32, #tpu.memory_space<vmem>> -> memref<1x32xf32, #tpu.memory_space<vmem>>
    %dma_start3A_228 = arith.constant 0 : i32
    %dma_start3A_229 = tpu.memref_slice %arg4[%squeeze3A_219, %dma_start3A_228] : memref<1000000x32xf32, #tpu.memory_space<hbm>> -> memref<1x32xf32, #tpu.memory_space<hbm>>
    tpu.enqueue_dma source(%dma_start3A_229 : memref<1x32xf32, #tpu.memory_space<hbm>>) target(%dma_start3A_227 : memref<1x32xf32, #tpu.memory_space<vmem>>) target_semaphore(%arg15 : memref<!tpu.dma_semaphore, #tpu.memory_space<semaphore_mem>>)
    %slice3A_230 = vector.extract_strided_slice %get3A_12 {offsets = [9], sizes = [1], strides = [1]} : vector<16xi32> to vector<1xi32>
    %squeeze3A_231 = vector.extract %slice3A_230[0] : i32 from vector<1xi32>
    %dma_start3A_232 = arith.constant 9 : i32
    %dma_start3A_233 = arith.constant 0 : i32
    %dma_start3A_234 = tpu.memref_slice %arg8[%dma_start3A_232, %dma_start3A_233] : memref<16x32xf32, #tpu.memory_space<vmem>> -> memref<1x32xf32, #tpu.memory_space<vmem>>
    %dma_start3A_235 = arith.constant 0 : i32
    %dma_start3A_236 = tpu.memref_slice %arg4[%squeeze3A_231, %dma_start3A_235] : memref<1000000x32xf32, #tpu.memory_space<hbm>> -> memref<1x32xf32, #tpu.memory_space<hbm>>
    %dma_start3A_237 = arith.constant 9 : i32
    %dma_start3A_238 = arith.constant 0 : i32
    %dma_start3A_239 = tpu.memref_slice %arg8[%dma_start3A_237, %dma_start3A_238] : memref<16x32xf32, #tpu.memory_space<vmem>> -> memref<1x32xf32, #tpu.memory_space<vmem>>
    %dma_start3A_240 = arith.constant 0 : i32
    %dma_start3A_241 = tpu.memref_slice %arg4[%squeeze3A_231, %dma_start3A_240] : memref<1000000x32xf32, #tpu.memory_space<hbm>> -> memref<1x32xf32, #tpu.memory_space<hbm>>
    tpu.enqueue_dma source(%dma_start3A_241 : memref<1x32xf32, #tpu.memory_space<hbm>>) target(%dma_start3A_239 : memref<1x32xf32, #tpu.memory_space<vmem>>) target_semaphore(%arg15 : memref<!tpu.dma_semaphore, #tpu.memory_space<semaphore_mem>>)
    %slice3A_242 = vector.extract_strided_slice %get3A_16 {offsets = [9], sizes = [1], strides = [1]} : vector<16xi32> to vector<1xi32>
    %squeeze3A_243 = vector.extract %slice3A_242[0] : i32 from vector<1xi32>
    %dma_start3A_244 = arith.constant 9 : i32
    %dma_start3A_245 = arith.constant 0 : i32
    %dma_start3A_246 = tpu.memref_slice %arg10[%dma_start3A_244, %dma_start3A_245] : memref<16x32xf32, #tpu.memory_space<vmem>> -> memref<1x32xf32, #tpu.memory_space<vmem>>
    %dma_start3A_247 = arith.constant 0 : i32
    %dma_start3A_248 = tpu.memref_slice %arg4[%squeeze3A_243, %dma_start3A_247] : memref<1000000x32xf32, #tpu.memory_space<hbm>> -> memref<1x32xf32, #tpu.memory_space<hbm>>
    %dma_start3A_249 = arith.constant 9 : i32
    %dma_start3A_250 = arith.constant 0 : i32
    %dma_start3A_251 = tpu.memref_slice %arg10[%dma_start3A_249, %dma_start3A_250] : memref<16x32xf32, #tpu.memory_space<vmem>> -> memref<1x32xf32, #tpu.memory_space<vmem>>
    %dma_start3A_252 = arith.constant 0 : i32
    %dma_start3A_253 = tpu.memref_slice %arg4[%squeeze3A_243, %dma_start3A_252] : memref<1000000x32xf32, #tpu.memory_space<hbm>> -> memref<1x32xf32, #tpu.memory_space<hbm>>
    tpu.enqueue_dma source(%dma_start3A_253 : memref<1x32xf32, #tpu.memory_space<hbm>>) target(%dma_start3A_251 : memref<1x32xf32, #tpu.memory_space<vmem>>) target_semaphore(%arg15 : memref<!tpu.dma_semaphore, #tpu.memory_space<semaphore_mem>>)
    %slice3A_254 = vector.extract_strided_slice %get3A_12 {offsets = [10], sizes = [1], strides = [1]} : vector<16xi32> to vector<1xi32>
    %squeeze3A_255 = vector.extract %slice3A_254[0] : i32 from vector<1xi32>
    %dma_start3A_256 = arith.constant 10 : i32
    %dma_start3A_257 = arith.constant 0 : i32
    %dma_start3A_258 = tpu.memref_slice %arg8[%dma_start3A_256, %dma_start3A_257] : memref<16x32xf32, #tpu.memory_space<vmem>> -> memref<1x32xf32, #tpu.memory_space<vmem>>
    %dma_start3A_259 = arith.constant 0 : i32
    %dma_start3A_260 = tpu.memref_slice %arg4[%squeeze3A_255, %dma_start3A_259] : memref<1000000x32xf32, #tpu.memory_space<hbm>> -> memref<1x32xf32, #tpu.memory_space<hbm>>
    %dma_start3A_261 = arith.constant 10 : i32
    %dma_start3A_262 = arith.constant 0 : i32
    %dma_start3A_263 = tpu.memref_slice %arg8[%dma_start3A_261, %dma_start3A_262] : memref<16x32xf32, #tpu.memory_space<vmem>> -> memref<1x32xf32, #tpu.memory_space<vmem>>
    %dma_start3A_264 = arith.constant 0 : i32
    %dma_start3A_265 = tpu.memref_slice %arg4[%squeeze3A_255, %dma_start3A_264] : memref<1000000x32xf32, #tpu.memory_space<hbm>> -> memref<1x32xf32, #tpu.memory_space<hbm>>
    tpu.enqueue_dma source(%dma_start3A_265 : memref<1x32xf32, #tpu.memory_space<hbm>>) target(%dma_start3A_263 : memref<1x32xf32, #tpu.memory_space<vmem>>) target_semaphore(%arg15 : memref<!tpu.dma_semaphore, #tpu.memory_space<semaphore_mem>>)
    %slice3A_266 = vector.extract_strided_slice %get3A_16 {offsets = [10], sizes = [1], strides = [1]} : vector<16xi32> to vector<1xi32>
    %squeeze3A_267 = vector.extract %slice3A_266[0] : i32 from vector<1xi32>
    %dma_start3A_268 = arith.constant 10 : i32
    %dma_start3A_269 = arith.constant 0 : i32
    %dma_start3A_270 = tpu.memref_slice %arg10[%dma_start3A_268, %dma_start3A_269] : memref<16x32xf32, #tpu.memory_space<vmem>> -> memref<1x32xf32, #tpu.memory_space<vmem>>
    %dma_start3A_271 = arith.constant 0 : i32
    %dma_start3A_272 = tpu.memref_slice %arg4[%squeeze3A_267, %dma_start3A_271] : memref<1000000x32xf32, #tpu.memory_space<hbm>> -> memref<1x32xf32, #tpu.memory_space<hbm>>
    %dma_start3A_273 = arith.constant 10 : i32
    %dma_start3A_274 = arith.constant 0 : i32
    %dma_start3A_275 = tpu.memref_slice %arg10[%dma_start3A_273, %dma_start3A_274] : memref<16x32xf32, #tpu.memory_space<vmem>> -> memref<1x32xf32, #tpu.memory_space<vmem>>
    %dma_start3A_276 = arith.constant 0 : i32
    %dma_start3A_277 = tpu.memref_slice %arg4[%squeeze3A_267, %dma_start3A_276] : memref<1000000x32xf32, #tpu.memory_space<hbm>> -> memref<1x32xf32, #tpu.memory_space<hbm>>
    tpu.enqueue_dma source(%dma_start3A_277 : memref<1x32xf32, #tpu.memory_space<hbm>>) target(%dma_start3A_275 : memref<1x32xf32, #tpu.memory_space<vmem>>) target_semaphore(%arg15 : memref<!tpu.dma_semaphore, #tpu.memory_space<semaphore_mem>>)
    %slice3A_278 = vector.extract_strided_slice %get3A_12 {offsets = [11], sizes = [1], strides = [1]} : vector<16xi32> to vector<1xi32>
    %squeeze3A_279 = vector.extract %slice3A_278[0] : i32 from vector<1xi32>
    %dma_start3A_280 = arith.constant 11 : i32
    %dma_start3A_281 = arith.constant 0 : i32
    %dma_start3A_282 = tpu.memref_slice %arg8[%dma_start3A_280, %dma_start3A_281] : memref<16x32xf32, #tpu.memory_space<vmem>> -> memref<1x32xf32, #tpu.memory_space<vmem>>
    %dma_start3A_283 = arith.constant 0 : i32
    %dma_start3A_284 = tpu.memref_slice %arg4[%squeeze3A_279, %dma_start3A_283] : memref<1000000x32xf32, #tpu.memory_space<hbm>> -> memref<1x32xf32, #tpu.memory_space<hbm>>
    %dma_start3A_285 = arith.constant 11 : i32
    %dma_start3A_286 = arith.constant 0 : i32
    %dma_start3A_287 = tpu.memref_slice %arg8[%dma_start3A_285, %dma_start3A_286] : memref<16x32xf32, #tpu.memory_space<vmem>> -> memref<1x32xf32, #tpu.memory_space<vmem>>
    %dma_start3A_288 = arith.constant 0 : i32
    %dma_start3A_289 = tpu.memref_slice %arg4[%squeeze3A_279, %dma_start3A_288] : memref<1000000x32xf32, #tpu.memory_space<hbm>> -> memref<1x32xf32, #tpu.memory_space<hbm>>
    tpu.enqueue_dma source(%dma_start3A_289 : memref<1x32xf32, #tpu.memory_space<hbm>>) target(%dma_start3A_287 : memref<1x32xf32, #tpu.memory_space<vmem>>) target_semaphore(%arg15 : memref<!tpu.dma_semaphore, #tpu.memory_space<semaphore_mem>>)
    %slice3A_290 = vector.extract_strided_slice %get3A_16 {offsets = [11], sizes = [1], strides = [1]} : vector<16xi32> to vector<1xi32>
    %squeeze3A_291 = vector.extract %slice3A_290[0] : i32 from vector<1xi32>
    %dma_start3A_292 = arith.constant 11 : i32
    %dma_start3A_293 = arith.constant 0 : i32
    %dma_start3A_294 = tpu.memref_slice %arg10[%dma_start3A_292, %dma_start3A_293] : memref<16x32xf32, #tpu.memory_space<vmem>> -> memref<1x32xf32, #tpu.memory_space<vmem>>
    %dma_start3A_295 = arith.constant 0 : i32
    %dma_start3A_296 = tpu.memref_slice %arg4[%squeeze3A_291, %dma_start3A_295] : memref<1000000x32xf32, #tpu.memory_space<hbm>> -> memref<1x32xf32, #tpu.memory_space<hbm>>
    %dma_start3A_297 = arith.constant 11 : i32
    %dma_start3A_298 = arith.constant 0 : i32
    %dma_start3A_299 = tpu.memref_slice %arg10[%dma_start3A_297, %dma_start3A_298] : memref<16x32xf32, #tpu.memory_space<vmem>> -> memref<1x32xf32, #tpu.memory_space<vmem>>
    %dma_start3A_300 = arith.constant 0 : i32
    %dma_start3A_301 = tpu.memref_slice %arg4[%squeeze3A_291, %dma_start3A_300] : memref<1000000x32xf32, #tpu.memory_space<hbm>> -> memref<1x32xf32, #tpu.memory_space<hbm>>
    tpu.enqueue_dma source(%dma_start3A_301 : memref<1x32xf32, #tpu.memory_space<hbm>>) target(%dma_start3A_299 : memref<1x32xf32, #tpu.memory_space<vmem>>) target_semaphore(%arg15 : memref<!tpu.dma_semaphore, #tpu.memory_space<semaphore_mem>>)
    %slice3A_302 = vector.extract_strided_slice %get3A_12 {offsets = [12], sizes = [1], strides = [1]} : vector<16xi32> to vector<1xi32>
    %squeeze3A_303 = vector.extract %slice3A_302[0] : i32 from vector<1xi32>
    %dma_start3A_304 = arith.constant 12 : i32
    %dma_start3A_305 = arith.constant 0 : i32
    %dma_start3A_306 = tpu.memref_slice %arg8[%dma_start3A_304, %dma_start3A_305] : memref<16x32xf32, #tpu.memory_space<vmem>> -> memref<1x32xf32, #tpu.memory_space<vmem>>
    %dma_start3A_307 = arith.constant 0 : i32
    %dma_start3A_308 = tpu.memref_slice %arg4[%squeeze3A_303, %dma_start3A_307] : memref<1000000x32xf32, #tpu.memory_space<hbm>> -> memref<1x32xf32, #tpu.memory_space<hbm>>
    %dma_start3A_309 = arith.constant 12 : i32
    %dma_start3A_310 = arith.constant 0 : i32
    %dma_start3A_311 = tpu.memref_slice %arg8[%dma_start3A_309, %dma_start3A_310] : memref<16x32xf32, #tpu.memory_space<vmem>> -> memref<1x32xf32, #tpu.memory_space<vmem>>
    %dma_start3A_312 = arith.constant 0 : i32
    %dma_start3A_313 = tpu.memref_slice %arg4[%squeeze3A_303, %dma_start3A_312] : memref<1000000x32xf32, #tpu.memory_space<hbm>> -> memref<1x32xf32, #tpu.memory_space<hbm>>
    tpu.enqueue_dma source(%dma_start3A_313 : memref<1x32xf32, #tpu.memory_space<hbm>>) target(%dma_start3A_311 : memref<1x32xf32, #tpu.memory_space<vmem>>) target_semaphore(%arg15 : memref<!tpu.dma_semaphore, #tpu.memory_space<semaphore_mem>>)
    %slice3A_314 = vector.extract_strided_slice %get3A_16 {offsets = [12], sizes = [1], strides = [1]} : vector<16xi32> to vector<1xi32>
    %squeeze3A_315 = vector.extract %slice3A_314[0] : i32 from vector<1xi32>
    %dma_start3A_316 = arith.constant 12 : i32
    %dma_start3A_317 = arith.constant 0 : i32
    %dma_start3A_318 = tpu.memref_slice %arg10[%dma_start3A_316, %dma_start3A_317] : memref<16x32xf32, #tpu.memory_space<vmem>> -> memref<1x32xf32, #tpu.memory_space<vmem>>
    %dma_start3A_319 = arith.constant 0 : i32
    %dma_start3A_320 = tpu.memref_slice %arg4[%squeeze3A_315, %dma_start3A_319] : memref<1000000x32xf32, #tpu.memory_space<hbm>> -> memref<1x32xf32, #tpu.memory_space<hbm>>
    %dma_start3A_321 = arith.constant 12 : i32
    %dma_start3A_322 = arith.constant 0 : i32
    %dma_start3A_323 = tpu.memref_slice %arg10[%dma_start3A_321, %dma_start3A_322] : memref<16x32xf32, #tpu.memory_space<vmem>> -> memref<1x32xf32, #tpu.memory_space<vmem>>
    %dma_start3A_324 = arith.constant 0 : i32
    %dma_start3A_325 = tpu.memref_slice %arg4[%squeeze3A_315, %dma_start3A_324] : memref<1000000x32xf32, #tpu.memory_space<hbm>> -> memref<1x32xf32, #tpu.memory_space<hbm>>
    tpu.enqueue_dma source(%dma_start3A_325 : memref<1x32xf32, #tpu.memory_space<hbm>>) target(%dma_start3A_323 : memref<1x32xf32, #tpu.memory_space<vmem>>) target_semaphore(%arg15 : memref<!tpu.dma_semaphore, #tpu.memory_space<semaphore_mem>>)
    %slice3A_326 = vector.extract_strided_slice %get3A_12 {offsets = [13], sizes = [1], strides = [1]} : vector<16xi32> to vector<1xi32>
    %squeeze3A_327 = vector.extract %slice3A_326[0] : i32 from vector<1xi32>
    %dma_start3A_328 = arith.constant 13 : i32
    %dma_start3A_329 = arith.constant 0 : i32
    %dma_start3A_330 = tpu.memref_slice %arg8[%dma_start3A_328, %dma_start3A_329] : memref<16x32xf32, #tpu.memory_space<vmem>> -> memref<1x32xf32, #tpu.memory_space<vmem>>
    %dma_start3A_331 = arith.constant 0 : i32
    %dma_start3A_332 = tpu.memref_slice %arg4[%squeeze3A_327, %dma_start3A_331] : memref<1000000x32xf32, #tpu.memory_space<hbm>> -> memref<1x32xf32, #tpu.memory_space<hbm>>
    %dma_start3A_333 = arith.constant 13 : i32
    %dma_start3A_334 = arith.constant 0 : i32
    %dma_start3A_335 = tpu.memref_slice %arg8[%dma_start3A_333, %dma_start3A_334] : memref<16x32xf32, #tpu.memory_space<vmem>> -> memref<1x32xf32, #tpu.memory_space<vmem>>
    %dma_start3A_336 = arith.constant 0 : i32
    %dma_start3A_337 = tpu.memref_slice %arg4[%squeeze3A_327, %dma_start3A_336] : memref<1000000x32xf32, #tpu.memory_space<hbm>> -> memref<1x32xf32, #tpu.memory_space<hbm>>
    tpu.enqueue_dma source(%dma_start3A_337 : memref<1x32xf32, #tpu.memory_space<hbm>>) target(%dma_start3A_335 : memref<1x32xf32, #tpu.memory_space<vmem>>) target_semaphore(%arg15 : memref<!tpu.dma_semaphore, #tpu.memory_space<semaphore_mem>>)
    %slice3A_338 = vector.extract_strided_slice %get3A_16 {offsets = [13], sizes = [1], strides = [1]} : vector<16xi32> to vector<1xi32>
    %squeeze3A_339 = vector.extract %slice3A_338[0] : i32 from vector<1xi32>
    %dma_start3A_340 = arith.constant 13 : i32
    %dma_start3A_341 = arith.constant 0 : i32
    %dma_start3A_342 = tpu.memref_slice %arg10[%dma_start3A_340, %dma_start3A_341] : memref<16x32xf32, #tpu.memory_space<vmem>> -> memref<1x32xf32, #tpu.memory_space<vmem>>
    %dma_start3A_343 = arith.constant 0 : i32
    %dma_start3A_344 = tpu.memref_slice %arg4[%squeeze3A_339, %dma_start3A_343] : memref<1000000x32xf32, #tpu.memory_space<hbm>> -> memref<1x32xf32, #tpu.memory_space<hbm>>
    %dma_start3A_345 = arith.constant 13 : i32
    %dma_start3A_346 = arith.constant 0 : i32
    %dma_start3A_347 = tpu.memref_slice %arg10[%dma_start3A_345, %dma_start3A_346] : memref<16x32xf32, #tpu.memory_space<vmem>> -> memref<1x32xf32, #tpu.memory_space<vmem>>
    %dma_start3A_348 = arith.constant 0 : i32
    %dma_start3A_349 = tpu.memref_slice %arg4[%squeeze3A_339, %dma_start3A_348] : memref<1000000x32xf32, #tpu.memory_space<hbm>> -> memref<1x32xf32, #tpu.memory_space<hbm>>
    tpu.enqueue_dma source(%dma_start3A_349 : memref<1x32xf32, #tpu.memory_space<hbm>>) target(%dma_start3A_347 : memref<1x32xf32, #tpu.memory_space<vmem>>) target_semaphore(%arg15 : memref<!tpu.dma_semaphore, #tpu.memory_space<semaphore_mem>>)
    %slice3A_350 = vector.extract_strided_slice %get3A_12 {offsets = [14], sizes = [1], strides = [1]} : vector<16xi32> to vector<1xi32>
    %squeeze3A_351 = vector.extract %slice3A_350[0] : i32 from vector<1xi32>
    %dma_start3A_352 = arith.constant 14 : i32
    %dma_start3A_353 = arith.constant 0 : i32
    %dma_start3A_354 = tpu.memref_slice %arg8[%dma_start3A_352, %dma_start3A_353] : memref<16x32xf32, #tpu.memory_space<vmem>> -> memref<1x32xf32, #tpu.memory_space<vmem>>
    %dma_start3A_355 = arith.constant 0 : i32
    %dma_start3A_356 = tpu.memref_slice %arg4[%squeeze3A_351, %dma_start3A_355] : memref<1000000x32xf32, #tpu.memory_space<hbm>> -> memref<1x32xf32, #tpu.memory_space<hbm>>
    %dma_start3A_357 = arith.constant 14 : i32
    %dma_start3A_358 = arith.constant 0 : i32
    %dma_start3A_359 = tpu.memref_slice %arg8[%dma_start3A_357, %dma_start3A_358] : memref<16x32xf32, #tpu.memory_space<vmem>> -> memref<1x32xf32, #tpu.memory_space<vmem>>
    %dma_start3A_360 = arith.constant 0 : i32
    %dma_start3A_361 = tpu.memref_slice %arg4[%squeeze3A_351, %dma_start3A_360] : memref<1000000x32xf32, #tpu.memory_space<hbm>> -> memref<1x32xf32, #tpu.memory_space<hbm>>
    tpu.enqueue_dma source(%dma_start3A_361 : memref<1x32xf32, #tpu.memory_space<hbm>>) target(%dma_start3A_359 : memref<1x32xf32, #tpu.memory_space<vmem>>) target_semaphore(%arg15 : memref<!tpu.dma_semaphore, #tpu.memory_space<semaphore_mem>>)
    %slice3A_362 = vector.extract_strided_slice %get3A_16 {offsets = [14], sizes = [1], strides = [1]} : vector<16xi32> to vector<1xi32>
    %squeeze3A_363 = vector.extract %slice3A_362[0] : i32 from vector<1xi32>
    %dma_start3A_364 = arith.constant 14 : i32
    %dma_start3A_365 = arith.constant 0 : i32
    %dma_start3A_366 = tpu.memref_slice %arg10[%dma_start3A_364, %dma_start3A_365] : memref<16x32xf32, #tpu.memory_space<vmem>> -> memref<1x32xf32, #tpu.memory_space<vmem>>
    %dma_start3A_367 = arith.constant 0 : i32
    %dma_start3A_368 = tpu.memref_slice %arg4[%squeeze3A_363, %dma_start3A_367] : memref<1000000x32xf32, #tpu.memory_space<hbm>> -> memref<1x32xf32, #tpu.memory_space<hbm>>
    %dma_start3A_369 = arith.constant 14 : i32
    %dma_start3A_370 = arith.constant 0 : i32
    %dma_start3A_371 = tpu.memref_slice %arg10[%dma_start3A_369, %dma_start3A_370] : memref<16x32xf32, #tpu.memory_space<vmem>> -> memref<1x32xf32, #tpu.memory_space<vmem>>
    %dma_start3A_372 = arith.constant 0 : i32
    %dma_start3A_373 = tpu.memref_slice %arg4[%squeeze3A_363, %dma_start3A_372] : memref<1000000x32xf32, #tpu.memory_space<hbm>> -> memref<1x32xf32, #tpu.memory_space<hbm>>
    tpu.enqueue_dma source(%dma_start3A_373 : memref<1x32xf32, #tpu.memory_space<hbm>>) target(%dma_start3A_371 : memref<1x32xf32, #tpu.memory_space<vmem>>) target_semaphore(%arg15 : memref<!tpu.dma_semaphore, #tpu.memory_space<semaphore_mem>>)
    %slice3A_374 = vector.extract_strided_slice %get3A_12 {offsets = [15], sizes = [1], strides = [1]} : vector<16xi32> to vector<1xi32>
    %squeeze3A_375 = vector.extract %slice3A_374[0] : i32 from vector<1xi32>
    %dma_start3A_376 = arith.constant 15 : i32
    %dma_start3A_377 = arith.constant 0 : i32
    %dma_start3A_378 = tpu.memref_slice %arg8[%dma_start3A_376, %dma_start3A_377] : memref<16x32xf32, #tpu.memory_space<vmem>> -> memref<1x32xf32, #tpu.memory_space<vmem>>
    %dma_start3A_379 = arith.constant 0 : i32
    %dma_start3A_380 = tpu.memref_slice %arg4[%squeeze3A_375, %dma_start3A_379] : memref<1000000x32xf32, #tpu.memory_space<hbm>> -> memref<1x32xf32, #tpu.memory_space<hbm>>
    %dma_start3A_381 = arith.constant 15 : i32
    %dma_start3A_382 = arith.constant 0 : i32
    %dma_start3A_383 = tpu.memref_slice %arg8[%dma_start3A_381, %dma_start3A_382] : memref<16x32xf32, #tpu.memory_space<vmem>> -> memref<1x32xf32, #tpu.memory_space<vmem>>
    %dma_start3A_384 = arith.constant 0 : i32
    %dma_start3A_385 = tpu.memref_slice %arg4[%squeeze3A_375, %dma_start3A_384] : memref<1000000x32xf32, #tpu.memory_space<hbm>> -> memref<1x32xf32, #tpu.memory_space<hbm>>
    tpu.enqueue_dma source(%dma_start3A_385 : memref<1x32xf32, #tpu.memory_space<hbm>>) target(%dma_start3A_383 : memref<1x32xf32, #tpu.memory_space<vmem>>) target_semaphore(%arg15 : memref<!tpu.dma_semaphore, #tpu.memory_space<semaphore_mem>>)
    %slice3A_386 = vector.extract_strided_slice %get3A_16 {offsets = [15], sizes = [1], strides = [1]} : vector<16xi32> to vector<1xi32>
    %squeeze3A_387 = vector.extract %slice3A_386[0] : i32 from vector<1xi32>
    %dma_start3A_388 = arith.constant 15 : i32
    %dma_start3A_389 = arith.constant 0 : i32
    %dma_start3A_390 = tpu.memref_slice %arg10[%dma_start3A_388, %dma_start3A_389] : memref<16x32xf32, #tpu.memory_space<vmem>> -> memref<1x32xf32, #tpu.memory_space<vmem>>
    %dma_start3A_391 = arith.constant 0 : i32
    %dma_start3A_392 = tpu.memref_slice %arg4[%squeeze3A_387, %dma_start3A_391] : memref<1000000x32xf32, #tpu.memory_space<hbm>> -> memref<1x32xf32, #tpu.memory_space<hbm>>
    %dma_start3A_393 = arith.constant 15 : i32
    %dma_start3A_394 = arith.constant 0 : i32
    %dma_start3A_395 = tpu.memref_slice %arg10[%dma_start3A_393, %dma_start3A_394] : memref<16x32xf32, #tpu.memory_space<vmem>> -> memref<1x32xf32, #tpu.memory_space<vmem>>
    %dma_start3A_396 = arith.constant 0 : i32
    %dma_start3A_397 = tpu.memref_slice %arg4[%squeeze3A_387, %dma_start3A_396] : memref<1000000x32xf32, #tpu.memory_space<hbm>> -> memref<1x32xf32, #tpu.memory_space<hbm>>
    tpu.enqueue_dma source(%dma_start3A_397 : memref<1x32xf32, #tpu.memory_space<hbm>>) target(%dma_start3A_395 : memref<1x32xf32, #tpu.memory_space<vmem>>) target_semaphore(%arg15 : memref<!tpu.dma_semaphore, #tpu.memory_space<semaphore_mem>>)
    %scan3A = arith.constant 0 : i32
    %scan3A_398 = arith.constant 0 : i32
    %scan3A_399 = arith.constant 16 : i32
    %scan3A_400 = arith.addi %scan3A_398, %scan3A_399 : i32
    %scan3A_401 = arith.constant 1 : i32
    scf.for %scan3A_403 = %scan3A_398 to %scan3A_400 step %scan3A_401  : i32 {
      %mul3A_404 = arith.constant 2 : i32
      %mul3A_405 = arith.muli %mul3A_404, %scan3A_403 : i32
      %add3A_406 = arith.constant 0 : i32
      %add3A_407 = arith.addi %mul3A_405, %add3A_406 : i32
      %add3A_408 = arith.constant 1 : i32
      %add3A_409 = arith.addi %add3A_407, %add3A_408 : i32
      %lt3A = arith.constant 32 : i32
      %lt3A_410 = arith.cmpi slt, %add3A_409, %lt3A : i32
      %convert_element_type3A = arith.extui %lt3A_410 : i1 to i32
      %cond3A = arith.constant 0 : i32
      %cond3A_411 = arith.cmpi ne, %convert_element_type3A, %cond3A : i32
      scf.if %cond3A_411 {
        %add3A_1369 = arith.constant 1 : i32
        %add3A_1370 = arith.addi %add3A_407, %add3A_1369 : i32
        %mul3A_1371 = arith.constant 16 : i32
        %mul3A_1372 = arith.muli %add3A_1370, %mul3A_1371 : i32
        %get3A_1373 = arith.constant 0 : i32
        %get3A_1374 = arith.index_cast %get3A_1373 : i32 to index
        %get3A_1375 = arith.index_cast %mul3A_1372 : i32 to index
        %get3A_1376 = tpu.vector_load %arg7[%get3A_1374, %get3A_1375] {strides = array<i32>} : memref<2x512xi32, #tpu.memory_space<vmem>>, vector<16xi32>,
        %mul3A_1377 = arith.constant 16 : i32
        %mul3A_1378 = arith.muli %add3A_1370, %mul3A_1377 : i32
        %get3A_1379 = arith.constant 1 : i32
        %get3A_1380 = arith.index_cast %get3A_1379 : i32 to index
        %get3A_1381 = arith.index_cast %mul3A_1378 : i32 to index
        %get3A_1382 = tpu.vector_load %arg7[%get3A_1380, %get3A_1381] {strides = array<i32>} : memref<2x512xi32, #tpu.memory_space<vmem>>, vector<16xi32>,
        %slice3A_1383 = vector.extract_strided_slice %get3A_1376 {offsets = [0], sizes = [1], strides = [1]} : vector<16xi32> to vector<1xi32>
        %squeeze3A_1384 = vector.extract %slice3A_1383[0] : i32 from vector<1xi32>
        %dma_start3A_1385 = arith.constant 0 : i32
        %dma_start3A_1386 = arith.constant 0 : i32
        %dma_start3A_1387 = tpu.memref_slice %arg9[%dma_start3A_1385, %dma_start3A_1386] : memref<16x32xf32, #tpu.memory_space<vmem>> -> memref<1x32xf32, #tpu.memory_space<vmem>>
        %dma_start3A_1388 = arith.constant 0 : i32
        %dma_start3A_1389 = tpu.memref_slice %arg4[%squeeze3A_1384, %dma_start3A_1388] : memref<1000000x32xf32, #tpu.memory_space<hbm>> -> memref<1x32xf32, #tpu.memory_space<hbm>>
        %dma_start3A_1390 = arith.constant 0 : i32
        %dma_start3A_1391 = arith.constant 0 : i32
        %dma_start3A_1392 = tpu.memref_slice %arg9[%dma_start3A_1390, %dma_start3A_1391] : memref<16x32xf32, #tpu.memory_space<vmem>> -> memref<1x32xf32, #tpu.memory_space<vmem>>
        %dma_start3A_1393 = arith.constant 0 : i32
        %dma_start3A_1394 = tpu.memref_slice %arg4[%squeeze3A_1384, %dma_start3A_1393] : memref<1000000x32xf32, #tpu.memory_space<hbm>> -> memref<1x32xf32, #tpu.memory_space<hbm>>
        tpu.enqueue_dma source(%dma_start3A_1394 : memref<1x32xf32, #tpu.memory_space<hbm>>) target(%dma_start3A_1392 : memref<1x32xf32, #tpu.memory_space<vmem>>) target_semaphore(%arg16 : memref<!tpu.dma_semaphore, #tpu.memory_space<semaphore_mem>>)
        %slice3A_1395 = vector.extract_strided_slice %get3A_1382 {offsets = [0], sizes = [1], strides = [1]} : vector<16xi32> to vector<1xi32>
        %squeeze3A_1396 = vector.extract %slice3A_1395[0] : i32 from vector<1xi32>
        %dma_start3A_1397 = arith.constant 0 : i32
        %dma_start3A_1398 = arith.constant 0 : i32
        %dma_start3A_1399 = tpu.memref_slice %arg11[%dma_start3A_1397, %dma_start3A_1398] : memref<16x32xf32, #tpu.memory_space<vmem>> -> memref<1x32xf32, #tpu.memory_space<vmem>>
        %dma_start3A_1400 = arith.constant 0 : i32
        %dma_start3A_1401 = tpu.memref_slice %arg4[%squeeze3A_1396, %dma_start3A_1400] : memref<1000000x32xf32, #tpu.memory_space<hbm>> -> memref<1x32xf32, #tpu.memory_space<hbm>>
        %dma_start3A_1402 = arith.constant 0 : i32
        %dma_start3A_1403 = arith.constant 0 : i32
        %dma_start3A_1404 = tpu.memref_slice %arg11[%dma_start3A_1402, %dma_start3A_1403] : memref<16x32xf32, #tpu.memory_space<vmem>> -> memref<1x32xf32, #tpu.memory_space<vmem>>
        %dma_start3A_1405 = arith.constant 0 : i32
        %dma_start3A_1406 = tpu.memref_slice %arg4[%squeeze3A_1396, %dma_start3A_1405] : memref<1000000x32xf32, #tpu.memory_space<hbm>> -> memref<1x32xf32, #tpu.memory_space<hbm>>
        tpu.enqueue_dma source(%dma_start3A_1406 : memref<1x32xf32, #tpu.memory_space<hbm>>) target(%dma_start3A_1404 : memref<1x32xf32, #tpu.memory_space<vmem>>) target_semaphore(%arg16 : memref<!tpu.dma_semaphore, #tpu.memory_space<semaphore_mem>>)
        %slice3A_1407 = vector.extract_strided_slice %get3A_1376 {offsets = [1], sizes = [1], strides = [1]} : vector<16xi32> to vector<1xi32>
        %squeeze3A_1408 = vector.extract %slice3A_1407[0] : i32 from vector<1xi32>
        %dma_start3A_1409 = arith.constant 1 : i32
        %dma_start3A_1410 = arith.constant 0 : i32
        %dma_start3A_1411 = tpu.memref_slice %arg9[%dma_start3A_1409, %dma_start3A_1410] : memref<16x32xf32, #tpu.memory_space<vmem>> -> memref<1x32xf32, #tpu.memory_space<vmem>>
        %dma_start3A_1412 = arith.constant 0 : i32
        %dma_start3A_1413 = tpu.memref_slice %arg4[%squeeze3A_1408, %dma_start3A_1412] : memref<1000000x32xf32, #tpu.memory_space<hbm>> -> memref<1x32xf32, #tpu.memory_space<hbm>>
        %dma_start3A_1414 = arith.constant 1 : i32
        %dma_start3A_1415 = arith.constant 0 : i32
        %dma_start3A_1416 = tpu.memref_slice %arg9[%dma_start3A_1414, %dma_start3A_1415] : memref<16x32xf32, #tpu.memory_space<vmem>> -> memref<1x32xf32, #tpu.memory_space<vmem>>
        %dma_start3A_1417 = arith.constant 0 : i32
        %dma_start3A_1418 = tpu.memref_slice %arg4[%squeeze3A_1408, %dma_start3A_1417] : memref<1000000x32xf32, #tpu.memory_space<hbm>> -> memref<1x32xf32, #tpu.memory_space<hbm>>
        tpu.enqueue_dma source(%dma_start3A_1418 : memref<1x32xf32, #tpu.memory_space<hbm>>) target(%dma_start3A_1416 : memref<1x32xf32, #tpu.memory_space<vmem>>) target_semaphore(%arg16 : memref<!tpu.dma_semaphore, #tpu.memory_space<semaphore_mem>>)
        %slice3A_1419 = vector.extract_strided_slice %get3A_1382 {offsets = [1], sizes = [1], strides = [1]} : vector<16xi32> to vector<1xi32>
        %squeeze3A_1420 = vector.extract %slice3A_1419[0] : i32 from vector<1xi32>
        %dma_start3A_1421 = arith.constant 1 : i32
        %dma_start3A_1422 = arith.constant 0 : i32
        %dma_start3A_1423 = tpu.memref_slice %arg11[%dma_start3A_1421, %dma_start3A_1422] : memref<16x32xf32, #tpu.memory_space<vmem>> -> memref<1x32xf32, #tpu.memory_space<vmem>>
        %dma_start3A_1424 = arith.constant 0 : i32
        %dma_start3A_1425 = tpu.memref_slice %arg4[%squeeze3A_1420, %dma_start3A_1424] : memref<1000000x32xf32, #tpu.memory_space<hbm>> -> memref<1x32xf32, #tpu.memory_space<hbm>>
        %dma_start3A_1426 = arith.constant 1 : i32
        %dma_start3A_1427 = arith.constant 0 : i32
        %dma_start3A_1428 = tpu.memref_slice %arg11[%dma_start3A_1426, %dma_start3A_1427] : memref<16x32xf32, #tpu.memory_space<vmem>> -> memref<1x32xf32, #tpu.memory_space<vmem>>
        %dma_start3A_1429 = arith.constant 0 : i32
        %dma_start3A_1430 = tpu.memref_slice %arg4[%squeeze3A_1420, %dma_start3A_1429] : memref<1000000x32xf32, #tpu.memory_space<hbm>> -> memref<1x32xf32, #tpu.memory_space<hbm>>
        tpu.enqueue_dma source(%dma_start3A_1430 : memref<1x32xf32, #tpu.memory_space<hbm>>) target(%dma_start3A_1428 : memref<1x32xf32, #tpu.memory_space<vmem>>) target_semaphore(%arg16 : memref<!tpu.dma_semaphore, #tpu.memory_space<semaphore_mem>>)
        %slice3A_1431 = vector.extract_strided_slice %get3A_1376 {offsets = [2], sizes = [1], strides = [1]} : vector<16xi32> to vector<1xi32>
        %squeeze3A_1432 = vector.extract %slice3A_1431[0] : i32 from vector<1xi32>
        %dma_start3A_1433 = arith.constant 2 : i32
        %dma_start3A_1434 = arith.constant 0 : i32
        %dma_start3A_1435 = tpu.memref_slice %arg9[%dma_start3A_1433, %dma_start3A_1434] : memref<16x32xf32, #tpu.memory_space<vmem>> -> memref<1x32xf32, #tpu.memory_space<vmem>>
        %dma_start3A_1436 = arith.constant 0 : i32
        %dma_start3A_1437 = tpu.memref_slice %arg4[%squeeze3A_1432, %dma_start3A_1436] : memref<1000000x32xf32, #tpu.memory_space<hbm>> -> memref<1x32xf32, #tpu.memory_space<hbm>>
        %dma_start3A_1438 = arith.constant 2 : i32
        %dma_start3A_1439 = arith.constant 0 : i32
        %dma_start3A_1440 = tpu.memref_slice %arg9[%dma_start3A_1438, %dma_start3A_1439] : memref<16x32xf32, #tpu.memory_space<vmem>> -> memref<1x32xf32, #tpu.memory_space<vmem>>
        %dma_start3A_1441 = arith.constant 0 : i32
        %dma_start3A_1442 = tpu.memref_slice %arg4[%squeeze3A_1432, %dma_start3A_1441] : memref<1000000x32xf32, #tpu.memory_space<hbm>> -> memref<1x32xf32, #tpu.memory_space<hbm>>
        tpu.enqueue_dma source(%dma_start3A_1442 : memref<1x32xf32, #tpu.memory_space<hbm>>) target(%dma_start3A_1440 : memref<1x32xf32, #tpu.memory_space<vmem>>) target_semaphore(%arg16 : memref<!tpu.dma_semaphore, #tpu.memory_space<semaphore_mem>>)
        %slice3A_1443 = vector.extract_strided_slice %get3A_1382 {offsets = [2], sizes = [1], strides = [1]} : vector<16xi32> to vector<1xi32>
        %squeeze3A_1444 = vector.extract %slice3A_1443[0] : i32 from vector<1xi32>
        %dma_start3A_1445 = arith.constant 2 : i32
        %dma_start3A_1446 = arith.constant 0 : i32
        %dma_start3A_1447 = tpu.memref_slice %arg11[%dma_start3A_1445, %dma_start3A_1446] : memref<16x32xf32, #tpu.memory_space<vmem>> -> memref<1x32xf32, #tpu.memory_space<vmem>>
        %dma_start3A_1448 = arith.constant 0 : i32
        %dma_start3A_1449 = tpu.memref_slice %arg4[%squeeze3A_1444, %dma_start3A_1448] : memref<1000000x32xf32, #tpu.memory_space<hbm>> -> memref<1x32xf32, #tpu.memory_space<hbm>>
        %dma_start3A_1450 = arith.constant 2 : i32
        %dma_start3A_1451 = arith.constant 0 : i32
        %dma_start3A_1452 = tpu.memref_slice %arg11[%dma_start3A_1450, %dma_start3A_1451] : memref<16x32xf32, #tpu.memory_space<vmem>> -> memref<1x32xf32, #tpu.memory_space<vmem>>
        %dma_start3A_1453 = arith.constant 0 : i32
        %dma_start3A_1454 = tpu.memref_slice %arg4[%squeeze3A_1444, %dma_start3A_1453] : memref<1000000x32xf32, #tpu.memory_space<hbm>> -> memref<1x32xf32, #tpu.memory_space<hbm>>
        tpu.enqueue_dma source(%dma_start3A_1454 : memref<1x32xf32, #tpu.memory_space<hbm>>) target(%dma_start3A_1452 : memref<1x32xf32, #tpu.memory_space<vmem>>) target_semaphore(%arg16 : memref<!tpu.dma_semaphore, #tpu.memory_space<semaphore_mem>>)
        %slice3A_1455 = vector.extract_strided_slice %get3A_1376 {offsets = [3], sizes = [1], strides = [1]} : vector<16xi32> to vector<1xi32>
        %squeeze3A_1456 = vector.extract %slice3A_1455[0] : i32 from vector<1xi32>
        %dma_start3A_1457 = arith.constant 3 : i32
        %dma_start3A_1458 = arith.constant 0 : i32
        %dma_start3A_1459 = tpu.memref_slice %arg9[%dma_start3A_1457, %dma_start3A_1458] : memref<16x32xf32, #tpu.memory_space<vmem>> -> memref<1x32xf32, #tpu.memory_space<vmem>>
        %dma_start3A_1460 = arith.constant 0 : i32
        %dma_start3A_1461 = tpu.memref_slice %arg4[%squeeze3A_1456, %dma_start3A_1460] : memref<1000000x32xf32, #tpu.memory_space<hbm>> -> memref<1x32xf32, #tpu.memory_space<hbm>>
        %dma_start3A_1462 = arith.constant 3 : i32
        %dma_start3A_1463 = arith.constant 0 : i32
        %dma_start3A_1464 = tpu.memref_slice %arg9[%dma_start3A_1462, %dma_start3A_1463] : memref<16x32xf32, #tpu.memory_space<vmem>> -> memref<1x32xf32, #tpu.memory_space<vmem>>
        %dma_start3A_1465 = arith.constant 0 : i32
        %dma_start3A_1466 = tpu.memref_slice %arg4[%squeeze3A_1456, %dma_start3A_1465] : memref<1000000x32xf32, #tpu.memory_space<hbm>> -> memref<1x32xf32, #tpu.memory_space<hbm>>
        tpu.enqueue_dma source(%dma_start3A_1466 : memref<1x32xf32, #tpu.memory_space<hbm>>) target(%dma_start3A_1464 : memref<1x32xf32, #tpu.memory_space<vmem>>) target_semaphore(%arg16 : memref<!tpu.dma_semaphore, #tpu.memory_space<semaphore_mem>>)
        %slice3A_1467 = vector.extract_strided_slice %get3A_1382 {offsets = [3], sizes = [1], strides = [1]} : vector<16xi32> to vector<1xi32>
        %squeeze3A_1468 = vector.extract %slice3A_1467[0] : i32 from vector<1xi32>
        %dma_start3A_1469 = arith.constant 3 : i32
        %dma_start3A_1470 = arith.constant 0 : i32
        %dma_start3A_1471 = tpu.memref_slice %arg11[%dma_start3A_1469, %dma_start3A_1470] : memref<16x32xf32, #tpu.memory_space<vmem>> -> memref<1x32xf32, #tpu.memory_space<vmem>>
        %dma_start3A_1472 = arith.constant 0 : i32
        %dma_start3A_1473 = tpu.memref_slice %arg4[%squeeze3A_1468, %dma_start3A_1472] : memref<1000000x32xf32, #tpu.memory_space<hbm>> -> memref<1x32xf32, #tpu.memory_space<hbm>>
        %dma_start3A_1474 = arith.constant 3 : i32
        %dma_start3A_1475 = arith.constant 0 : i32
        %dma_start3A_1476 = tpu.memref_slice %arg11[%dma_start3A_1474, %dma_start3A_1475] : memref<16x32xf32, #tpu.memory_space<vmem>> -> memref<1x32xf32, #tpu.memory_space<vmem>>
        %dma_start3A_1477 = arith.constant 0 : i32
        %dma_start3A_1478 = tpu.memref_slice %arg4[%squeeze3A_1468, %dma_start3A_1477] : memref<1000000x32xf32, #tpu.memory_space<hbm>> -> memref<1x32xf32, #tpu.memory_space<hbm>>
        tpu.enqueue_dma source(%dma_start3A_1478 : memref<1x32xf32, #tpu.memory_space<hbm>>) target(%dma_start3A_1476 : memref<1x32xf32, #tpu.memory_space<vmem>>) target_semaphore(%arg16 : memref<!tpu.dma_semaphore, #tpu.memory_space<semaphore_mem>>)
        %slice3A_1479 = vector.extract_strided_slice %get3A_1376 {offsets = [4], sizes = [1], strides = [1]} : vector<16xi32> to vector<1xi32>
        %squeeze3A_1480 = vector.extract %slice3A_1479[0] : i32 from vector<1xi32>
        %dma_start3A_1481 = arith.constant 4 : i32
        %dma_start3A_1482 = arith.constant 0 : i32
        %dma_start3A_1483 = tpu.memref_slice %arg9[%dma_start3A_1481, %dma_start3A_1482] : memref<16x32xf32, #tpu.memory_space<vmem>> -> memref<1x32xf32, #tpu.memory_space<vmem>>
        %dma_start3A_1484 = arith.constant 0 : i32
        %dma_start3A_1485 = tpu.memref_slice %arg4[%squeeze3A_1480, %dma_start3A_1484] : memref<1000000x32xf32, #tpu.memory_space<hbm>> -> memref<1x32xf32, #tpu.memory_space<hbm>>
        %dma_start3A_1486 = arith.constant 4 : i32
        %dma_start3A_1487 = arith.constant 0 : i32
        %dma_start3A_1488 = tpu.memref_slice %arg9[%dma_start3A_1486, %dma_start3A_1487] : memref<16x32xf32, #tpu.memory_space<vmem>> -> memref<1x32xf32, #tpu.memory_space<vmem>>
        %dma_start3A_1489 = arith.constant 0 : i32
        %dma_start3A_1490 = tpu.memref_slice %arg4[%squeeze3A_1480, %dma_start3A_1489] : memref<1000000x32xf32, #tpu.memory_space<hbm>> -> memref<1x32xf32, #tpu.memory_space<hbm>>
        tpu.enqueue_dma source(%dma_start3A_1490 : memref<1x32xf32, #tpu.memory_space<hbm>>) target(%dma_start3A_1488 : memref<1x32xf32, #tpu.memory_space<vmem>>) target_semaphore(%arg16 : memref<!tpu.dma_semaphore, #tpu.memory_space<semaphore_mem>>)
        %slice3A_1491 = vector.extract_strided_slice %get3A_1382 {offsets = [4], sizes = [1], strides = [1]} : vector<16xi32> to vector<1xi32>
        %squeeze3A_1492 = vector.extract %slice3A_1491[0] : i32 from vector<1xi32>
        %dma_start3A_1493 = arith.constant 4 : i32
        %dma_start3A_1494 = arith.constant 0 : i32
        %dma_start3A_1495 = tpu.memref_slice %arg11[%dma_start3A_1493, %dma_start3A_1494] : memref<16x32xf32, #tpu.memory_space<vmem>> -> memref<1x32xf32, #tpu.memory_space<vmem>>
        %dma_start3A_1496 = arith.constant 0 : i32
        %dma_start3A_1497 = tpu.memref_slice %arg4[%squeeze3A_1492, %dma_start3A_1496] : memref<1000000x32xf32, #tpu.memory_space<hbm>> -> memref<1x32xf32, #tpu.memory_space<hbm>>
        %dma_start3A_1498 = arith.constant 4 : i32
        %dma_start3A_1499 = arith.constant 0 : i32
        %dma_start3A_1500 = tpu.memref_slice %arg11[%dma_start3A_1498, %dma_start3A_1499] : memref<16x32xf32, #tpu.memory_space<vmem>> -> memref<1x32xf32, #tpu.memory_space<vmem>>
        %dma_start3A_1501 = arith.constant 0 : i32
        %dma_start3A_1502 = tpu.memref_slice %arg4[%squeeze3A_1492, %dma_start3A_1501] : memref<1000000x32xf32, #tpu.memory_space<hbm>> -> memref<1x32xf32, #tpu.memory_space<hbm>>
        tpu.enqueue_dma source(%dma_start3A_1502 : memref<1x32xf32, #tpu.memory_space<hbm>>) target(%dma_start3A_1500 : memref<1x32xf32, #tpu.memory_space<vmem>>) target_semaphore(%arg16 : memref<!tpu.dma_semaphore, #tpu.memory_space<semaphore_mem>>)
        %slice3A_1503 = vector.extract_strided_slice %get3A_1376 {offsets = [5], sizes = [1], strides = [1]} : vector<16xi32> to vector<1xi32>
        %squeeze3A_1504 = vector.extract %slice3A_1503[0] : i32 from vector<1xi32>
        %dma_start3A_1505 = arith.constant 5 : i32
        %dma_start3A_1506 = arith.constant 0 : i32
        %dma_start3A_1507 = tpu.memref_slice %arg9[%dma_start3A_1505, %dma_start3A_1506] : memref<16x32xf32, #tpu.memory_space<vmem>> -> memref<1x32xf32, #tpu.memory_space<vmem>>
        %dma_start3A_1508 = arith.constant 0 : i32
        %dma_start3A_1509 = tpu.memref_slice %arg4[%squeeze3A_1504, %dma_start3A_1508] : memref<1000000x32xf32, #tpu.memory_space<hbm>> -> memref<1x32xf32, #tpu.memory_space<hbm>>
        %dma_start3A_1510 = arith.constant 5 : i32
        %dma_start3A_1511 = arith.constant 0 : i32
        %dma_start3A_1512 = tpu.memref_slice %arg9[%dma_start3A_1510, %dma_start3A_1511] : memref<16x32xf32, #tpu.memory_space<vmem>> -> memref<1x32xf32, #tpu.memory_space<vmem>>
        %dma_start3A_1513 = arith.constant 0 : i32
        %dma_start3A_1514 = tpu.memref_slice %arg4[%squeeze3A_1504, %dma_start3A_1513] : memref<1000000x32xf32, #tpu.memory_space<hbm>> -> memref<1x32xf32, #tpu.memory_space<hbm>>
        tpu.enqueue_dma source(%dma_start3A_1514 : memref<1x32xf32, #tpu.memory_space<hbm>>) target(%dma_start3A_1512 : memref<1x32xf32, #tpu.memory_space<vmem>>) target_semaphore(%arg16 : memref<!tpu.dma_semaphore, #tpu.memory_space<semaphore_mem>>)
        %slice3A_1515 = vector.extract_strided_slice %get3A_1382 {offsets = [5], sizes = [1], strides = [1]} : vector<16xi32> to vector<1xi32>
        %squeeze3A_1516 = vector.extract %slice3A_1515[0] : i32 from vector<1xi32>
        %dma_start3A_1517 = arith.constant 5 : i32
        %dma_start3A_1518 = arith.constant 0 : i32
        %dma_start3A_1519 = tpu.memref_slice %arg11[%dma_start3A_1517, %dma_start3A_1518] : memref<16x32xf32, #tpu.memory_space<vmem>> -> memref<1x32xf32, #tpu.memory_space<vmem>>
        %dma_start3A_1520 = arith.constant 0 : i32
        %dma_start3A_1521 = tpu.memref_slice %arg4[%squeeze3A_1516, %dma_start3A_1520] : memref<1000000x32xf32, #tpu.memory_space<hbm>> -> memref<1x32xf32, #tpu.memory_space<hbm>>
        %dma_start3A_1522 = arith.constant 5 : i32
        %dma_start3A_1523 = arith.constant 0 : i32
        %dma_start3A_1524 = tpu.memref_slice %arg11[%dma_start3A_1522, %dma_start3A_1523] : memref<16x32xf32, #tpu.memory_space<vmem>> -> memref<1x32xf32, #tpu.memory_space<vmem>>
        %dma_start3A_1525 = arith.constant 0 : i32
        %dma_start3A_1526 = tpu.memref_slice %arg4[%squeeze3A_1516, %dma_start3A_1525] : memref<1000000x32xf32, #tpu.memory_space<hbm>> -> memref<1x32xf32, #tpu.memory_space<hbm>>
        tpu.enqueue_dma source(%dma_start3A_1526 : memref<1x32xf32, #tpu.memory_space<hbm>>) target(%dma_start3A_1524 : memref<1x32xf32, #tpu.memory_space<vmem>>) target_semaphore(%arg16 : memref<!tpu.dma_semaphore, #tpu.memory_space<semaphore_mem>>)
        %slice3A_1527 = vector.extract_strided_slice %get3A_1376 {offsets = [6], sizes = [1], strides = [1]} : vector<16xi32> to vector<1xi32>
        %squeeze3A_1528 = vector.extract %slice3A_1527[0] : i32 from vector<1xi32>
        %dma_start3A_1529 = arith.constant 6 : i32
        %dma_start3A_1530 = arith.constant 0 : i32
        %dma_start3A_1531 = tpu.memref_slice %arg9[%dma_start3A_1529, %dma_start3A_1530] : memref<16x32xf32, #tpu.memory_space<vmem>> -> memref<1x32xf32, #tpu.memory_space<vmem>>
        %dma_start3A_1532 = arith.constant 0 : i32
        %dma_start3A_1533 = tpu.memref_slice %arg4[%squeeze3A_1528, %dma_start3A_1532] : memref<1000000x32xf32, #tpu.memory_space<hbm>> -> memref<1x32xf32, #tpu.memory_space<hbm>>
        %dma_start3A_1534 = arith.constant 6 : i32
        %dma_start3A_1535 = arith.constant 0 : i32
        %dma_start3A_1536 = tpu.memref_slice %arg9[%dma_start3A_1534, %dma_start3A_1535] : memref<16x32xf32, #tpu.memory_space<vmem>> -> memref<1x32xf32, #tpu.memory_space<vmem>>
        %dma_start3A_1537 = arith.constant 0 : i32
        %dma_start3A_1538 = tpu.memref_slice %arg4[%squeeze3A_1528, %dma_start3A_1537] : memref<1000000x32xf32, #tpu.memory_space<hbm>> -> memref<1x32xf32, #tpu.memory_space<hbm>>
        tpu.enqueue_dma source(%dma_start3A_1538 : memref<1x32xf32, #tpu.memory_space<hbm>>) target(%dma_start3A_1536 : memref<1x32xf32, #tpu.memory_space<vmem>>) target_semaphore(%arg16 : memref<!tpu.dma_semaphore, #tpu.memory_space<semaphore_mem>>)
        %slice3A_1539 = vector.extract_strided_slice %get3A_1382 {offsets = [6], sizes = [1], strides = [1]} : vector<16xi32> to vector<1xi32>
        %squeeze3A_1540 = vector.extract %slice3A_1539[0] : i32 from vector<1xi32>
        %dma_start3A_1541 = arith.constant 6 : i32
        %dma_start3A_1542 = arith.constant 0 : i32
        %dma_start3A_1543 = tpu.memref_slice %arg11[%dma_start3A_1541, %dma_start3A_1542] : memref<16x32xf32, #tpu.memory_space<vmem>> -> memref<1x32xf32, #tpu.memory_space<vmem>>
        %dma_start3A_1544 = arith.constant 0 : i32
        %dma_start3A_1545 = tpu.memref_slice %arg4[%squeeze3A_1540, %dma_start3A_1544] : memref<1000000x32xf32, #tpu.memory_space<hbm>> -> memref<1x32xf32, #tpu.memory_space<hbm>>
        %dma_start3A_1546 = arith.constant 6 : i32
        %dma_start3A_1547 = arith.constant 0 : i32
        %dma_start3A_1548 = tpu.memref_slice %arg11[%dma_start3A_1546, %dma_start3A_1547] : memref<16x32xf32, #tpu.memory_space<vmem>> -> memref<1x32xf32, #tpu.memory_space<vmem>>
        %dma_start3A_1549 = arith.constant 0 : i32
        %dma_start3A_1550 = tpu.memref_slice %arg4[%squeeze3A_1540, %dma_start3A_1549] : memref<1000000x32xf32, #tpu.memory_space<hbm>> -> memref<1x32xf32, #tpu.memory_space<hbm>>
        tpu.enqueue_dma source(%dma_start3A_1550 : memref<1x32xf32, #tpu.memory_space<hbm>>) target(%dma_start3A_1548 : memref<1x32xf32, #tpu.memory_space<vmem>>) target_semaphore(%arg16 : memref<!tpu.dma_semaphore, #tpu.memory_space<semaphore_mem>>)
        %slice3A_1551 = vector.extract_strided_slice %get3A_1376 {offsets = [7], sizes = [1], strides = [1]} : vector<16xi32> to vector<1xi32>
        %squeeze3A_1552 = vector.extract %slice3A_1551[0] : i32 from vector<1xi32>
        %dma_start3A_1553 = arith.constant 7 : i32
        %dma_start3A_1554 = arith.constant 0 : i32
        %dma_start3A_1555 = tpu.memref_slice %arg9[%dma_start3A_1553, %dma_start3A_1554] : memref<16x32xf32, #tpu.memory_space<vmem>> -> memref<1x32xf32, #tpu.memory_space<vmem>>
        %dma_start3A_1556 = arith.constant 0 : i32
        %dma_start3A_1557 = tpu.memref_slice %arg4[%squeeze3A_1552, %dma_start3A_1556] : memref<1000000x32xf32, #tpu.memory_space<hbm>> -> memref<1x32xf32, #tpu.memory_space<hbm>>
        %dma_start3A_1558 = arith.constant 7 : i32
        %dma_start3A_1559 = arith.constant 0 : i32
        %dma_start3A_1560 = tpu.memref_slice %arg9[%dma_start3A_1558, %dma_start3A_1559] : memref<16x32xf32, #tpu.memory_space<vmem>> -> memref<1x32xf32, #tpu.memory_space<vmem>>
        %dma_start3A_1561 = arith.constant 0 : i32
        %dma_start3A_1562 = tpu.memref_slice %arg4[%squeeze3A_1552, %dma_start3A_1561] : memref<1000000x32xf32, #tpu.memory_space<hbm>> -> memref<1x32xf32, #tpu.memory_space<hbm>>
        tpu.enqueue_dma source(%dma_start3A_1562 : memref<1x32xf32, #tpu.memory_space<hbm>>) target(%dma_start3A_1560 : memref<1x32xf32, #tpu.memory_space<vmem>>) target_semaphore(%arg16 : memref<!tpu.dma_semaphore, #tpu.memory_space<semaphore_mem>>)
        %slice3A_1563 = vector.extract_strided_slice %get3A_1382 {offsets = [7], sizes = [1], strides = [1]} : vector<16xi32> to vector<1xi32>
        %squeeze3A_1564 = vector.extract %slice3A_1563[0] : i32 from vector<1xi32>
        %dma_start3A_1565 = arith.constant 7 : i32
        %dma_start3A_1566 = arith.constant 0 : i32
        %dma_start3A_1567 = tpu.memref_slice %arg11[%dma_start3A_1565, %dma_start3A_1566] : memref<16x32xf32, #tpu.memory_space<vmem>> -> memref<1x32xf32, #tpu.memory_space<vmem>>
        %dma_start3A_1568 = arith.constant 0 : i32
        %dma_start3A_1569 = tpu.memref_slice %arg4[%squeeze3A_1564, %dma_start3A_1568] : memref<1000000x32xf32, #tpu.memory_space<hbm>> -> memref<1x32xf32, #tpu.memory_space<hbm>>
        %dma_start3A_1570 = arith.constant 7 : i32
        %dma_start3A_1571 = arith.constant 0 : i32
        %dma_start3A_1572 = tpu.memref_slice %arg11[%dma_start3A_1570, %dma_start3A_1571] : memref<16x32xf32, #tpu.memory_space<vmem>> -> memref<1x32xf32, #tpu.memory_space<vmem>>
        %dma_start3A_1573 = arith.constant 0 : i32
        %dma_start3A_1574 = tpu.memref_slice %arg4[%squeeze3A_1564, %dma_start3A_1573] : memref<1000000x32xf32, #tpu.memory_space<hbm>> -> memref<1x32xf32, #tpu.memory_space<hbm>>
        tpu.enqueue_dma source(%dma_start3A_1574 : memref<1x32xf32, #tpu.memory_space<hbm>>) target(%dma_start3A_1572 : memref<1x32xf32, #tpu.memory_space<vmem>>) target_semaphore(%arg16 : memref<!tpu.dma_semaphore, #tpu.memory_space<semaphore_mem>>)
        %slice3A_1575 = vector.extract_strided_slice %get3A_1376 {offsets = [8], sizes = [1], strides = [1]} : vector<16xi32> to vector<1xi32>
        %squeeze3A_1576 = vector.extract %slice3A_1575[0] : i32 from vector<1xi32>
        %dma_start3A_1577 = arith.constant 8 : i32
        %dma_start3A_1578 = arith.constant 0 : i32
        %dma_start3A_1579 = tpu.memref_slice %arg9[%dma_start3A_1577, %dma_start3A_1578] : memref<16x32xf32, #tpu.memory_space<vmem>> -> memref<1x32xf32, #tpu.memory_space<vmem>>
        %dma_start3A_1580 = arith.constant 0 : i32
        %dma_start3A_1581 = tpu.memref_slice %arg4[%squeeze3A_1576, %dma_start3A_1580] : memref<1000000x32xf32, #tpu.memory_space<hbm>> -> memref<1x32xf32, #tpu.memory_space<hbm>>
        %dma_start3A_1582 = arith.constant 8 : i32
        %dma_start3A_1583 = arith.constant 0 : i32
        %dma_start3A_1584 = tpu.memref_slice %arg9[%dma_start3A_1582, %dma_start3A_1583] : memref<16x32xf32, #tpu.memory_space<vmem>> -> memref<1x32xf32, #tpu.memory_space<vmem>>
        %dma_start3A_1585 = arith.constant 0 : i32
        %dma_start3A_1586 = tpu.memref_slice %arg4[%squeeze3A_1576, %dma_start3A_1585] : memref<1000000x32xf32, #tpu.memory_space<hbm>> -> memref<1x32xf32, #tpu.memory_space<hbm>>
        tpu.enqueue_dma source(%dma_start3A_1586 : memref<1x32xf32, #tpu.memory_space<hbm>>) target(%dma_start3A_1584 : memref<1x32xf32, #tpu.memory_space<vmem>>) target_semaphore(%arg16 : memref<!tpu.dma_semaphore, #tpu.memory_space<semaphore_mem>>)
        %slice3A_1587 = vector.extract_strided_slice %get3A_1382 {offsets = [8], sizes = [1], strides = [1]} : vector<16xi32> to vector<1xi32>
        %squeeze3A_1588 = vector.extract %slice3A_1587[0] : i32 from vector<1xi32>
        %dma_start3A_1589 = arith.constant 8 : i32
        %dma_start3A_1590 = arith.constant 0 : i32
        %dma_start3A_1591 = tpu.memref_slice %arg11[%dma_start3A_1589, %dma_start3A_1590] : memref<16x32xf32, #tpu.memory_space<vmem>> -> memref<1x32xf32, #tpu.memory_space<vmem>>
        %dma_start3A_1592 = arith.constant 0 : i32
        %dma_start3A_1593 = tpu.memref_slice %arg4[%squeeze3A_1588, %dma_start3A_1592] : memref<1000000x32xf32, #tpu.memory_space<hbm>> -> memref<1x32xf32, #tpu.memory_space<hbm>>
        %dma_start3A_1594 = arith.constant 8 : i32
        %dma_start3A_1595 = arith.constant 0 : i32
        %dma_start3A_1596 = tpu.memref_slice %arg11[%dma_start3A_1594, %dma_start3A_1595] : memref<16x32xf32, #tpu.memory_space<vmem>> -> memref<1x32xf32, #tpu.memory_space<vmem>>
        %dma_start3A_1597 = arith.constant 0 : i32
        %dma_start3A_1598 = tpu.memref_slice %arg4[%squeeze3A_1588, %dma_start3A_1597] : memref<1000000x32xf32, #tpu.memory_space<hbm>> -> memref<1x32xf32, #tpu.memory_space<hbm>>
        tpu.enqueue_dma source(%dma_start3A_1598 : memref<1x32xf32, #tpu.memory_space<hbm>>) target(%dma_start3A_1596 : memref<1x32xf32, #tpu.memory_space<vmem>>) target_semaphore(%arg16 : memref<!tpu.dma_semaphore, #tpu.memory_space<semaphore_mem>>)
        %slice3A_1599 = vector.extract_strided_slice %get3A_1376 {offsets = [9], sizes = [1], strides = [1]} : vector<16xi32> to vector<1xi32>
        %squeeze3A_1600 = vector.extract %slice3A_1599[0] : i32 from vector<1xi32>
        %dma_start3A_1601 = arith.constant 9 : i32
        %dma_start3A_1602 = arith.constant 0 : i32
        %dma_start3A_1603 = tpu.memref_slice %arg9[%dma_start3A_1601, %dma_start3A_1602] : memref<16x32xf32, #tpu.memory_space<vmem>> -> memref<1x32xf32, #tpu.memory_space<vmem>>
        %dma_start3A_1604 = arith.constant 0 : i32
        %dma_start3A_1605 = tpu.memref_slice %arg4[%squeeze3A_1600, %dma_start3A_1604] : memref<1000000x32xf32, #tpu.memory_space<hbm>> -> memref<1x32xf32, #tpu.memory_space<hbm>>
        %dma_start3A_1606 = arith.constant 9 : i32
        %dma_start3A_1607 = arith.constant 0 : i32
        %dma_start3A_1608 = tpu.memref_slice %arg9[%dma_start3A_1606, %dma_start3A_1607] : memref<16x32xf32, #tpu.memory_space<vmem>> -> memref<1x32xf32, #tpu.memory_space<vmem>>
        %dma_start3A_1609 = arith.constant 0 : i32
        %dma_start3A_1610 = tpu.memref_slice %arg4[%squeeze3A_1600, %dma_start3A_1609] : memref<1000000x32xf32, #tpu.memory_space<hbm>> -> memref<1x32xf32, #tpu.memory_space<hbm>>
        tpu.enqueue_dma source(%dma_start3A_1610 : memref<1x32xf32, #tpu.memory_space<hbm>>) target(%dma_start3A_1608 : memref<1x32xf32, #tpu.memory_space<vmem>>) target_semaphore(%arg16 : memref<!tpu.dma_semaphore, #tpu.memory_space<semaphore_mem>>)
        %slice3A_1611 = vector.extract_strided_slice %get3A_1382 {offsets = [9], sizes = [1], strides = [1]} : vector<16xi32> to vector<1xi32>
        %squeeze3A_1612 = vector.extract %slice3A_1611[0] : i32 from vector<1xi32>
        %dma_start3A_1613 = arith.constant 9 : i32
        %dma_start3A_1614 = arith.constant 0 : i32
        %dma_start3A_1615 = tpu.memref_slice %arg11[%dma_start3A_1613, %dma_start3A_1614] : memref<16x32xf32, #tpu.memory_space<vmem>> -> memref<1x32xf32, #tpu.memory_space<vmem>>
        %dma_start3A_1616 = arith.constant 0 : i32
        %dma_start3A_1617 = tpu.memref_slice %arg4[%squeeze3A_1612, %dma_start3A_1616] : memref<1000000x32xf32, #tpu.memory_space<hbm>> -> memref<1x32xf32, #tpu.memory_space<hbm>>
        %dma_start3A_1618 = arith.constant 9 : i32
        %dma_start3A_1619 = arith.constant 0 : i32
        %dma_start3A_1620 = tpu.memref_slice %arg11[%dma_start3A_1618, %dma_start3A_1619] : memref<16x32xf32, #tpu.memory_space<vmem>> -> memref<1x32xf32, #tpu.memory_space<vmem>>
        %dma_start3A_1621 = arith.constant 0 : i32
        %dma_start3A_1622 = tpu.memref_slice %arg4[%squeeze3A_1612, %dma_start3A_1621] : memref<1000000x32xf32, #tpu.memory_space<hbm>> -> memref<1x32xf32, #tpu.memory_space<hbm>>
        tpu.enqueue_dma source(%dma_start3A_1622 : memref<1x32xf32, #tpu.memory_space<hbm>>) target(%dma_start3A_1620 : memref<1x32xf32, #tpu.memory_space<vmem>>) target_semaphore(%arg16 : memref<!tpu.dma_semaphore, #tpu.memory_space<semaphore_mem>>)
        %slice3A_1623 = vector.extract_strided_slice %get3A_1376 {offsets = [10], sizes = [1], strides = [1]} : vector<16xi32> to vector<1xi32>
        %squeeze3A_1624 = vector.extract %slice3A_1623[0] : i32 from vector<1xi32>
        %dma_start3A_1625 = arith.constant 10 : i32
        %dma_start3A_1626 = arith.constant 0 : i32
        %dma_start3A_1627 = tpu.memref_slice %arg9[%dma_start3A_1625, %dma_start3A_1626] : memref<16x32xf32, #tpu.memory_space<vmem>> -> memref<1x32xf32, #tpu.memory_space<vmem>>
        %dma_start3A_1628 = arith.constant 0 : i32
        %dma_start3A_1629 = tpu.memref_slice %arg4[%squeeze3A_1624, %dma_start3A_1628] : memref<1000000x32xf32, #tpu.memory_space<hbm>> -> memref<1x32xf32, #tpu.memory_space<hbm>>
        %dma_start3A_1630 = arith.constant 10 : i32
        %dma_start3A_1631 = arith.constant 0 : i32
        %dma_start3A_1632 = tpu.memref_slice %arg9[%dma_start3A_1630, %dma_start3A_1631] : memref<16x32xf32, #tpu.memory_space<vmem>> -> memref<1x32xf32, #tpu.memory_space<vmem>>
        %dma_start3A_1633 = arith.constant 0 : i32
        %dma_start3A_1634 = tpu.memref_slice %arg4[%squeeze3A_1624, %dma_start3A_1633] : memref<1000000x32xf32, #tpu.memory_space<hbm>> -> memref<1x32xf32, #tpu.memory_space<hbm>>
        tpu.enqueue_dma source(%dma_start3A_1634 : memref<1x32xf32, #tpu.memory_space<hbm>>) target(%dma_start3A_1632 : memref<1x32xf32, #tpu.memory_space<vmem>>) target_semaphore(%arg16 : memref<!tpu.dma_semaphore, #tpu.memory_space<semaphore_mem>>)
        %slice3A_1635 = vector.extract_strided_slice %get3A_1382 {offsets = [10], sizes = [1], strides = [1]} : vector<16xi32> to vector<1xi32>
        %squeeze3A_1636 = vector.extract %slice3A_1635[0] : i32 from vector<1xi32>
        %dma_start3A_1637 = arith.constant 10 : i32
        %dma_start3A_1638 = arith.constant 0 : i32
        %dma_start3A_1639 = tpu.memref_slice %arg11[%dma_start3A_1637, %dma_start3A_1638] : memref<16x32xf32, #tpu.memory_space<vmem>> -> memref<1x32xf32, #tpu.memory_space<vmem>>
        %dma_start3A_1640 = arith.constant 0 : i32
        %dma_start3A_1641 = tpu.memref_slice %arg4[%squeeze3A_1636, %dma_start3A_1640] : memref<1000000x32xf32, #tpu.memory_space<hbm>> -> memref<1x32xf32, #tpu.memory_space<hbm>>
        %dma_start3A_1642 = arith.constant 10 : i32
        %dma_start3A_1643 = arith.constant 0 : i32
        %dma_start3A_1644 = tpu.memref_slice %arg11[%dma_start3A_1642, %dma_start3A_1643] : memref<16x32xf32, #tpu.memory_space<vmem>> -> memref<1x32xf32, #tpu.memory_space<vmem>>
        %dma_start3A_1645 = arith.constant 0 : i32
        %dma_start3A_1646 = tpu.memref_slice %arg4[%squeeze3A_1636, %dma_start3A_1645] : memref<1000000x32xf32, #tpu.memory_space<hbm>> -> memref<1x32xf32, #tpu.memory_space<hbm>>
        tpu.enqueue_dma source(%dma_start3A_1646 : memref<1x32xf32, #tpu.memory_space<hbm>>) target(%dma_start3A_1644 : memref<1x32xf32, #tpu.memory_space<vmem>>) target_semaphore(%arg16 : memref<!tpu.dma_semaphore, #tpu.memory_space<semaphore_mem>>)
        %slice3A_1647 = vector.extract_strided_slice %get3A_1376 {offsets = [11], sizes = [1], strides = [1]} : vector<16xi32> to vector<1xi32>
        %squeeze3A_1648 = vector.extract %slice3A_1647[0] : i32 from vector<1xi32>
        %dma_start3A_1649 = arith.constant 11 : i32
        %dma_start3A_1650 = arith.constant 0 : i32
        %dma_start3A_1651 = tpu.memref_slice %arg9[%dma_start3A_1649, %dma_start3A_1650] : memref<16x32xf32, #tpu.memory_space<vmem>> -> memref<1x32xf32, #tpu.memory_space<vmem>>
        %dma_start3A_1652 = arith.constant 0 : i32
        %dma_start3A_1653 = tpu.memref_slice %arg4[%squeeze3A_1648, %dma_start3A_1652] : memref<1000000x32xf32, #tpu.memory_space<hbm>> -> memref<1x32xf32, #tpu.memory_space<hbm>>
        %dma_start3A_1654 = arith.constant 11 : i32
        %dma_start3A_1655 = arith.constant 0 : i32
        %dma_start3A_1656 = tpu.memref_slice %arg9[%dma_start3A_1654, %dma_start3A_1655] : memref<16x32xf32, #tpu.memory_space<vmem>> -> memref<1x32xf32, #tpu.memory_space<vmem>>
        %dma_start3A_1657 = arith.constant 0 : i32
        %dma_start3A_1658 = tpu.memref_slice %arg4[%squeeze3A_1648, %dma_start3A_1657] : memref<1000000x32xf32, #tpu.memory_space<hbm>> -> memref<1x32xf32, #tpu.memory_space<hbm>>
        tpu.enqueue_dma source(%dma_start3A_1658 : memref<1x32xf32, #tpu.memory_space<hbm>>) target(%dma_start3A_1656 : memref<1x32xf32, #tpu.memory_space<vmem>>) target_semaphore(%arg16 : memref<!tpu.dma_semaphore, #tpu.memory_space<semaphore_mem>>)
        %slice3A_1659 = vector.extract_strided_slice %get3A_1382 {offsets = [11], sizes = [1], strides = [1]} : vector<16xi32> to vector<1xi32>
        %squeeze3A_1660 = vector.extract %slice3A_1659[0] : i32 from vector<1xi32>
        %dma_start3A_1661 = arith.constant 11 : i32
        %dma_start3A_1662 = arith.constant 0 : i32
        %dma_start3A_1663 = tpu.memref_slice %arg11[%dma_start3A_1661, %dma_start3A_1662] : memref<16x32xf32, #tpu.memory_space<vmem>> -> memref<1x32xf32, #tpu.memory_space<vmem>>
        %dma_start3A_1664 = arith.constant 0 : i32
        %dma_start3A_1665 = tpu.memref_slice %arg4[%squeeze3A_1660, %dma_start3A_1664] : memref<1000000x32xf32, #tpu.memory_space<hbm>> -> memref<1x32xf32, #tpu.memory_space<hbm>>
        %dma_start3A_1666 = arith.constant 11 : i32
        %dma_start3A_1667 = arith.constant 0 : i32
        %dma_start3A_1668 = tpu.memref_slice %arg11[%dma_start3A_1666, %dma_start3A_1667] : memref<16x32xf32, #tpu.memory_space<vmem>> -> memref<1x32xf32, #tpu.memory_space<vmem>>
        %dma_start3A_1669 = arith.constant 0 : i32
        %dma_start3A_1670 = tpu.memref_slice %arg4[%squeeze3A_1660, %dma_start3A_1669] : memref<1000000x32xf32, #tpu.memory_space<hbm>> -> memref<1x32xf32, #tpu.memory_space<hbm>>
        tpu.enqueue_dma source(%dma_start3A_1670 : memref<1x32xf32, #tpu.memory_space<hbm>>) target(%dma_start3A_1668 : memref<1x32xf32, #tpu.memory_space<vmem>>) target_semaphore(%arg16 : memref<!tpu.dma_semaphore, #tpu.memory_space<semaphore_mem>>)
        %slice3A_1671 = vector.extract_strided_slice %get3A_1376 {offsets = [12], sizes = [1], strides = [1]} : vector<16xi32> to vector<1xi32>
        %squeeze3A_1672 = vector.extract %slice3A_1671[0] : i32 from vector<1xi32>
        %dma_start3A_1673 = arith.constant 12 : i32
        %dma_start3A_1674 = arith.constant 0 : i32
        %dma_start3A_1675 = tpu.memref_slice %arg9[%dma_start3A_1673, %dma_start3A_1674] : memref<16x32xf32, #tpu.memory_space<vmem>> -> memref<1x32xf32, #tpu.memory_space<vmem>>
        %dma_start3A_1676 = arith.constant 0 : i32
        %dma_start3A_1677 = tpu.memref_slice %arg4[%squeeze3A_1672, %dma_start3A_1676] : memref<1000000x32xf32, #tpu.memory_space<hbm>> -> memref<1x32xf32, #tpu.memory_space<hbm>>
        %dma_start3A_1678 = arith.constant 12 : i32
        %dma_start3A_1679 = arith.constant 0 : i32
        %dma_start3A_1680 = tpu.memref_slice %arg9[%dma_start3A_1678, %dma_start3A_1679] : memref<16x32xf32, #tpu.memory_space<vmem>> -> memref<1x32xf32, #tpu.memory_space<vmem>>
        %dma_start3A_1681 = arith.constant 0 : i32
        %dma_start3A_1682 = tpu.memref_slice %arg4[%squeeze3A_1672, %dma_start3A_1681] : memref<1000000x32xf32, #tpu.memory_space<hbm>> -> memref<1x32xf32, #tpu.memory_space<hbm>>
        tpu.enqueue_dma source(%dma_start3A_1682 : memref<1x32xf32, #tpu.memory_space<hbm>>) target(%dma_start3A_1680 : memref<1x32xf32, #tpu.memory_space<vmem>>) target_semaphore(%arg16 : memref<!tpu.dma_semaphore, #tpu.memory_space<semaphore_mem>>)
        %slice3A_1683 = vector.extract_strided_slice %get3A_1382 {offsets = [12], sizes = [1], strides = [1]} : vector<16xi32> to vector<1xi32>
        %squeeze3A_1684 = vector.extract %slice3A_1683[0] : i32 from vector<1xi32>
        %dma_start3A_1685 = arith.constant 12 : i32
        %dma_start3A_1686 = arith.constant 0 : i32
        %dma_start3A_1687 = tpu.memref_slice %arg11[%dma_start3A_1685, %dma_start3A_1686] : memref<16x32xf32, #tpu.memory_space<vmem>> -> memref<1x32xf32, #tpu.memory_space<vmem>>
        %dma_start3A_1688 = arith.constant 0 : i32
        %dma_start3A_1689 = tpu.memref_slice %arg4[%squeeze3A_1684, %dma_start3A_1688] : memref<1000000x32xf32, #tpu.memory_space<hbm>> -> memref<1x32xf32, #tpu.memory_space<hbm>>
        %dma_start3A_1690 = arith.constant 12 : i32
        %dma_start3A_1691 = arith.constant 0 : i32
        %dma_start3A_1692 = tpu.memref_slice %arg11[%dma_start3A_1690, %dma_start3A_1691] : memref<16x32xf32, #tpu.memory_space<vmem>> -> memref<1x32xf32, #tpu.memory_space<vmem>>
        %dma_start3A_1693 = arith.constant 0 : i32
        %dma_start3A_1694 = tpu.memref_slice %arg4[%squeeze3A_1684, %dma_start3A_1693] : memref<1000000x32xf32, #tpu.memory_space<hbm>> -> memref<1x32xf32, #tpu.memory_space<hbm>>
        tpu.enqueue_dma source(%dma_start3A_1694 : memref<1x32xf32, #tpu.memory_space<hbm>>) target(%dma_start3A_1692 : memref<1x32xf32, #tpu.memory_space<vmem>>) target_semaphore(%arg16 : memref<!tpu.dma_semaphore, #tpu.memory_space<semaphore_mem>>)
        %slice3A_1695 = vector.extract_strided_slice %get3A_1376 {offsets = [13], sizes = [1], strides = [1]} : vector<16xi32> to vector<1xi32>
        %squeeze3A_1696 = vector.extract %slice3A_1695[0] : i32 from vector<1xi32>
        %dma_start3A_1697 = arith.constant 13 : i32
        %dma_start3A_1698 = arith.constant 0 : i32
        %dma_start3A_1699 = tpu.memref_slice %arg9[%dma_start3A_1697, %dma_start3A_1698] : memref<16x32xf32, #tpu.memory_space<vmem>> -> memref<1x32xf32, #tpu.memory_space<vmem>>
        %dma_start3A_1700 = arith.constant 0 : i32
        %dma_start3A_1701 = tpu.memref_slice %arg4[%squeeze3A_1696, %dma_start3A_1700] : memref<1000000x32xf32, #tpu.memory_space<hbm>> -> memref<1x32xf32, #tpu.memory_space<hbm>>
        %dma_start3A_1702 = arith.constant 13 : i32
        %dma_start3A_1703 = arith.constant 0 : i32
        %dma_start3A_1704 = tpu.memref_slice %arg9[%dma_start3A_1702, %dma_start3A_1703] : memref<16x32xf32, #tpu.memory_space<vmem>> -> memref<1x32xf32, #tpu.memory_space<vmem>>
        %dma_start3A_1705 = arith.constant 0 : i32
        %dma_start3A_1706 = tpu.memref_slice %arg4[%squeeze3A_1696, %dma_start3A_1705] : memref<1000000x32xf32, #tpu.memory_space<hbm>> -> memref<1x32xf32, #tpu.memory_space<hbm>>
        tpu.enqueue_dma source(%dma_start3A_1706 : memref<1x32xf32, #tpu.memory_space<hbm>>) target(%dma_start3A_1704 : memref<1x32xf32, #tpu.memory_space<vmem>>) target_semaphore(%arg16 : memref<!tpu.dma_semaphore, #tpu.memory_space<semaphore_mem>>)
        %slice3A_1707 = vector.extract_strided_slice %get3A_1382 {offsets = [13], sizes = [1], strides = [1]} : vector<16xi32> to vector<1xi32>
        %squeeze3A_1708 = vector.extract %slice3A_1707[0] : i32 from vector<1xi32>
        %dma_start3A_1709 = arith.constant 13 : i32
        %dma_start3A_1710 = arith.constant 0 : i32
        %dma_start3A_1711 = tpu.memref_slice %arg11[%dma_start3A_1709, %dma_start3A_1710] : memref<16x32xf32, #tpu.memory_space<vmem>> -> memref<1x32xf32, #tpu.memory_space<vmem>>
        %dma_start3A_1712 = arith.constant 0 : i32
        %dma_start3A_1713 = tpu.memref_slice %arg4[%squeeze3A_1708, %dma_start3A_1712] : memref<1000000x32xf32, #tpu.memory_space<hbm>> -> memref<1x32xf32, #tpu.memory_space<hbm>>
        %dma_start3A_1714 = arith.constant 13 : i32
        %dma_start3A_1715 = arith.constant 0 : i32
        %dma_start3A_1716 = tpu.memref_slice %arg11[%dma_start3A_1714, %dma_start3A_1715] : memref<16x32xf32, #tpu.memory_space<vmem>> -> memref<1x32xf32, #tpu.memory_space<vmem>>
        %dma_start3A_1717 = arith.constant 0 : i32
        %dma_start3A_1718 = tpu.memref_slice %arg4[%squeeze3A_1708, %dma_start3A_1717] : memref<1000000x32xf32, #tpu.memory_space<hbm>> -> memref<1x32xf32, #tpu.memory_space<hbm>>
        tpu.enqueue_dma source(%dma_start3A_1718 : memref<1x32xf32, #tpu.memory_space<hbm>>) target(%dma_start3A_1716 : memref<1x32xf32, #tpu.memory_space<vmem>>) target_semaphore(%arg16 : memref<!tpu.dma_semaphore, #tpu.memory_space<semaphore_mem>>)
        %slice3A_1719 = vector.extract_strided_slice %get3A_1376 {offsets = [14], sizes = [1], strides = [1]} : vector<16xi32> to vector<1xi32>
        %squeeze3A_1720 = vector.extract %slice3A_1719[0] : i32 from vector<1xi32>
        %dma_start3A_1721 = arith.constant 14 : i32
        %dma_start3A_1722 = arith.constant 0 : i32
        %dma_start3A_1723 = tpu.memref_slice %arg9[%dma_start3A_1721, %dma_start3A_1722] : memref<16x32xf32, #tpu.memory_space<vmem>> -> memref<1x32xf32, #tpu.memory_space<vmem>>
        %dma_start3A_1724 = arith.constant 0 : i32
        %dma_start3A_1725 = tpu.memref_slice %arg4[%squeeze3A_1720, %dma_start3A_1724] : memref<1000000x32xf32, #tpu.memory_space<hbm>> -> memref<1x32xf32, #tpu.memory_space<hbm>>
        %dma_start3A_1726 = arith.constant 14 : i32
        %dma_start3A_1727 = arith.constant 0 : i32
        %dma_start3A_1728 = tpu.memref_slice %arg9[%dma_start3A_1726, %dma_start3A_1727] : memref<16x32xf32, #tpu.memory_space<vmem>> -> memref<1x32xf32, #tpu.memory_space<vmem>>
        %dma_start3A_1729 = arith.constant 0 : i32
        %dma_start3A_1730 = tpu.memref_slice %arg4[%squeeze3A_1720, %dma_start3A_1729] : memref<1000000x32xf32, #tpu.memory_space<hbm>> -> memref<1x32xf32, #tpu.memory_space<hbm>>
        tpu.enqueue_dma source(%dma_start3A_1730 : memref<1x32xf32, #tpu.memory_space<hbm>>) target(%dma_start3A_1728 : memref<1x32xf32, #tpu.memory_space<vmem>>) target_semaphore(%arg16 : memref<!tpu.dma_semaphore, #tpu.memory_space<semaphore_mem>>)
        %slice3A_1731 = vector.extract_strided_slice %get3A_1382 {offsets = [14], sizes = [1], strides = [1]} : vector<16xi32> to vector<1xi32>
        %squeeze3A_1732 = vector.extract %slice3A_1731[0] : i32 from vector<1xi32>
        %dma_start3A_1733 = arith.constant 14 : i32
        %dma_start3A_1734 = arith.constant 0 : i32
        %dma_start3A_1735 = tpu.memref_slice %arg11[%dma_start3A_1733, %dma_start3A_1734] : memref<16x32xf32, #tpu.memory_space<vmem>> -> memref<1x32xf32, #tpu.memory_space<vmem>>
        %dma_start3A_1736 = arith.constant 0 : i32
        %dma_start3A_1737 = tpu.memref_slice %arg4[%squeeze3A_1732, %dma_start3A_1736] : memref<1000000x32xf32, #tpu.memory_space<hbm>> -> memref<1x32xf32, #tpu.memory_space<hbm>>
        %dma_start3A_1738 = arith.constant 14 : i32
        %dma_start3A_1739 = arith.constant 0 : i32
        %dma_start3A_1740 = tpu.memref_slice %arg11[%dma_start3A_1738, %dma_start3A_1739] : memref<16x32xf32, #tpu.memory_space<vmem>> -> memref<1x32xf32, #tpu.memory_space<vmem>>
        %dma_start3A_1741 = arith.constant 0 : i32
        %dma_start3A_1742 = tpu.memref_slice %arg4[%squeeze3A_1732, %dma_start3A_1741] : memref<1000000x32xf32, #tpu.memory_space<hbm>> -> memref<1x32xf32, #tpu.memory_space<hbm>>
        tpu.enqueue_dma source(%dma_start3A_1742 : memref<1x32xf32, #tpu.memory_space<hbm>>) target(%dma_start3A_1740 : memref<1x32xf32, #tpu.memory_space<vmem>>) target_semaphore(%arg16 : memref<!tpu.dma_semaphore, #tpu.memory_space<semaphore_mem>>)
        %slice3A_1743 = vector.extract_strided_slice %get3A_1376 {offsets = [15], sizes = [1], strides = [1]} : vector<16xi32> to vector<1xi32>
        %squeeze3A_1744 = vector.extract %slice3A_1743[0] : i32 from vector<1xi32>
        %dma_start3A_1745 = arith.constant 15 : i32
        %dma_start3A_1746 = arith.constant 0 : i32
        %dma_start3A_1747 = tpu.memref_slice %arg9[%dma_start3A_1745, %dma_start3A_1746] : memref<16x32xf32, #tpu.memory_space<vmem>> -> memref<1x32xf32, #tpu.memory_space<vmem>>
        %dma_start3A_1748 = arith.constant 0 : i32
        %dma_start3A_1749 = tpu.memref_slice %arg4[%squeeze3A_1744, %dma_start3A_1748] : memref<1000000x32xf32, #tpu.memory_space<hbm>> -> memref<1x32xf32, #tpu.memory_space<hbm>>
        %dma_start3A_1750 = arith.constant 15 : i32
        %dma_start3A_1751 = arith.constant 0 : i32
        %dma_start3A_1752 = tpu.memref_slice %arg9[%dma_start3A_1750, %dma_start3A_1751] : memref<16x32xf32, #tpu.memory_space<vmem>> -> memref<1x32xf32, #tpu.memory_space<vmem>>
        %dma_start3A_1753 = arith.constant 0 : i32
        %dma_start3A_1754 = tpu.memref_slice %arg4[%squeeze3A_1744, %dma_start3A_1753] : memref<1000000x32xf32, #tpu.memory_space<hbm>> -> memref<1x32xf32, #tpu.memory_space<hbm>>
        tpu.enqueue_dma source(%dma_start3A_1754 : memref<1x32xf32, #tpu.memory_space<hbm>>) target(%dma_start3A_1752 : memref<1x32xf32, #tpu.memory_space<vmem>>) target_semaphore(%arg16 : memref<!tpu.dma_semaphore, #tpu.memory_space<semaphore_mem>>)
        %slice3A_1755 = vector.extract_strided_slice %get3A_1382 {offsets = [15], sizes = [1], strides = [1]} : vector<16xi32> to vector<1xi32>
        %squeeze3A_1756 = vector.extract %slice3A_1755[0] : i32 from vector<1xi32>
        %dma_start3A_1757 = arith.constant 15 : i32
        %dma_start3A_1758 = arith.constant 0 : i32
        %dma_start3A_1759 = tpu.memref_slice %arg11[%dma_start3A_1757, %dma_start3A_1758] : memref<16x32xf32, #tpu.memory_space<vmem>> -> memref<1x32xf32, #tpu.memory_space<vmem>>
        %dma_start3A_1760 = arith.constant 0 : i32
        %dma_start3A_1761 = tpu.memref_slice %arg4[%squeeze3A_1756, %dma_start3A_1760] : memref<1000000x32xf32, #tpu.memory_space<hbm>> -> memref<1x32xf32, #tpu.memory_space<hbm>>
        %dma_start3A_1762 = arith.constant 15 : i32
        %dma_start3A_1763 = arith.constant 0 : i32
        %dma_start3A_1764 = tpu.memref_slice %arg11[%dma_start3A_1762, %dma_start3A_1763] : memref<16x32xf32, #tpu.memory_space<vmem>> -> memref<1x32xf32, #tpu.memory_space<vmem>>
        %dma_start3A_1765 = arith.constant 0 : i32
        %dma_start3A_1766 = tpu.memref_slice %arg4[%squeeze3A_1756, %dma_start3A_1765] : memref<1000000x32xf32, #tpu.memory_space<hbm>> -> memref<1x32xf32, #tpu.memory_space<hbm>>
        tpu.enqueue_dma source(%dma_start3A_1766 : memref<1x32xf32, #tpu.memory_space<hbm>>) target(%dma_start3A_1764 : memref<1x32xf32, #tpu.memory_space<vmem>>) target_semaphore(%arg16 : memref<!tpu.dma_semaphore, #tpu.memory_space<semaphore_mem>>)
      } else {
      }
      %dma_wait3A = arith.constant 0 : i32
      %dma_wait3A_412 = arith.constant 0 : i32
      %dma_wait3A_413 = tpu.memref_slice %arg4[%dma_wait3A, %dma_wait3A_412] : memref<1000000x32xf32, #tpu.memory_space<hbm>> -> memref<16x32xf32, #tpu.memory_space<hbm>>
      %dma_wait3A_414 = arith.constant 0 : i32
      %dma_wait3A_415 = arith.constant 0 : i32
      %dma_wait3A_416 = tpu.memref_slice %arg4[%dma_wait3A_414, %dma_wait3A_415] : memref<1000000x32xf32, #tpu.memory_space<hbm>> -> memref<16x32xf32, #tpu.memory_space<hbm>>
      tpu.wait_dma2 semaphore(%arg15 : memref<!tpu.dma_semaphore, #tpu.memory_space<semaphore_mem>>) src(%dma_wait3A_416 : memref<16x32xf32, #tpu.memory_space<hbm>>) dst(%arg8 : memref<16x32xf32, #tpu.memory_space<vmem>>)
      %dma_wait3A_417 = arith.constant 0 : i32
      %dma_wait3A_418 = arith.constant 0 : i32
      %dma_wait3A_419 = tpu.memref_slice %arg4[%dma_wait3A_417, %dma_wait3A_418] : memref<1000000x32xf32, #tpu.memory_space<hbm>> -> memref<16x32xf32, #tpu.memory_space<hbm>>
      %dma_wait3A_420 = arith.constant 0 : i32
      %dma_wait3A_421 = arith.constant 0 : i32
      %dma_wait3A_422 = tpu.memref_slice %arg4[%dma_wait3A_420, %dma_wait3A_421] : memref<1000000x32xf32, #tpu.memory_space<hbm>> -> memref<16x32xf32, #tpu.memory_space<hbm>>
      tpu.wait_dma2 semaphore(%arg15 : memref<!tpu.dma_semaphore, #tpu.memory_space<semaphore_mem>>) src(%dma_wait3A_422 : memref<16x32xf32, #tpu.memory_space<hbm>>) dst(%arg10 : memref<16x32xf32, #tpu.memory_space<vmem>>)
      %get3A_423 = arith.constant 0 : i32
      %get3A_424 = arith.index_cast %get3A_423 : i32 to index
      %get3A_425 = arith.constant 0 : index
      %get3A_426 = tpu.vector_load %arg8[%get3A_424, %get3A_425] {strides = array<i32>} : memref<16x32xf32, #tpu.memory_space<vmem>>, vector<16xf32>,
      %get3A_427 = arith.constant 0 : i32
      %get3A_428 = arith.index_cast %get3A_427 : i32 to index
      %get3A_429 = arith.constant 16 : index
      %get3A_430 = tpu.vector_load %arg8[%get3A_428, %get3A_429] {strides = array<i32>} : memref<16x32xf32, #tpu.memory_space<vmem>>, vector<16xf32>,
      %get3A_431 = arith.constant 0 : i32
      %get3A_432 = arith.index_cast %get3A_431 : i32 to index
      %get3A_433 = arith.constant 0 : index
      %get3A_434 = tpu.vector_load %arg10[%get3A_432, %get3A_433] {strides = array<i32>} : memref<16x32xf32, #tpu.memory_space<vmem>>, vector<16xf32>,
      %get3A_435 = arith.constant 0 : i32
      %get3A_436 = arith.index_cast %get3A_435 : i32 to index
      %get3A_437 = arith.constant 16 : index
      %get3A_438 = tpu.vector_load %arg10[%get3A_436, %get3A_437] {strides = array<i32>} : memref<16x32xf32, #tpu.memory_space<vmem>>, vector<16xf32>,
      %mul3A_439 = arith.mulf %get3A_426, %get3A_434 : vector<16xf32>
      %mul3A_440 = arith.mulf %mul3A_439, %get3A_1 : vector<16xf32>
      %mul3A_441 = arith.mulf %get3A_430, %get3A_438 : vector<16xf32>
      %mul3A_442 = arith.mulf %mul3A_441, %get3A_3 : vector<16xf32>
      %add3A_443 = arith.addf %mul3A_440, %mul3A_442 : vector<16xf32>
      %swap3A = arith.constant 0 : index
      %swap3A_444 = tpu.vector_load %arg12[%swap3A] {strides = array<i32>} : memref<256xf32, #tpu.memory_space<vmem>>, vector<16xf32>,
      tpu.vector_store %arg12[%swap3A], %add3A_443 {strides = array<i32>} : memref<256xf32, #tpu.memory_space<vmem>>, vector<16xf32>,
      %get3A_445 = arith.constant 1 : i32
      %get3A_446 = arith.index_cast %get3A_445 : i32 to index
      %get3A_447 = arith.constant 0 : index
      %get3A_448 = tpu.vector_load %arg8[%get3A_446, %get3A_447] {strides = array<i32>} : memref<16x32xf32, #tpu.memory_space<vmem>>, vector<16xf32>,
      %get3A_449 = arith.constant 1 : i32
      %get3A_450 = arith.index_cast %get3A_449 : i32 to index
      %get3A_451 = arith.constant 16 : index
      %get3A_452 = tpu.vector_load %arg8[%get3A_450, %get3A_451] {strides = array<i32>} : memref<16x32xf32, #tpu.memory_space<vmem>>, vector<16xf32>,
      %get3A_453 = arith.constant 1 : i32
      %get3A_454 = arith.index_cast %get3A_453 : i32 to index
      %get3A_455 = arith.constant 0 : index
      %get3A_456 = tpu.vector_load %arg10[%get3A_454, %get3A_455] {strides = array<i32>} : memref<16x32xf32, #tpu.memory_space<vmem>>, vector<16xf32>,
      %get3A_457 = arith.constant 1 : i32
      %get3A_458 = arith.index_cast %get3A_457 : i32 to index
      %get3A_459 = arith.constant 16 : index
      %get3A_460 = tpu.vector_load %arg10[%get3A_458, %get3A_459] {strides = array<i32>} : memref<16x32xf32, #tpu.memory_space<vmem>>, vector<16xf32>,
      %mul3A_461 = arith.mulf %get3A_448, %get3A_456 : vector<16xf32>
      %mul3A_462 = arith.mulf %mul3A_461, %get3A_1 : vector<16xf32>
      %mul3A_463 = arith.mulf %get3A_452, %get3A_460 : vector<16xf32>
      %mul3A_464 = arith.mulf %mul3A_463, %get3A_3 : vector<16xf32>
      %add3A_465 = arith.addf %mul3A_462, %mul3A_464 : vector<16xf32>
      %swap3A_466 = arith.constant 16 : index
      %swap3A_467 = tpu.vector_load %arg12[%swap3A_466] {strides = array<i32>} : memref<256xf32, #tpu.memory_space<vmem>>, vector<16xf32>,
      tpu.vector_store %arg12[%swap3A_466], %add3A_465 {strides = array<i32>} : memref<256xf32, #tpu.memory_space<vmem>>, vector<16xf32>,
      %get3A_468 = arith.constant 2 : i32
      %get3A_469 = arith.index_cast %get3A_468 : i32 to index
      %get3A_470 = arith.constant 0 : index
      %get3A_471 = tpu.vector_load %arg8[%get3A_469, %get3A_470] {strides = array<i32>} : memref<16x32xf32, #tpu.memory_space<vmem>>, vector<16xf32>,
      %get3A_472 = arith.constant 2 : i32
      %get3A_473 = arith.index_cast %get3A_472 : i32 to index
      %get3A_474 = arith.constant 16 : index
      %get3A_475 = tpu.vector_load %arg8[%get3A_473, %get3A_474] {strides = array<i32>} : memref<16x32xf32, #tpu.memory_space<vmem>>, vector<16xf32>,
      %get3A_476 = arith.constant 2 : i32
      %get3A_477 = arith.index_cast %get3A_476 : i32 to index
      %get3A_478 = arith.constant 0 : index
      %get3A_479 = tpu.vector_load %arg10[%get3A_477, %get3A_478] {strides = array<i32>} : memref<16x32xf32, #tpu.memory_space<vmem>>, vector<16xf32>,
      %get3A_480 = arith.constant 2 : i32
      %get3A_481 = arith.index_cast %get3A_480 : i32 to index
      %get3A_482 = arith.constant 16 : index
      %get3A_483 = tpu.vector_load %arg10[%get3A_481, %get3A_482] {strides = array<i32>} : memref<16x32xf32, #tpu.memory_space<vmem>>, vector<16xf32>,
      %mul3A_484 = arith.mulf %get3A_471, %get3A_479 : vector<16xf32>
      %mul3A_485 = arith.mulf %mul3A_484, %get3A_1 : vector<16xf32>
      %mul3A_486 = arith.mulf %get3A_475, %get3A_483 : vector<16xf32>
      %mul3A_487 = arith.mulf %mul3A_486, %get3A_3 : vector<16xf32>
      %add3A_488 = arith.addf %mul3A_485, %mul3A_487 : vector<16xf32>
      %swap3A_489 = arith.constant 32 : index
      %swap3A_490 = tpu.vector_load %arg12[%swap3A_489] {strides = array<i32>} : memref<256xf32, #tpu.memory_space<vmem>>, vector<16xf32>,
      tpu.vector_store %arg12[%swap3A_489], %add3A_488 {strides = array<i32>} : memref<256xf32, #tpu.memory_space<vmem>>, vector<16xf32>,
      %get3A_491 = arith.constant 3 : i32
      %get3A_492 = arith.index_cast %get3A_491 : i32 to index
      %get3A_493 = arith.constant 0 : index
      %get3A_494 = tpu.vector_load %arg8[%get3A_492, %get3A_493] {strides = array<i32>} : memref<16x32xf32, #tpu.memory_space<vmem>>, vector<16xf32>,
      %get3A_495 = arith.constant 3 : i32
      %get3A_496 = arith.index_cast %get3A_495 : i32 to index
      %get3A_497 = arith.constant 16 : index
      %get3A_498 = tpu.vector_load %arg8[%get3A_496, %get3A_497] {strides = array<i32>} : memref<16x32xf32, #tpu.memory_space<vmem>>, vector<16xf32>,
      %get3A_499 = arith.constant 3 : i32
      %get3A_500 = arith.index_cast %get3A_499 : i32 to index
      %get3A_501 = arith.constant 0 : index
      %get3A_502 = tpu.vector_load %arg10[%get3A_500, %get3A_501] {strides = array<i32>} : memref<16x32xf32, #tpu.memory_space<vmem>>, vector<16xf32>,
      %get3A_503 = arith.constant 3 : i32
      %get3A_504 = arith.index_cast %get3A_503 : i32 to index
      %get3A_505 = arith.constant 16 : index
      %get3A_506 = tpu.vector_load %arg10[%get3A_504, %get3A_505] {strides = array<i32>} : memref<16x32xf32, #tpu.memory_space<vmem>>, vector<16xf32>,
      %mul3A_507 = arith.mulf %get3A_494, %get3A_502 : vector<16xf32>
      %mul3A_508 = arith.mulf %mul3A_507, %get3A_1 : vector<16xf32>
      %mul3A_509 = arith.mulf %get3A_498, %get3A_506 : vector<16xf32>
      %mul3A_510 = arith.mulf %mul3A_509, %get3A_3 : vector<16xf32>
      %add3A_511 = arith.addf %mul3A_508, %mul3A_510 : vector<16xf32>
      %swap3A_512 = arith.constant 48 : index
      %swap3A_513 = tpu.vector_load %arg12[%swap3A_512] {strides = array<i32>} : memref<256xf32, #tpu.memory_space<vmem>>, vector<16xf32>,
      tpu.vector_store %arg12[%swap3A_512], %add3A_511 {strides = array<i32>} : memref<256xf32, #tpu.memory_space<vmem>>, vector<16xf32>,
      %get3A_514 = arith.constant 4 : i32
      %get3A_515 = arith.index_cast %get3A_514 : i32 to index
      %get3A_516 = arith.constant 0 : index
      %get3A_517 = tpu.vector_load %arg8[%get3A_515, %get3A_516] {strides = array<i32>} : memref<16x32xf32, #tpu.memory_space<vmem>>, vector<16xf32>,
      %get3A_518 = arith.constant 4 : i32
      %get3A_519 = arith.index_cast %get3A_518 : i32 to index
      %get3A_520 = arith.constant 16 : index
      %get3A_521 = tpu.vector_load %arg8[%get3A_519, %get3A_520] {strides = array<i32>} : memref<16x32xf32, #tpu.memory_space<vmem>>, vector<16xf32>,
      %get3A_522 = arith.constant 4 : i32
      %get3A_523 = arith.index_cast %get3A_522 : i32 to index
      %get3A_524 = arith.constant 0 : index
      %get3A_525 = tpu.vector_load %arg10[%get3A_523, %get3A_524] {strides = array<i32>} : memref<16x32xf32, #tpu.memory_space<vmem>>, vector<16xf32>,
      %get3A_526 = arith.constant 4 : i32
      %get3A_527 = arith.index_cast %get3A_526 : i32 to index
      %get3A_528 = arith.constant 16 : index
      %get3A_529 = tpu.vector_load %arg10[%get3A_527, %get3A_528] {strides = array<i32>} : memref<16x32xf32, #tpu.memory_space<vmem>>, vector<16xf32>,
      %mul3A_530 = arith.mulf %get3A_517, %get3A_525 : vector<16xf32>
      %mul3A_531 = arith.mulf %mul3A_530, %get3A_1 : vector<16xf32>
      %mul3A_532 = arith.mulf %get3A_521, %get3A_529 : vector<16xf32>
      %mul3A_533 = arith.mulf %mul3A_532, %get3A_3 : vector<16xf32>
      %add3A_534 = arith.addf %mul3A_531, %mul3A_533 : vector<16xf32>
      %swap3A_535 = arith.constant 64 : index
      %swap3A_536 = tpu.vector_load %arg12[%swap3A_535] {strides = array<i32>} : memref<256xf32, #tpu.memory_space<vmem>>, vector<16xf32>,
      tpu.vector_store %arg12[%swap3A_535], %add3A_534 {strides = array<i32>} : memref<256xf32, #tpu.memory_space<vmem>>, vector<16xf32>,
      %get3A_537 = arith.constant 5 : i32
      %get3A_538 = arith.index_cast %get3A_537 : i32 to index
      %get3A_539 = arith.constant 0 : index
      %get3A_540 = tpu.vector_load %arg8[%get3A_538, %get3A_539] {strides = array<i32>} : memref<16x32xf32, #tpu.memory_space<vmem>>, vector<16xf32>,
      %get3A_541 = arith.constant 5 : i32
      %get3A_542 = arith.index_cast %get3A_541 : i32 to index
      %get3A_543 = arith.constant 16 : index
      %get3A_544 = tpu.vector_load %arg8[%get3A_542, %get3A_543] {strides = array<i32>} : memref<16x32xf32, #tpu.memory_space<vmem>>, vector<16xf32>,
      %get3A_545 = arith.constant 5 : i32
      %get3A_546 = arith.index_cast %get3A_545 : i32 to index
      %get3A_547 = arith.constant 0 : index
      %get3A_548 = tpu.vector_load %arg10[%get3A_546, %get3A_547] {strides = array<i32>} : memref<16x32xf32, #tpu.memory_space<vmem>>, vector<16xf32>,
      %get3A_549 = arith.constant 5 : i32
      %get3A_550 = arith.index_cast %get3A_549 : i32 to index
      %get3A_551 = arith.constant 16 : index
      %get3A_552 = tpu.vector_load %arg10[%get3A_550, %get3A_551] {strides = array<i32>} : memref<16x32xf32, #tpu.memory_space<vmem>>, vector<16xf32>,
      %mul3A_553 = arith.mulf %get3A_540, %get3A_548 : vector<16xf32>
      %mul3A_554 = arith.mulf %mul3A_553, %get3A_1 : vector<16xf32>
      %mul3A_555 = arith.mulf %get3A_544, %get3A_552 : vector<16xf32>
      %mul3A_556 = arith.mulf %mul3A_555, %get3A_3 : vector<16xf32>
      %add3A_557 = arith.addf %mul3A_554, %mul3A_556 : vector<16xf32>
      %swap3A_558 = arith.constant 80 : index
      %swap3A_559 = tpu.vector_load %arg12[%swap3A_558] {strides = array<i32>} : memref<256xf32, #tpu.memory_space<vmem>>, vector<16xf32>,
      tpu.vector_store %arg12[%swap3A_558], %add3A_557 {strides = array<i32>} : memref<256xf32, #tpu.memory_space<vmem>>, vector<16xf32>,
      %get3A_560 = arith.constant 6 : i32
      %get3A_561 = arith.index_cast %get3A_560 : i32 to index
      %get3A_562 = arith.constant 0 : index
      %get3A_563 = tpu.vector_load %arg8[%get3A_561, %get3A_562] {strides = array<i32>} : memref<16x32xf32, #tpu.memory_space<vmem>>, vector<16xf32>,
      %get3A_564 = arith.constant 6 : i32
      %get3A_565 = arith.index_cast %get3A_564 : i32 to index
      %get3A_566 = arith.constant 16 : index
      %get3A_567 = tpu.vector_load %arg8[%get3A_565, %get3A_566] {strides = array<i32>} : memref<16x32xf32, #tpu.memory_space<vmem>>, vector<16xf32>,
      %get3A_568 = arith.constant 6 : i32
      %get3A_569 = arith.index_cast %get3A_568 : i32 to index
      %get3A_570 = arith.constant 0 : index
      %get3A_571 = tpu.vector_load %arg10[%get3A_569, %get3A_570] {strides = array<i32>} : memref<16x32xf32, #tpu.memory_space<vmem>>, vector<16xf32>,
      %get3A_572 = arith.constant 6 : i32
      %get3A_573 = arith.index_cast %get3A_572 : i32 to index
      %get3A_574 = arith.constant 16 : index
      %get3A_575 = tpu.vector_load %arg10[%get3A_573, %get3A_574] {strides = array<i32>} : memref<16x32xf32, #tpu.memory_space<vmem>>, vector<16xf32>,
      %mul3A_576 = arith.mulf %get3A_563, %get3A_571 : vector<16xf32>
      %mul3A_577 = arith.mulf %mul3A_576, %get3A_1 : vector<16xf32>
      %mul3A_578 = arith.mulf %get3A_567, %get3A_575 : vector<16xf32>
      %mul3A_579 = arith.mulf %mul3A_578, %get3A_3 : vector<16xf32>
      %add3A_580 = arith.addf %mul3A_577, %mul3A_579 : vector<16xf32>
      %swap3A_581 = arith.constant 96 : index
      %swap3A_582 = tpu.vector_load %arg12[%swap3A_581] {strides = array<i32>} : memref<256xf32, #tpu.memory_space<vmem>>, vector<16xf32>,
      tpu.vector_store %arg12[%swap3A_581], %add3A_580 {strides = array<i32>} : memref<256xf32, #tpu.memory_space<vmem>>, vector<16xf32>,
      %get3A_583 = arith.constant 7 : i32
      %get3A_584 = arith.index_cast %get3A_583 : i32 to index
      %get3A_585 = arith.constant 0 : index
      %get3A_586 = tpu.vector_load %arg8[%get3A_584, %get3A_585] {strides = array<i32>} : memref<16x32xf32, #tpu.memory_space<vmem>>, vector<16xf32>,
      %get3A_587 = arith.constant 7 : i32
      %get3A_588 = arith.index_cast %get3A_587 : i32 to index
      %get3A_589 = arith.constant 16 : index
      %get3A_590 = tpu.vector_load %arg8[%get3A_588, %get3A_589] {strides = array<i32>} : memref<16x32xf32, #tpu.memory_space<vmem>>, vector<16xf32>,
      %get3A_591 = arith.constant 7 : i32
      %get3A_592 = arith.index_cast %get3A_591 : i32 to index
      %get3A_593 = arith.constant 0 : index
      %get3A_594 = tpu.vector_load %arg10[%get3A_592, %get3A_593] {strides = array<i32>} : memref<16x32xf32, #tpu.memory_space<vmem>>, vector<16xf32>,
      %get3A_595 = arith.constant 7 : i32
      %get3A_596 = arith.index_cast %get3A_595 : i32 to index
      %get3A_597 = arith.constant 16 : index
      %get3A_598 = tpu.vector_load %arg10[%get3A_596, %get3A_597] {strides = array<i32>} : memref<16x32xf32, #tpu.memory_space<vmem>>, vector<16xf32>,
      %mul3A_599 = arith.mulf %get3A_586, %get3A_594 : vector<16xf32>
      %mul3A_600 = arith.mulf %mul3A_599, %get3A_1 : vector<16xf32>
      %mul3A_601 = arith.mulf %get3A_590, %get3A_598 : vector<16xf32>
      %mul3A_602 = arith.mulf %mul3A_601, %get3A_3 : vector<16xf32>
      %add3A_603 = arith.addf %mul3A_600, %mul3A_602 : vector<16xf32>
      %swap3A_604 = arith.constant 112 : index
      %swap3A_605 = tpu.vector_load %arg12[%swap3A_604] {strides = array<i32>} : memref<256xf32, #tpu.memory_space<vmem>>, vector<16xf32>,
      tpu.vector_store %arg12[%swap3A_604], %add3A_603 {strides = array<i32>} : memref<256xf32, #tpu.memory_space<vmem>>, vector<16xf32>,
      %get3A_606 = arith.constant 8 : i32
      %get3A_607 = arith.index_cast %get3A_606 : i32 to index
      %get3A_608 = arith.constant 0 : index
      %get3A_609 = tpu.vector_load %arg8[%get3A_607, %get3A_608] {strides = array<i32>} : memref<16x32xf32, #tpu.memory_space<vmem>>, vector<16xf32>,
      %get3A_610 = arith.constant 8 : i32
      %get3A_611 = arith.index_cast %get3A_610 : i32 to index
      %get3A_612 = arith.constant 16 : index
      %get3A_613 = tpu.vector_load %arg8[%get3A_611, %get3A_612] {strides = array<i32>} : memref<16x32xf32, #tpu.memory_space<vmem>>, vector<16xf32>,
      %get3A_614 = arith.constant 8 : i32
      %get3A_615 = arith.index_cast %get3A_614 : i32 to index
      %get3A_616 = arith.constant 0 : index
      %get3A_617 = tpu.vector_load %arg10[%get3A_615, %get3A_616] {strides = array<i32>} : memref<16x32xf32, #tpu.memory_space<vmem>>, vector<16xf32>,
      %get3A_618 = arith.constant 8 : i32
      %get3A_619 = arith.index_cast %get3A_618 : i32 to index
      %get3A_620 = arith.constant 16 : index
      %get3A_621 = tpu.vector_load %arg10[%get3A_619, %get3A_620] {strides = array<i32>} : memref<16x32xf32, #tpu.memory_space<vmem>>, vector<16xf32>,
      %mul3A_622 = arith.mulf %get3A_609, %get3A_617 : vector<16xf32>
      %mul3A_623 = arith.mulf %mul3A_622, %get3A_1 : vector<16xf32>
      %mul3A_624 = arith.mulf %get3A_613, %get3A_621 : vector<16xf32>
      %mul3A_625 = arith.mulf %mul3A_624, %get3A_3 : vector<16xf32>
      %add3A_626 = arith.addf %mul3A_623, %mul3A_625 : vector<16xf32>
      %swap3A_627 = arith.constant 128 : index
      %swap3A_628 = tpu.vector_load %arg12[%swap3A_627] {strides = array<i32>} : memref<256xf32, #tpu.memory_space<vmem>>, vector<16xf32>,
      tpu.vector_store %arg12[%swap3A_627], %add3A_626 {strides = array<i32>} : memref<256xf32, #tpu.memory_space<vmem>>, vector<16xf32>,
      %get3A_629 = arith.constant 9 : i32
      %get3A_630 = arith.index_cast %get3A_629 : i32 to index
      %get3A_631 = arith.constant 0 : index
      %get3A_632 = tpu.vector_load %arg8[%get3A_630, %get3A_631] {strides = array<i32>} : memref<16x32xf32, #tpu.memory_space<vmem>>, vector<16xf32>,
      %get3A_633 = arith.constant 9 : i32
      %get3A_634 = arith.index_cast %get3A_633 : i32 to index
      %get3A_635 = arith.constant 16 : index
      %get3A_636 = tpu.vector_load %arg8[%get3A_634, %get3A_635] {strides = array<i32>} : memref<16x32xf32, #tpu.memory_space<vmem>>, vector<16xf32>,
      %get3A_637 = arith.constant 9 : i32
      %get3A_638 = arith.index_cast %get3A_637 : i32 to index
      %get3A_639 = arith.constant 0 : index
      %get3A_640 = tpu.vector_load %arg10[%get3A_638, %get3A_639] {strides = array<i32>} : memref<16x32xf32, #tpu.memory_space<vmem>>, vector<16xf32>,
      %get3A_641 = arith.constant 9 : i32
      %get3A_642 = arith.index_cast %get3A_641 : i32 to index
      %get3A_643 = arith.constant 16 : index
      %get3A_644 = tpu.vector_load %arg10[%get3A_642, %get3A_643] {strides = array<i32>} : memref<16x32xf32, #tpu.memory_space<vmem>>, vector<16xf32>,
      %mul3A_645 = arith.mulf %get3A_632, %get3A_640 : vector<16xf32>
      %mul3A_646 = arith.mulf %mul3A_645, %get3A_1 : vector<16xf32>
      %mul3A_647 = arith.mulf %get3A_636, %get3A_644 : vector<16xf32>
      %mul3A_648 = arith.mulf %mul3A_647, %get3A_3 : vector<16xf32>
      %add3A_649 = arith.addf %mul3A_646, %mul3A_648 : vector<16xf32>
      %swap3A_650 = arith.constant 144 : index
      %swap3A_651 = tpu.vector_load %arg12[%swap3A_650] {strides = array<i32>} : memref<256xf32, #tpu.memory_space<vmem>>, vector<16xf32>,
      tpu.vector_store %arg12[%swap3A_650], %add3A_649 {strides = array<i32>} : memref<256xf32, #tpu.memory_space<vmem>>, vector<16xf32>,
      %get3A_652 = arith.constant 10 : i32
      %get3A_653 = arith.index_cast %get3A_652 : i32 to index
      %get3A_654 = arith.constant 0 : index
      %get3A_655 = tpu.vector_load %arg8[%get3A_653, %get3A_654] {strides = array<i32>} : memref<16x32xf32, #tpu.memory_space<vmem>>, vector<16xf32>,
      %get3A_656 = arith.constant 10 : i32
      %get3A_657 = arith.index_cast %get3A_656 : i32 to index
      %get3A_658 = arith.constant 16 : index
      %get3A_659 = tpu.vector_load %arg8[%get3A_657, %get3A_658] {strides = array<i32>} : memref<16x32xf32, #tpu.memory_space<vmem>>, vector<16xf32>,
      %get3A_660 = arith.constant 10 : i32
      %get3A_661 = arith.index_cast %get3A_660 : i32 to index
      %get3A_662 = arith.constant 0 : index
      %get3A_663 = tpu.vector_load %arg10[%get3A_661, %get3A_662] {strides = array<i32>} : memref<16x32xf32, #tpu.memory_space<vmem>>, vector<16xf32>,
      %get3A_664 = arith.constant 10 : i32
      %get3A_665 = arith.index_cast %get3A_664 : i32 to index
      %get3A_666 = arith.constant 16 : index
      %get3A_667 = tpu.vector_load %arg10[%get3A_665, %get3A_666] {strides = array<i32>} : memref<16x32xf32, #tpu.memory_space<vmem>>, vector<16xf32>,
      %mul3A_668 = arith.mulf %get3A_655, %get3A_663 : vector<16xf32>
      %mul3A_669 = arith.mulf %mul3A_668, %get3A_1 : vector<16xf32>
      %mul3A_670 = arith.mulf %get3A_659, %get3A_667 : vector<16xf32>
      %mul3A_671 = arith.mulf %mul3A_670, %get3A_3 : vector<16xf32>
      %add3A_672 = arith.addf %mul3A_669, %mul3A_671 : vector<16xf32>
      %swap3A_673 = arith.constant 160 : index
      %swap3A_674 = tpu.vector_load %arg12[%swap3A_673] {strides = array<i32>} : memref<256xf32, #tpu.memory_space<vmem>>, vector<16xf32>,
      tpu.vector_store %arg12[%swap3A_673], %add3A_672 {strides = array<i32>} : memref<256xf32, #tpu.memory_space<vmem>>, vector<16xf32>,
      %get3A_675 = arith.constant 11 : i32
      %get3A_676 = arith.index_cast %get3A_675 : i32 to index
      %get3A_677 = arith.constant 0 : index
      %get3A_678 = tpu.vector_load %arg8[%get3A_676, %get3A_677] {strides = array<i32>} : memref<16x32xf32, #tpu.memory_space<vmem>>, vector<16xf32>,
      %get3A_679 = arith.constant 11 : i32
      %get3A_680 = arith.index_cast %get3A_679 : i32 to index
      %get3A_681 = arith.constant 16 : index
      %get3A_682 = tpu.vector_load %arg8[%get3A_680, %get3A_681] {strides = array<i32>} : memref<16x32xf32, #tpu.memory_space<vmem>>, vector<16xf32>,
      %get3A_683 = arith.constant 11 : i32
      %get3A_684 = arith.index_cast %get3A_683 : i32 to index
      %get3A_685 = arith.constant 0 : index
      %get3A_686 = tpu.vector_load %arg10[%get3A_684, %get3A_685] {strides = array<i32>} : memref<16x32xf32, #tpu.memory_space<vmem>>, vector<16xf32>,
      %get3A_687 = arith.constant 11 : i32
      %get3A_688 = arith.index_cast %get3A_687 : i32 to index
      %get3A_689 = arith.constant 16 : index
      %get3A_690 = tpu.vector_load %arg10[%get3A_688, %get3A_689] {strides = array<i32>} : memref<16x32xf32, #tpu.memory_space<vmem>>, vector<16xf32>,
      %mul3A_691 = arith.mulf %get3A_678, %get3A_686 : vector<16xf32>
      %mul3A_692 = arith.mulf %mul3A_691, %get3A_1 : vector<16xf32>
      %mul3A_693 = arith.mulf %get3A_682, %get3A_690 : vector<16xf32>
      %mul3A_694 = arith.mulf %mul3A_693, %get3A_3 : vector<16xf32>
      %add3A_695 = arith.addf %mul3A_692, %mul3A_694 : vector<16xf32>
      %swap3A_696 = arith.constant 176 : index
      %swap3A_697 = tpu.vector_load %arg12[%swap3A_696] {strides = array<i32>} : memref<256xf32, #tpu.memory_space<vmem>>, vector<16xf32>,
      tpu.vector_store %arg12[%swap3A_696], %add3A_695 {strides = array<i32>} : memref<256xf32, #tpu.memory_space<vmem>>, vector<16xf32>,
      %get3A_698 = arith.constant 12 : i32
      %get3A_699 = arith.index_cast %get3A_698 : i32 to index
      %get3A_700 = arith.constant 0 : index
      %get3A_701 = tpu.vector_load %arg8[%get3A_699, %get3A_700] {strides = array<i32>} : memref<16x32xf32, #tpu.memory_space<vmem>>, vector<16xf32>,
      %get3A_702 = arith.constant 12 : i32
      %get3A_703 = arith.index_cast %get3A_702 : i32 to index
      %get3A_704 = arith.constant 16 : index
      %get3A_705 = tpu.vector_load %arg8[%get3A_703, %get3A_704] {strides = array<i32>} : memref<16x32xf32, #tpu.memory_space<vmem>>, vector<16xf32>,
      %get3A_706 = arith.constant 12 : i32
      %get3A_707 = arith.index_cast %get3A_706 : i32 to index
      %get3A_708 = arith.constant 0 : index
      %get3A_709 = tpu.vector_load %arg10[%get3A_707, %get3A_708] {strides = array<i32>} : memref<16x32xf32, #tpu.memory_space<vmem>>, vector<16xf32>,
      %get3A_710 = arith.constant 12 : i32
      %get3A_711 = arith.index_cast %get3A_710 : i32 to index
      %get3A_712 = arith.constant 16 : index
      %get3A_713 = tpu.vector_load %arg10[%get3A_711, %get3A_712] {strides = array<i32>} : memref<16x32xf32, #tpu.memory_space<vmem>>, vector<16xf32>,
      %mul3A_714 = arith.mulf %get3A_701, %get3A_709 : vector<16xf32>
      %mul3A_715 = arith.mulf %mul3A_714, %get3A_1 : vector<16xf32>
      %mul3A_716 = arith.mulf %get3A_705, %get3A_713 : vector<16xf32>
      %mul3A_717 = arith.mulf %mul3A_716, %get3A_3 : vector<16xf32>
      %add3A_718 = arith.addf %mul3A_715, %mul3A_717 : vector<16xf32>
      %swap3A_719 = arith.constant 192 : index
      %swap3A_720 = tpu.vector_load %arg12[%swap3A_719] {strides = array<i32>} : memref<256xf32, #tpu.memory_space<vmem>>, vector<16xf32>,
      tpu.vector_store %arg12[%swap3A_719], %add3A_718 {strides = array<i32>} : memref<256xf32, #tpu.memory_space<vmem>>, vector<16xf32>,
      %get3A_721 = arith.constant 13 : i32
      %get3A_722 = arith.index_cast %get3A_721 : i32 to index
      %get3A_723 = arith.constant 0 : index
      %get3A_724 = tpu.vector_load %arg8[%get3A_722, %get3A_723] {strides = array<i32>} : memref<16x32xf32, #tpu.memory_space<vmem>>, vector<16xf32>,
      %get3A_725 = arith.constant 13 : i32
      %get3A_726 = arith.index_cast %get3A_725 : i32 to index
      %get3A_727 = arith.constant 16 : index
      %get3A_728 = tpu.vector_load %arg8[%get3A_726, %get3A_727] {strides = array<i32>} : memref<16x32xf32, #tpu.memory_space<vmem>>, vector<16xf32>,
      %get3A_729 = arith.constant 13 : i32
      %get3A_730 = arith.index_cast %get3A_729 : i32 to index
      %get3A_731 = arith.constant 0 : index
      %get3A_732 = tpu.vector_load %arg10[%get3A_730, %get3A_731] {strides = array<i32>} : memref<16x32xf32, #tpu.memory_space<vmem>>, vector<16xf32>,
      %get3A_733 = arith.constant 13 : i32
      %get3A_734 = arith.index_cast %get3A_733 : i32 to index
      %get3A_735 = arith.constant 16 : index
      %get3A_736 = tpu.vector_load %arg10[%get3A_734, %get3A_735] {strides = array<i32>} : memref<16x32xf32, #tpu.memory_space<vmem>>, vector<16xf32>,
      %mul3A_737 = arith.mulf %get3A_724, %get3A_732 : vector<16xf32>
      %mul3A_738 = arith.mulf %mul3A_737, %get3A_1 : vector<16xf32>
      %mul3A_739 = arith.mulf %get3A_728, %get3A_736 : vector<16xf32>
      %mul3A_740 = arith.mulf %mul3A_739, %get3A_3 : vector<16xf32>
      %add3A_741 = arith.addf %mul3A_738, %mul3A_740 : vector<16xf32>
      %swap3A_742 = arith.constant 208 : index
      %swap3A_743 = tpu.vector_load %arg12[%swap3A_742] {strides = array<i32>} : memref<256xf32, #tpu.memory_space<vmem>>, vector<16xf32>,
      tpu.vector_store %arg12[%swap3A_742], %add3A_741 {strides = array<i32>} : memref<256xf32, #tpu.memory_space<vmem>>, vector<16xf32>,
      %get3A_744 = arith.constant 14 : i32
      %get3A_745 = arith.index_cast %get3A_744 : i32 to index
      %get3A_746 = arith.constant 0 : index
      %get3A_747 = tpu.vector_load %arg8[%get3A_745, %get3A_746] {strides = array<i32>} : memref<16x32xf32, #tpu.memory_space<vmem>>, vector<16xf32>,
      %get3A_748 = arith.constant 14 : i32
      %get3A_749 = arith.index_cast %get3A_748 : i32 to index
      %get3A_750 = arith.constant 16 : index
      %get3A_751 = tpu.vector_load %arg8[%get3A_749, %get3A_750] {strides = array<i32>} : memref<16x32xf32, #tpu.memory_space<vmem>>, vector<16xf32>,
      %get3A_752 = arith.constant 14 : i32
      %get3A_753 = arith.index_cast %get3A_752 : i32 to index
      %get3A_754 = arith.constant 0 : index
      %get3A_755 = tpu.vector_load %arg10[%get3A_753, %get3A_754] {strides = array<i32>} : memref<16x32xf32, #tpu.memory_space<vmem>>, vector<16xf32>,
      %get3A_756 = arith.constant 14 : i32
      %get3A_757 = arith.index_cast %get3A_756 : i32 to index
      %get3A_758 = arith.constant 16 : index
      %get3A_759 = tpu.vector_load %arg10[%get3A_757, %get3A_758] {strides = array<i32>} : memref<16x32xf32, #tpu.memory_space<vmem>>, vector<16xf32>,
      %mul3A_760 = arith.mulf %get3A_747, %get3A_755 : vector<16xf32>
      %mul3A_761 = arith.mulf %mul3A_760, %get3A_1 : vector<16xf32>
      %mul3A_762 = arith.mulf %get3A_751, %get3A_759 : vector<16xf32>
      %mul3A_763 = arith.mulf %mul3A_762, %get3A_3 : vector<16xf32>
      %add3A_764 = arith.addf %mul3A_761, %mul3A_763 : vector<16xf32>
      %swap3A_765 = arith.constant 224 : index
      %swap3A_766 = tpu.vector_load %arg12[%swap3A_765] {strides = array<i32>} : memref<256xf32, #tpu.memory_space<vmem>>, vector<16xf32>,
      tpu.vector_store %arg12[%swap3A_765], %add3A_764 {strides = array<i32>} : memref<256xf32, #tpu.memory_space<vmem>>, vector<16xf32>,
      %get3A_767 = arith.constant 15 : i32
      %get3A_768 = arith.index_cast %get3A_767 : i32 to index
      %get3A_769 = arith.constant 0 : index
      %get3A_770 = tpu.vector_load %arg8[%get3A_768, %get3A_769] {strides = array<i32>} : memref<16x32xf32, #tpu.memory_space<vmem>>, vector<16xf32>,
      %get3A_771 = arith.constant 15 : i32
      %get3A_772 = arith.index_cast %get3A_771 : i32 to index
      %get3A_773 = arith.constant 16 : index
      %get3A_774 = tpu.vector_load %arg8[%get3A_772, %get3A_773] {strides = array<i32>} : memref<16x32xf32, #tpu.memory_space<vmem>>, vector<16xf32>,
      %get3A_775 = arith.constant 15 : i32
      %get3A_776 = arith.index_cast %get3A_775 : i32 to index
      %get3A_777 = arith.constant 0 : index
      %get3A_778 = tpu.vector_load %arg10[%get3A_776, %get3A_777] {strides = array<i32>} : memref<16x32xf32, #tpu.memory_space<vmem>>, vector<16xf32>,
      %get3A_779 = arith.constant 15 : i32
      %get3A_780 = arith.index_cast %get3A_779 : i32 to index
      %get3A_781 = arith.constant 16 : index
      %get3A_782 = tpu.vector_load %arg10[%get3A_780, %get3A_781] {strides = array<i32>} : memref<16x32xf32, #tpu.memory_space<vmem>>, vector<16xf32>,
      %mul3A_783 = arith.mulf %get3A_770, %get3A_778 : vector<16xf32>
      %mul3A_784 = arith.mulf %mul3A_783, %get3A_1 : vector<16xf32>
      %mul3A_785 = arith.mulf %get3A_774, %get3A_782 : vector<16xf32>
      %mul3A_786 = arith.mulf %mul3A_785, %get3A_3 : vector<16xf32>
      %add3A_787 = arith.addf %mul3A_784, %mul3A_786 : vector<16xf32>
      %swap3A_788 = arith.constant 240 : index
      %swap3A_789 = tpu.vector_load %arg12[%swap3A_788] {strides = array<i32>} : memref<256xf32, #tpu.memory_space<vmem>>, vector<16xf32>,
      tpu.vector_store %arg12[%swap3A_788], %add3A_787 {strides = array<i32>} : memref<256xf32, #tpu.memory_space<vmem>>, vector<16xf32>,
      %add3A_790 = arith.constant 0 : i32
      %add3A_791 = vector.broadcast %add3A_790 : i32 to vector<16xi32>
      %add3A_792 = arith.addi %mul3A_8, %add3A_791 : vector<16xi32>
      %gather3A = tpu.vector_load_idx %arg12[%add3A_792] : memref<256xf32, #tpu.memory_space<vmem>>[vector<16xi32>], vector<16xf32>,
      %add3A_793 = arith.addf %get3A_5, %gather3A : vector<16xf32>
      %add3A_794 = arith.constant 1 : i32
      %add3A_795 = vector.broadcast %add3A_794 : i32 to vector<16xi32>
      %add3A_796 = arith.addi %mul3A_8, %add3A_795 : vector<16xi32>
      %gather3A_797 = tpu.vector_load_idx %arg12[%add3A_796] : memref<256xf32, #tpu.memory_space<vmem>>[vector<16xi32>], vector<16xf32>,
      %add3A_798 = arith.addf %add3A_793, %gather3A_797 : vector<16xf32>
      %add3A_799 = arith.constant 2 : i32
      %add3A_800 = vector.broadcast %add3A_799 : i32 to vector<16xi32>
      %add3A_801 = arith.addi %mul3A_8, %add3A_800 : vector<16xi32>
      %gather3A_802 = tpu.vector_load_idx %arg12[%add3A_801] : memref<256xf32, #tpu.memory_space<vmem>>[vector<16xi32>], vector<16xf32>,
      %add3A_803 = arith.addf %add3A_798, %gather3A_802 : vector<16xf32>
      %add3A_804 = arith.constant 3 : i32
      %add3A_805 = vector.broadcast %add3A_804 : i32 to vector<16xi32>
      %add3A_806 = arith.addi %mul3A_8, %add3A_805 : vector<16xi32>
      %gather3A_807 = tpu.vector_load_idx %arg12[%add3A_806] : memref<256xf32, #tpu.memory_space<vmem>>[vector<16xi32>], vector<16xf32>,
      %add3A_808 = arith.addf %add3A_803, %gather3A_807 : vector<16xf32>
      %add3A_809 = arith.constant 4 : i32
      %add3A_810 = vector.broadcast %add3A_809 : i32 to vector<16xi32>
      %add3A_811 = arith.addi %mul3A_8, %add3A_810 : vector<16xi32>
      %gather3A_812 = tpu.vector_load_idx %arg12[%add3A_811] : memref<256xf32, #tpu.memory_space<vmem>>[vector<16xi32>], vector<16xf32>,
      %add3A_813 = arith.addf %add3A_808, %gather3A_812 : vector<16xf32>
      %add3A_814 = arith.constant 5 : i32
      %add3A_815 = vector.broadcast %add3A_814 : i32 to vector<16xi32>
      %add3A_816 = arith.addi %mul3A_8, %add3A_815 : vector<16xi32>
      %gather3A_817 = tpu.vector_load_idx %arg12[%add3A_816] : memref<256xf32, #tpu.memory_space<vmem>>[vector<16xi32>], vector<16xf32>,
      %add3A_818 = arith.addf %add3A_813, %gather3A_817 : vector<16xf32>
      %add3A_819 = arith.constant 6 : i32
      %add3A_820 = vector.broadcast %add3A_819 : i32 to vector<16xi32>
      %add3A_821 = arith.addi %mul3A_8, %add3A_820 : vector<16xi32>
      %gather3A_822 = tpu.vector_load_idx %arg12[%add3A_821] : memref<256xf32, #tpu.memory_space<vmem>>[vector<16xi32>], vector<16xf32>,
      %add3A_823 = arith.addf %add3A_818, %gather3A_822 : vector<16xf32>
      %add3A_824 = arith.constant 7 : i32
      %add3A_825 = vector.broadcast %add3A_824 : i32 to vector<16xi32>
      %add3A_826 = arith.addi %mul3A_8, %add3A_825 : vector<16xi32>
      %gather3A_827 = tpu.vector_load_idx %arg12[%add3A_826] : memref<256xf32, #tpu.memory_space<vmem>>[vector<16xi32>], vector<16xf32>,
      %add3A_828 = arith.addf %add3A_823, %gather3A_827 : vector<16xf32>
      %add3A_829 = arith.constant 8 : i32
      %add3A_830 = vector.broadcast %add3A_829 : i32 to vector<16xi32>
      %add3A_831 = arith.addi %mul3A_8, %add3A_830 : vector<16xi32>
      %gather3A_832 = tpu.vector_load_idx %arg12[%add3A_831] : memref<256xf32, #tpu.memory_space<vmem>>[vector<16xi32>], vector<16xf32>,
      %add3A_833 = arith.addf %add3A_828, %gather3A_832 : vector<16xf32>
      %add3A_834 = arith.constant 9 : i32
      %add3A_835 = vector.broadcast %add3A_834 : i32 to vector<16xi32>
      %add3A_836 = arith.addi %mul3A_8, %add3A_835 : vector<16xi32>
      %gather3A_837 = tpu.vector_load_idx %arg12[%add3A_836] : memref<256xf32, #tpu.memory_space<vmem>>[vector<16xi32>], vector<16xf32>,
      %add3A_838 = arith.addf %add3A_833, %gather3A_837 : vector<16xf32>
      %add3A_839 = arith.constant 10 : i32
      %add3A_840 = vector.broadcast %add3A_839 : i32 to vector<16xi32>
      %add3A_841 = arith.addi %mul3A_8, %add3A_840 : vector<16xi32>
      %gather3A_842 = tpu.vector_load_idx %arg12[%add3A_841] : memref<256xf32, #tpu.memory_space<vmem>>[vector<16xi32>], vector<16xf32>,
      %add3A_843 = arith.addf %add3A_838, %gather3A_842 : vector<16xf32>
      %add3A_844 = arith.constant 11 : i32
      %add3A_845 = vector.broadcast %add3A_844 : i32 to vector<16xi32>
      %add3A_846 = arith.addi %mul3A_8, %add3A_845 : vector<16xi32>
      %gather3A_847 = tpu.vector_load_idx %arg12[%add3A_846] : memref<256xf32, #tpu.memory_space<vmem>>[vector<16xi32>], vector<16xf32>,
      %add3A_848 = arith.addf %add3A_843, %gather3A_847 : vector<16xf32>
      %add3A_849 = arith.constant 12 : i32
      %add3A_850 = vector.broadcast %add3A_849 : i32 to vector<16xi32>
      %add3A_851 = arith.addi %mul3A_8, %add3A_850 : vector<16xi32>
      %gather3A_852 = tpu.vector_load_idx %arg12[%add3A_851] : memref<256xf32, #tpu.memory_space<vmem>>[vector<16xi32>], vector<16xf32>,
      %add3A_853 = arith.addf %add3A_848, %gather3A_852 : vector<16xf32>
      %add3A_854 = arith.constant 13 : i32
      %add3A_855 = vector.broadcast %add3A_854 : i32 to vector<16xi32>
      %add3A_856 = arith.addi %mul3A_8, %add3A_855 : vector<16xi32>
      %gather3A_857 = tpu.vector_load_idx %arg12[%add3A_856] : memref<256xf32, #tpu.memory_space<vmem>>[vector<16xi32>], vector<16xf32>,
      %add3A_858 = arith.addf %add3A_853, %gather3A_857 : vector<16xf32>
      %add3A_859 = arith.constant 14 : i32
      %add3A_860 = vector.broadcast %add3A_859 : i32 to vector<16xi32>
      %add3A_861 = arith.addi %mul3A_8, %add3A_860 : vector<16xi32>
      %gather3A_862 = tpu.vector_load_idx %arg12[%add3A_861] : memref<256xf32, #tpu.memory_space<vmem>>[vector<16xi32>], vector<16xf32>,
      %add3A_863 = arith.addf %add3A_858, %gather3A_862 : vector<16xf32>
      %add3A_864 = arith.constant 15 : i32
      %add3A_865 = vector.broadcast %add3A_864 : i32 to vector<16xi32>
      %add3A_866 = arith.addi %mul3A_8, %add3A_865 : vector<16xi32>
      %gather3A_867 = tpu.vector_load_idx %arg12[%add3A_866] : memref<256xf32, #tpu.memory_space<vmem>>[vector<16xi32>], vector<16xf32>,
      %add3A_868 = arith.addf %add3A_863, %gather3A_867 : vector<16xf32>
      %neg3A = arith.constant 0.000000e+00 : f32
      %neg3A_869 = vector.broadcast %neg3A : f32 to vector<16xf32>
      %neg3A_870 = arith.subf %neg3A_869, %add3A_868 : vector<16xf32>
      %exp3A = math.exp %neg3A_870 : vector<16xf32>
      %add3A_871 = arith.constant 1.000000e+00 : f32
      %add3A_872 = vector.broadcast %add3A_871 : f32 to vector<16xf32>
      %add3A_873 = arith.addf %add3A_872, %exp3A : vector<16xf32>
      %div3A = arith.constant 1.000000e+00 : f32
      %div3A_874 = vector.broadcast %div3A : f32 to vector<16xf32>
      %div3A_875 = arith.divf %div3A_874, %add3A_873 : vector<16xf32>
      %mul3A_876 = arith.constant 16 : i32
      %mul3A_877 = arith.muli %add3A_407, %mul3A_876 : i32
      %swap3A_878 = arith.constant 0 : i32
      %swap3A_879 = arith.index_cast %swap3A_878 : i32 to index
      %swap3A_880 = arith.index_cast %mul3A_877 : i32 to index
      %swap3A_881 = tpu.vector_load %arg13[%swap3A_879, %swap3A_880] {strides = array<i32>} : memref<1x512xf32, #tpu.memory_space<vmem>>, vector<16xf32>,
      tpu.vector_store %arg13[%swap3A_879, %swap3A_880], %div3A_875 {strides = array<i32>} : memref<1x512xf32, #tpu.memory_space<vmem>>, vector<16xf32>,
      %mul3A_882 = arith.constant 2 : i32
      %mul3A_883 = arith.muli %mul3A_882, %scan3A_403 : i32
      %add3A_884 = arith.constant 1 : i32
      %add3A_885 = arith.addi %mul3A_883, %add3A_884 : i32
      %add3A_886 = arith.constant 1 : i32
      %add3A_887 = arith.addi %add3A_885, %add3A_886 : i32
      %lt3A_888 = arith.constant 32 : i32
      %lt3A_889 = arith.cmpi slt, %add3A_887, %lt3A_888 : i32
      %convert_element_type3A_890 = arith.extui %lt3A_889 : i1 to i32
      %cond3A_891 = arith.constant 0 : i32
      %cond3A_892 = arith.cmpi ne, %convert_element_type3A_890, %cond3A_891 : i32
      scf.if %cond3A_892 {
        %add3A_1369 = arith.constant 1 : i32
        %add3A_1370 = arith.addi %add3A_885, %add3A_1369 : i32
        %mul3A_1371 = arith.constant 16 : i32
        %mul3A_1372 = arith.muli %add3A_1370, %mul3A_1371 : i32
        %get3A_1373 = arith.constant 0 : i32
        %get3A_1374 = arith.index_cast %get3A_1373 : i32 to index
        %get3A_1375 = arith.index_cast %mul3A_1372 : i32 to index
        %get3A_1376 = tpu.vector_load %arg7[%get3A_1374, %get3A_1375] {strides = array<i32>} : memref<2x512xi32, #tpu.memory_space<vmem>>, vector<16xi32>,
        %mul3A_1377 = arith.constant 16 : i32
        %mul3A_1378 = arith.muli %add3A_1370, %mul3A_1377 : i32
        %get3A_1379 = arith.constant 1 : i32
        %get3A_1380 = arith.index_cast %get3A_1379 : i32 to index
        %get3A_1381 = arith.index_cast %mul3A_1378 : i32 to index
        %get3A_1382 = tpu.vector_load %arg7[%get3A_1380, %get3A_1381] {strides = array<i32>} : memref<2x512xi32, #tpu.memory_space<vmem>>, vector<16xi32>,
        %slice3A_1383 = vector.extract_strided_slice %get3A_1376 {offsets = [0], sizes = [1], strides = [1]} : vector<16xi32> to vector<1xi32>
        %squeeze3A_1384 = vector.extract %slice3A_1383[0] : i32 from vector<1xi32>
        %dma_start3A_1385 = arith.constant 0 : i32
        %dma_start3A_1386 = arith.constant 0 : i32
        %dma_start3A_1387 = tpu.memref_slice %arg8[%dma_start3A_1385, %dma_start3A_1386] : memref<16x32xf32, #tpu.memory_space<vmem>> -> memref<1x32xf32, #tpu.memory_space<vmem>>
        %dma_start3A_1388 = arith.constant 0 : i32
        %dma_start3A_1389 = tpu.memref_slice %arg4[%squeeze3A_1384, %dma_start3A_1388] : memref<1000000x32xf32, #tpu.memory_space<hbm>> -> memref<1x32xf32, #tpu.memory_space<hbm>>
        %dma_start3A_1390 = arith.constant 0 : i32
        %dma_start3A_1391 = arith.constant 0 : i32
        %dma_start3A_1392 = tpu.memref_slice %arg8[%dma_start3A_1390, %dma_start3A_1391] : memref<16x32xf32, #tpu.memory_space<vmem>> -> memref<1x32xf32, #tpu.memory_space<vmem>>
        %dma_start3A_1393 = arith.constant 0 : i32
        %dma_start3A_1394 = tpu.memref_slice %arg4[%squeeze3A_1384, %dma_start3A_1393] : memref<1000000x32xf32, #tpu.memory_space<hbm>> -> memref<1x32xf32, #tpu.memory_space<hbm>>
        tpu.enqueue_dma source(%dma_start3A_1394 : memref<1x32xf32, #tpu.memory_space<hbm>>) target(%dma_start3A_1392 : memref<1x32xf32, #tpu.memory_space<vmem>>) target_semaphore(%arg15 : memref<!tpu.dma_semaphore, #tpu.memory_space<semaphore_mem>>)
        %slice3A_1395 = vector.extract_strided_slice %get3A_1382 {offsets = [0], sizes = [1], strides = [1]} : vector<16xi32> to vector<1xi32>
        %squeeze3A_1396 = vector.extract %slice3A_1395[0] : i32 from vector<1xi32>
        %dma_start3A_1397 = arith.constant 0 : i32
        %dma_start3A_1398 = arith.constant 0 : i32
        %dma_start3A_1399 = tpu.memref_slice %arg10[%dma_start3A_1397, %dma_start3A_1398] : memref<16x32xf32, #tpu.memory_space<vmem>> -> memref<1x32xf32, #tpu.memory_space<vmem>>
        %dma_start3A_1400 = arith.constant 0 : i32
        %dma_start3A_1401 = tpu.memref_slice %arg4[%squeeze3A_1396, %dma_start3A_1400] : memref<1000000x32xf32, #tpu.memory_space<hbm>> -> memref<1x32xf32, #tpu.memory_space<hbm>>
        %dma_start3A_1402 = arith.constant 0 : i32
        %dma_start3A_1403 = arith.constant 0 : i32
        %dma_start3A_1404 = tpu.memref_slice %arg10[%dma_start3A_1402, %dma_start3A_1403] : memref<16x32xf32, #tpu.memory_space<vmem>> -> memref<1x32xf32, #tpu.memory_space<vmem>>
        %dma_start3A_1405 = arith.constant 0 : i32
        %dma_start3A_1406 = tpu.memref_slice %arg4[%squeeze3A_1396, %dma_start3A_1405] : memref<1000000x32xf32, #tpu.memory_space<hbm>> -> memref<1x32xf32, #tpu.memory_space<hbm>>
        tpu.enqueue_dma source(%dma_start3A_1406 : memref<1x32xf32, #tpu.memory_space<hbm>>) target(%dma_start3A_1404 : memref<1x32xf32, #tpu.memory_space<vmem>>) target_semaphore(%arg15 : memref<!tpu.dma_semaphore, #tpu.memory_space<semaphore_mem>>)
        %slice3A_1407 = vector.extract_strided_slice %get3A_1376 {offsets = [1], sizes = [1], strides = [1]} : vector<16xi32> to vector<1xi32>
        %squeeze3A_1408 = vector.extract %slice3A_1407[0] : i32 from vector<1xi32>
        %dma_start3A_1409 = arith.constant 1 : i32
        %dma_start3A_1410 = arith.constant 0 : i32
        %dma_start3A_1411 = tpu.memref_slice %arg8[%dma_start3A_1409, %dma_start3A_1410] : memref<16x32xf32, #tpu.memory_space<vmem>> -> memref<1x32xf32, #tpu.memory_space<vmem>>
        %dma_start3A_1412 = arith.constant 0 : i32
        %dma_start3A_1413 = tpu.memref_slice %arg4[%squeeze3A_1408, %dma_start3A_1412] : memref<1000000x32xf32, #tpu.memory_space<hbm>> -> memref<1x32xf32, #tpu.memory_space<hbm>>
        %dma_start3A_1414 = arith.constant 1 : i32
        %dma_start3A_1415 = arith.constant 0 : i32
        %dma_start3A_1416 = tpu.memref_slice %arg8[%dma_start3A_1414, %dma_start3A_1415] : memref<16x32xf32, #tpu.memory_space<vmem>> -> memref<1x32xf32, #tpu.memory_space<vmem>>
        %dma_start3A_1417 = arith.constant 0 : i32
        %dma_start3A_1418 = tpu.memref_slice %arg4[%squeeze3A_1408, %dma_start3A_1417] : memref<1000000x32xf32, #tpu.memory_space<hbm>> -> memref<1x32xf32, #tpu.memory_space<hbm>>
        tpu.enqueue_dma source(%dma_start3A_1418 : memref<1x32xf32, #tpu.memory_space<hbm>>) target(%dma_start3A_1416 : memref<1x32xf32, #tpu.memory_space<vmem>>) target_semaphore(%arg15 : memref<!tpu.dma_semaphore, #tpu.memory_space<semaphore_mem>>)
        %slice3A_1419 = vector.extract_strided_slice %get3A_1382 {offsets = [1], sizes = [1], strides = [1]} : vector<16xi32> to vector<1xi32>
        %squeeze3A_1420 = vector.extract %slice3A_1419[0] : i32 from vector<1xi32>
        %dma_start3A_1421 = arith.constant 1 : i32
        %dma_start3A_1422 = arith.constant 0 : i32
        %dma_start3A_1423 = tpu.memref_slice %arg10[%dma_start3A_1421, %dma_start3A_1422] : memref<16x32xf32, #tpu.memory_space<vmem>> -> memref<1x32xf32, #tpu.memory_space<vmem>>
        %dma_start3A_1424 = arith.constant 0 : i32
        %dma_start3A_1425 = tpu.memref_slice %arg4[%squeeze3A_1420, %dma_start3A_1424] : memref<1000000x32xf32, #tpu.memory_space<hbm>> -> memref<1x32xf32, #tpu.memory_space<hbm>>
        %dma_start3A_1426 = arith.constant 1 : i32
        %dma_start3A_1427 = arith.constant 0 : i32
        %dma_start3A_1428 = tpu.memref_slice %arg10[%dma_start3A_1426, %dma_start3A_1427] : memref<16x32xf32, #tpu.memory_space<vmem>> -> memref<1x32xf32, #tpu.memory_space<vmem>>
        %dma_start3A_1429 = arith.constant 0 : i32
        %dma_start3A_1430 = tpu.memref_slice %arg4[%squeeze3A_1420, %dma_start3A_1429] : memref<1000000x32xf32, #tpu.memory_space<hbm>> -> memref<1x32xf32, #tpu.memory_space<hbm>>
        tpu.enqueue_dma source(%dma_start3A_1430 : memref<1x32xf32, #tpu.memory_space<hbm>>) target(%dma_start3A_1428 : memref<1x32xf32, #tpu.memory_space<vmem>>) target_semaphore(%arg15 : memref<!tpu.dma_semaphore, #tpu.memory_space<semaphore_mem>>)
        %slice3A_1431 = vector.extract_strided_slice %get3A_1376 {offsets = [2], sizes = [1], strides = [1]} : vector<16xi32> to vector<1xi32>
        %squeeze3A_1432 = vector.extract %slice3A_1431[0] : i32 from vector<1xi32>
        %dma_start3A_1433 = arith.constant 2 : i32
        %dma_start3A_1434 = arith.constant 0 : i32
        %dma_start3A_1435 = tpu.memref_slice %arg8[%dma_start3A_1433, %dma_start3A_1434] : memref<16x32xf32, #tpu.memory_space<vmem>> -> memref<1x32xf32, #tpu.memory_space<vmem>>
        %dma_start3A_1436 = arith.constant 0 : i32
        %dma_start3A_1437 = tpu.memref_slice %arg4[%squeeze3A_1432, %dma_start3A_1436] : memref<1000000x32xf32, #tpu.memory_space<hbm>> -> memref<1x32xf32, #tpu.memory_space<hbm>>
        %dma_start3A_1438 = arith.constant 2 : i32
        %dma_start3A_1439 = arith.constant 0 : i32
        %dma_start3A_1440 = tpu.memref_slice %arg8[%dma_start3A_1438, %dma_start3A_1439] : memref<16x32xf32, #tpu.memory_space<vmem>> -> memref<1x32xf32, #tpu.memory_space<vmem>>
        %dma_start3A_1441 = arith.constant 0 : i32
        %dma_start3A_1442 = tpu.memref_slice %arg4[%squeeze3A_1432, %dma_start3A_1441] : memref<1000000x32xf32, #tpu.memory_space<hbm>> -> memref<1x32xf32, #tpu.memory_space<hbm>>
        tpu.enqueue_dma source(%dma_start3A_1442 : memref<1x32xf32, #tpu.memory_space<hbm>>) target(%dma_start3A_1440 : memref<1x32xf32, #tpu.memory_space<vmem>>) target_semaphore(%arg15 : memref<!tpu.dma_semaphore, #tpu.memory_space<semaphore_mem>>)
        %slice3A_1443 = vector.extract_strided_slice %get3A_1382 {offsets = [2], sizes = [1], strides = [1]} : vector<16xi32> to vector<1xi32>
        %squeeze3A_1444 = vector.extract %slice3A_1443[0] : i32 from vector<1xi32>
        %dma_start3A_1445 = arith.constant 2 : i32
        %dma_start3A_1446 = arith.constant 0 : i32
        %dma_start3A_1447 = tpu.memref_slice %arg10[%dma_start3A_1445, %dma_start3A_1446] : memref<16x32xf32, #tpu.memory_space<vmem>> -> memref<1x32xf32, #tpu.memory_space<vmem>>
        %dma_start3A_1448 = arith.constant 0 : i32
        %dma_start3A_1449 = tpu.memref_slice %arg4[%squeeze3A_1444, %dma_start3A_1448] : memref<1000000x32xf32, #tpu.memory_space<hbm>> -> memref<1x32xf32, #tpu.memory_space<hbm>>
        %dma_start3A_1450 = arith.constant 2 : i32
        %dma_start3A_1451 = arith.constant 0 : i32
        %dma_start3A_1452 = tpu.memref_slice %arg10[%dma_start3A_1450, %dma_start3A_1451] : memref<16x32xf32, #tpu.memory_space<vmem>> -> memref<1x32xf32, #tpu.memory_space<vmem>>
        %dma_start3A_1453 = arith.constant 0 : i32
        %dma_start3A_1454 = tpu.memref_slice %arg4[%squeeze3A_1444, %dma_start3A_1453] : memref<1000000x32xf32, #tpu.memory_space<hbm>> -> memref<1x32xf32, #tpu.memory_space<hbm>>
        tpu.enqueue_dma source(%dma_start3A_1454 : memref<1x32xf32, #tpu.memory_space<hbm>>) target(%dma_start3A_1452 : memref<1x32xf32, #tpu.memory_space<vmem>>) target_semaphore(%arg15 : memref<!tpu.dma_semaphore, #tpu.memory_space<semaphore_mem>>)
        %slice3A_1455 = vector.extract_strided_slice %get3A_1376 {offsets = [3], sizes = [1], strides = [1]} : vector<16xi32> to vector<1xi32>
        %squeeze3A_1456 = vector.extract %slice3A_1455[0] : i32 from vector<1xi32>
        %dma_start3A_1457 = arith.constant 3 : i32
        %dma_start3A_1458 = arith.constant 0 : i32
        %dma_start3A_1459 = tpu.memref_slice %arg8[%dma_start3A_1457, %dma_start3A_1458] : memref<16x32xf32, #tpu.memory_space<vmem>> -> memref<1x32xf32, #tpu.memory_space<vmem>>
        %dma_start3A_1460 = arith.constant 0 : i32
        %dma_start3A_1461 = tpu.memref_slice %arg4[%squeeze3A_1456, %dma_start3A_1460] : memref<1000000x32xf32, #tpu.memory_space<hbm>> -> memref<1x32xf32, #tpu.memory_space<hbm>>
        %dma_start3A_1462 = arith.constant 3 : i32
        %dma_start3A_1463 = arith.constant 0 : i32
        %dma_start3A_1464 = tpu.memref_slice %arg8[%dma_start3A_1462, %dma_start3A_1463] : memref<16x32xf32, #tpu.memory_space<vmem>> -> memref<1x32xf32, #tpu.memory_space<vmem>>
        %dma_start3A_1465 = arith.constant 0 : i32
        %dma_start3A_1466 = tpu.memref_slice %arg4[%squeeze3A_1456, %dma_start3A_1465] : memref<1000000x32xf32, #tpu.memory_space<hbm>> -> memref<1x32xf32, #tpu.memory_space<hbm>>
        tpu.enqueue_dma source(%dma_start3A_1466 : memref<1x32xf32, #tpu.memory_space<hbm>>) target(%dma_start3A_1464 : memref<1x32xf32, #tpu.memory_space<vmem>>) target_semaphore(%arg15 : memref<!tpu.dma_semaphore, #tpu.memory_space<semaphore_mem>>)
        %slice3A_1467 = vector.extract_strided_slice %get3A_1382 {offsets = [3], sizes = [1], strides = [1]} : vector<16xi32> to vector<1xi32>
        %squeeze3A_1468 = vector.extract %slice3A_1467[0] : i32 from vector<1xi32>
        %dma_start3A_1469 = arith.constant 3 : i32
        %dma_start3A_1470 = arith.constant 0 : i32
        %dma_start3A_1471 = tpu.memref_slice %arg10[%dma_start3A_1469, %dma_start3A_1470] : memref<16x32xf32, #tpu.memory_space<vmem>> -> memref<1x32xf32, #tpu.memory_space<vmem>>
        %dma_start3A_1472 = arith.constant 0 : i32
        %dma_start3A_1473 = tpu.memref_slice %arg4[%squeeze3A_1468, %dma_start3A_1472] : memref<1000000x32xf32, #tpu.memory_space<hbm>> -> memref<1x32xf32, #tpu.memory_space<hbm>>
        %dma_start3A_1474 = arith.constant 3 : i32
        %dma_start3A_1475 = arith.constant 0 : i32
        %dma_start3A_1476 = tpu.memref_slice %arg10[%dma_start3A_1474, %dma_start3A_1475] : memref<16x32xf32, #tpu.memory_space<vmem>> -> memref<1x32xf32, #tpu.memory_space<vmem>>
        %dma_start3A_1477 = arith.constant 0 : i32
        %dma_start3A_1478 = tpu.memref_slice %arg4[%squeeze3A_1468, %dma_start3A_1477] : memref<1000000x32xf32, #tpu.memory_space<hbm>> -> memref<1x32xf32, #tpu.memory_space<hbm>>
        tpu.enqueue_dma source(%dma_start3A_1478 : memref<1x32xf32, #tpu.memory_space<hbm>>) target(%dma_start3A_1476 : memref<1x32xf32, #tpu.memory_space<vmem>>) target_semaphore(%arg15 : memref<!tpu.dma_semaphore, #tpu.memory_space<semaphore_mem>>)
        %slice3A_1479 = vector.extract_strided_slice %get3A_1376 {offsets = [4], sizes = [1], strides = [1]} : vector<16xi32> to vector<1xi32>
        %squeeze3A_1480 = vector.extract %slice3A_1479[0] : i32 from vector<1xi32>
        %dma_start3A_1481 = arith.constant 4 : i32
        %dma_start3A_1482 = arith.constant 0 : i32
        %dma_start3A_1483 = tpu.memref_slice %arg8[%dma_start3A_1481, %dma_start3A_1482] : memref<16x32xf32, #tpu.memory_space<vmem>> -> memref<1x32xf32, #tpu.memory_space<vmem>>
        %dma_start3A_1484 = arith.constant 0 : i32
        %dma_start3A_1485 = tpu.memref_slice %arg4[%squeeze3A_1480, %dma_start3A_1484] : memref<1000000x32xf32, #tpu.memory_space<hbm>> -> memref<1x32xf32, #tpu.memory_space<hbm>>
        %dma_start3A_1486 = arith.constant 4 : i32
        %dma_start3A_1487 = arith.constant 0 : i32
        %dma_start3A_1488 = tpu.memref_slice %arg8[%dma_start3A_1486, %dma_start3A_1487] : memref<16x32xf32, #tpu.memory_space<vmem>> -> memref<1x32xf32, #tpu.memory_space<vmem>>
        %dma_start3A_1489 = arith.constant 0 : i32
        %dma_start3A_1490 = tpu.memref_slice %arg4[%squeeze3A_1480, %dma_start3A_1489] : memref<1000000x32xf32, #tpu.memory_space<hbm>> -> memref<1x32xf32, #tpu.memory_space<hbm>>
        tpu.enqueue_dma source(%dma_start3A_1490 : memref<1x32xf32, #tpu.memory_space<hbm>>) target(%dma_start3A_1488 : memref<1x32xf32, #tpu.memory_space<vmem>>) target_semaphore(%arg15 : memref<!tpu.dma_semaphore, #tpu.memory_space<semaphore_mem>>)
        %slice3A_1491 = vector.extract_strided_slice %get3A_1382 {offsets = [4], sizes = [1], strides = [1]} : vector<16xi32> to vector<1xi32>
        %squeeze3A_1492 = vector.extract %slice3A_1491[0] : i32 from vector<1xi32>
        %dma_start3A_1493 = arith.constant 4 : i32
        %dma_start3A_1494 = arith.constant 0 : i32
        %dma_start3A_1495 = tpu.memref_slice %arg10[%dma_start3A_1493, %dma_start3A_1494] : memref<16x32xf32, #tpu.memory_space<vmem>> -> memref<1x32xf32, #tpu.memory_space<vmem>>
        %dma_start3A_1496 = arith.constant 0 : i32
        %dma_start3A_1497 = tpu.memref_slice %arg4[%squeeze3A_1492, %dma_start3A_1496] : memref<1000000x32xf32, #tpu.memory_space<hbm>> -> memref<1x32xf32, #tpu.memory_space<hbm>>
        %dma_start3A_1498 = arith.constant 4 : i32
        %dma_start3A_1499 = arith.constant 0 : i32
        %dma_start3A_1500 = tpu.memref_slice %arg10[%dma_start3A_1498, %dma_start3A_1499] : memref<16x32xf32, #tpu.memory_space<vmem>> -> memref<1x32xf32, #tpu.memory_space<vmem>>
        %dma_start3A_1501 = arith.constant 0 : i32
        %dma_start3A_1502 = tpu.memref_slice %arg4[%squeeze3A_1492, %dma_start3A_1501] : memref<1000000x32xf32, #tpu.memory_space<hbm>> -> memref<1x32xf32, #tpu.memory_space<hbm>>
        tpu.enqueue_dma source(%dma_start3A_1502 : memref<1x32xf32, #tpu.memory_space<hbm>>) target(%dma_start3A_1500 : memref<1x32xf32, #tpu.memory_space<vmem>>) target_semaphore(%arg15 : memref<!tpu.dma_semaphore, #tpu.memory_space<semaphore_mem>>)
        %slice3A_1503 = vector.extract_strided_slice %get3A_1376 {offsets = [5], sizes = [1], strides = [1]} : vector<16xi32> to vector<1xi32>
        %squeeze3A_1504 = vector.extract %slice3A_1503[0] : i32 from vector<1xi32>
        %dma_start3A_1505 = arith.constant 5 : i32
        %dma_start3A_1506 = arith.constant 0 : i32
        %dma_start3A_1507 = tpu.memref_slice %arg8[%dma_start3A_1505, %dma_start3A_1506] : memref<16x32xf32, #tpu.memory_space<vmem>> -> memref<1x32xf32, #tpu.memory_space<vmem>>
        %dma_start3A_1508 = arith.constant 0 : i32
        %dma_start3A_1509 = tpu.memref_slice %arg4[%squeeze3A_1504, %dma_start3A_1508] : memref<1000000x32xf32, #tpu.memory_space<hbm>> -> memref<1x32xf32, #tpu.memory_space<hbm>>
        %dma_start3A_1510 = arith.constant 5 : i32
        %dma_start3A_1511 = arith.constant 0 : i32
        %dma_start3A_1512 = tpu.memref_slice %arg8[%dma_start3A_1510, %dma_start3A_1511] : memref<16x32xf32, #tpu.memory_space<vmem>> -> memref<1x32xf32, #tpu.memory_space<vmem>>
        %dma_start3A_1513 = arith.constant 0 : i32
        %dma_start3A_1514 = tpu.memref_slice %arg4[%squeeze3A_1504, %dma_start3A_1513] : memref<1000000x32xf32, #tpu.memory_space<hbm>> -> memref<1x32xf32, #tpu.memory_space<hbm>>
        tpu.enqueue_dma source(%dma_start3A_1514 : memref<1x32xf32, #tpu.memory_space<hbm>>) target(%dma_start3A_1512 : memref<1x32xf32, #tpu.memory_space<vmem>>) target_semaphore(%arg15 : memref<!tpu.dma_semaphore, #tpu.memory_space<semaphore_mem>>)
        %slice3A_1515 = vector.extract_strided_slice %get3A_1382 {offsets = [5], sizes = [1], strides = [1]} : vector<16xi32> to vector<1xi32>
        %squeeze3A_1516 = vector.extract %slice3A_1515[0] : i32 from vector<1xi32>
        %dma_start3A_1517 = arith.constant 5 : i32
        %dma_start3A_1518 = arith.constant 0 : i32
        %dma_start3A_1519 = tpu.memref_slice %arg10[%dma_start3A_1517, %dma_start3A_1518] : memref<16x32xf32, #tpu.memory_space<vmem>> -> memref<1x32xf32, #tpu.memory_space<vmem>>
        %dma_start3A_1520 = arith.constant 0 : i32
        %dma_start3A_1521 = tpu.memref_slice %arg4[%squeeze3A_1516, %dma_start3A_1520] : memref<1000000x32xf32, #tpu.memory_space<hbm>> -> memref<1x32xf32, #tpu.memory_space<hbm>>
        %dma_start3A_1522 = arith.constant 5 : i32
        %dma_start3A_1523 = arith.constant 0 : i32
        %dma_start3A_1524 = tpu.memref_slice %arg10[%dma_start3A_1522, %dma_start3A_1523] : memref<16x32xf32, #tpu.memory_space<vmem>> -> memref<1x32xf32, #tpu.memory_space<vmem>>
        %dma_start3A_1525 = arith.constant 0 : i32
        %dma_start3A_1526 = tpu.memref_slice %arg4[%squeeze3A_1516, %dma_start3A_1525] : memref<1000000x32xf32, #tpu.memory_space<hbm>> -> memref<1x32xf32, #tpu.memory_space<hbm>>
        tpu.enqueue_dma source(%dma_start3A_1526 : memref<1x32xf32, #tpu.memory_space<hbm>>) target(%dma_start3A_1524 : memref<1x32xf32, #tpu.memory_space<vmem>>) target_semaphore(%arg15 : memref<!tpu.dma_semaphore, #tpu.memory_space<semaphore_mem>>)
        %slice3A_1527 = vector.extract_strided_slice %get3A_1376 {offsets = [6], sizes = [1], strides = [1]} : vector<16xi32> to vector<1xi32>
        %squeeze3A_1528 = vector.extract %slice3A_1527[0] : i32 from vector<1xi32>
        %dma_start3A_1529 = arith.constant 6 : i32
        %dma_start3A_1530 = arith.constant 0 : i32
        %dma_start3A_1531 = tpu.memref_slice %arg8[%dma_start3A_1529, %dma_start3A_1530] : memref<16x32xf32, #tpu.memory_space<vmem>> -> memref<1x32xf32, #tpu.memory_space<vmem>>
        %dma_start3A_1532 = arith.constant 0 : i32
        %dma_start3A_1533 = tpu.memref_slice %arg4[%squeeze3A_1528, %dma_start3A_1532] : memref<1000000x32xf32, #tpu.memory_space<hbm>> -> memref<1x32xf32, #tpu.memory_space<hbm>>
        %dma_start3A_1534 = arith.constant 6 : i32
        %dma_start3A_1535 = arith.constant 0 : i32
        %dma_start3A_1536 = tpu.memref_slice %arg8[%dma_start3A_1534, %dma_start3A_1535] : memref<16x32xf32, #tpu.memory_space<vmem>> -> memref<1x32xf32, #tpu.memory_space<vmem>>
        %dma_start3A_1537 = arith.constant 0 : i32
        %dma_start3A_1538 = tpu.memref_slice %arg4[%squeeze3A_1528, %dma_start3A_1537] : memref<1000000x32xf32, #tpu.memory_space<hbm>> -> memref<1x32xf32, #tpu.memory_space<hbm>>
        tpu.enqueue_dma source(%dma_start3A_1538 : memref<1x32xf32, #tpu.memory_space<hbm>>) target(%dma_start3A_1536 : memref<1x32xf32, #tpu.memory_space<vmem>>) target_semaphore(%arg15 : memref<!tpu.dma_semaphore, #tpu.memory_space<semaphore_mem>>)
        %slice3A_1539 = vector.extract_strided_slice %get3A_1382 {offsets = [6], sizes = [1], strides = [1]} : vector<16xi32> to vector<1xi32>
        %squeeze3A_1540 = vector.extract %slice3A_1539[0] : i32 from vector<1xi32>
        %dma_start3A_1541 = arith.constant 6 : i32
        %dma_start3A_1542 = arith.constant 0 : i32
        %dma_start3A_1543 = tpu.memref_slice %arg10[%dma_start3A_1541, %dma_start3A_1542] : memref<16x32xf32, #tpu.memory_space<vmem>> -> memref<1x32xf32, #tpu.memory_space<vmem>>
        %dma_start3A_1544 = arith.constant 0 : i32
        %dma_start3A_1545 = tpu.memref_slice %arg4[%squeeze3A_1540, %dma_start3A_1544] : memref<1000000x32xf32, #tpu.memory_space<hbm>> -> memref<1x32xf32, #tpu.memory_space<hbm>>
        %dma_start3A_1546 = arith.constant 6 : i32
        %dma_start3A_1547 = arith.constant 0 : i32
        %dma_start3A_1548 = tpu.memref_slice %arg10[%dma_start3A_1546, %dma_start3A_1547] : memref<16x32xf32, #tpu.memory_space<vmem>> -> memref<1x32xf32, #tpu.memory_space<vmem>>
        %dma_start3A_1549 = arith.constant 0 : i32
        %dma_start3A_1550 = tpu.memref_slice %arg4[%squeeze3A_1540, %dma_start3A_1549] : memref<1000000x32xf32, #tpu.memory_space<hbm>> -> memref<1x32xf32, #tpu.memory_space<hbm>>
        tpu.enqueue_dma source(%dma_start3A_1550 : memref<1x32xf32, #tpu.memory_space<hbm>>) target(%dma_start3A_1548 : memref<1x32xf32, #tpu.memory_space<vmem>>) target_semaphore(%arg15 : memref<!tpu.dma_semaphore, #tpu.memory_space<semaphore_mem>>)
        %slice3A_1551 = vector.extract_strided_slice %get3A_1376 {offsets = [7], sizes = [1], strides = [1]} : vector<16xi32> to vector<1xi32>
        %squeeze3A_1552 = vector.extract %slice3A_1551[0] : i32 from vector<1xi32>
        %dma_start3A_1553 = arith.constant 7 : i32
        %dma_start3A_1554 = arith.constant 0 : i32
        %dma_start3A_1555 = tpu.memref_slice %arg8[%dma_start3A_1553, %dma_start3A_1554] : memref<16x32xf32, #tpu.memory_space<vmem>> -> memref<1x32xf32, #tpu.memory_space<vmem>>
        %dma_start3A_1556 = arith.constant 0 : i32
        %dma_start3A_1557 = tpu.memref_slice %arg4[%squeeze3A_1552, %dma_start3A_1556] : memref<1000000x32xf32, #tpu.memory_space<hbm>> -> memref<1x32xf32, #tpu.memory_space<hbm>>
        %dma_start3A_1558 = arith.constant 7 : i32
        %dma_start3A_1559 = arith.constant 0 : i32
        %dma_start3A_1560 = tpu.memref_slice %arg8[%dma_start3A_1558, %dma_start3A_1559] : memref<16x32xf32, #tpu.memory_space<vmem>> -> memref<1x32xf32, #tpu.memory_space<vmem>>
        %dma_start3A_1561 = arith.constant 0 : i32
        %dma_start3A_1562 = tpu.memref_slice %arg4[%squeeze3A_1552, %dma_start3A_1561] : memref<1000000x32xf32, #tpu.memory_space<hbm>> -> memref<1x32xf32, #tpu.memory_space<hbm>>
        tpu.enqueue_dma source(%dma_start3A_1562 : memref<1x32xf32, #tpu.memory_space<hbm>>) target(%dma_start3A_1560 : memref<1x32xf32, #tpu.memory_space<vmem>>) target_semaphore(%arg15 : memref<!tpu.dma_semaphore, #tpu.memory_space<semaphore_mem>>)
        %slice3A_1563 = vector.extract_strided_slice %get3A_1382 {offsets = [7], sizes = [1], strides = [1]} : vector<16xi32> to vector<1xi32>
        %squeeze3A_1564 = vector.extract %slice3A_1563[0] : i32 from vector<1xi32>
        %dma_start3A_1565 = arith.constant 7 : i32
        %dma_start3A_1566 = arith.constant 0 : i32
        %dma_start3A_1567 = tpu.memref_slice %arg10[%dma_start3A_1565, %dma_start3A_1566] : memref<16x32xf32, #tpu.memory_space<vmem>> -> memref<1x32xf32, #tpu.memory_space<vmem>>
        %dma_start3A_1568 = arith.constant 0 : i32
        %dma_start3A_1569 = tpu.memref_slice %arg4[%squeeze3A_1564, %dma_start3A_1568] : memref<1000000x32xf32, #tpu.memory_space<hbm>> -> memref<1x32xf32, #tpu.memory_space<hbm>>
        %dma_start3A_1570 = arith.constant 7 : i32
        %dma_start3A_1571 = arith.constant 0 : i32
        %dma_start3A_1572 = tpu.memref_slice %arg10[%dma_start3A_1570, %dma_start3A_1571] : memref<16x32xf32, #tpu.memory_space<vmem>> -> memref<1x32xf32, #tpu.memory_space<vmem>>
        %dma_start3A_1573 = arith.constant 0 : i32
        %dma_start3A_1574 = tpu.memref_slice %arg4[%squeeze3A_1564, %dma_start3A_1573] : memref<1000000x32xf32, #tpu.memory_space<hbm>> -> memref<1x32xf32, #tpu.memory_space<hbm>>
        tpu.enqueue_dma source(%dma_start3A_1574 : memref<1x32xf32, #tpu.memory_space<hbm>>) target(%dma_start3A_1572 : memref<1x32xf32, #tpu.memory_space<vmem>>) target_semaphore(%arg15 : memref<!tpu.dma_semaphore, #tpu.memory_space<semaphore_mem>>)
        %slice3A_1575 = vector.extract_strided_slice %get3A_1376 {offsets = [8], sizes = [1], strides = [1]} : vector<16xi32> to vector<1xi32>
        %squeeze3A_1576 = vector.extract %slice3A_1575[0] : i32 from vector<1xi32>
        %dma_start3A_1577 = arith.constant 8 : i32
        %dma_start3A_1578 = arith.constant 0 : i32
        %dma_start3A_1579 = tpu.memref_slice %arg8[%dma_start3A_1577, %dma_start3A_1578] : memref<16x32xf32, #tpu.memory_space<vmem>> -> memref<1x32xf32, #tpu.memory_space<vmem>>
        %dma_start3A_1580 = arith.constant 0 : i32
        %dma_start3A_1581 = tpu.memref_slice %arg4[%squeeze3A_1576, %dma_start3A_1580] : memref<1000000x32xf32, #tpu.memory_space<hbm>> -> memref<1x32xf32, #tpu.memory_space<hbm>>
        %dma_start3A_1582 = arith.constant 8 : i32
        %dma_start3A_1583 = arith.constant 0 : i32
        %dma_start3A_1584 = tpu.memref_slice %arg8[%dma_start3A_1582, %dma_start3A_1583] : memref<16x32xf32, #tpu.memory_space<vmem>> -> memref<1x32xf32, #tpu.memory_space<vmem>>
        %dma_start3A_1585 = arith.constant 0 : i32
        %dma_start3A_1586 = tpu.memref_slice %arg4[%squeeze3A_1576, %dma_start3A_1585] : memref<1000000x32xf32, #tpu.memory_space<hbm>> -> memref<1x32xf32, #tpu.memory_space<hbm>>
        tpu.enqueue_dma source(%dma_start3A_1586 : memref<1x32xf32, #tpu.memory_space<hbm>>) target(%dma_start3A_1584 : memref<1x32xf32, #tpu.memory_space<vmem>>) target_semaphore(%arg15 : memref<!tpu.dma_semaphore, #tpu.memory_space<semaphore_mem>>)
        %slice3A_1587 = vector.extract_strided_slice %get3A_1382 {offsets = [8], sizes = [1], strides = [1]} : vector<16xi32> to vector<1xi32>
        %squeeze3A_1588 = vector.extract %slice3A_1587[0] : i32 from vector<1xi32>
        %dma_start3A_1589 = arith.constant 8 : i32
        %dma_start3A_1590 = arith.constant 0 : i32
        %dma_start3A_1591 = tpu.memref_slice %arg10[%dma_start3A_1589, %dma_start3A_1590] : memref<16x32xf32, #tpu.memory_space<vmem>> -> memref<1x32xf32, #tpu.memory_space<vmem>>
        %dma_start3A_1592 = arith.constant 0 : i32
        %dma_start3A_1593 = tpu.memref_slice %arg4[%squeeze3A_1588, %dma_start3A_1592] : memref<1000000x32xf32, #tpu.memory_space<hbm>> -> memref<1x32xf32, #tpu.memory_space<hbm>>
        %dma_start3A_1594 = arith.constant 8 : i32
        %dma_start3A_1595 = arith.constant 0 : i32
        %dma_start3A_1596 = tpu.memref_slice %arg10[%dma_start3A_1594, %dma_start3A_1595] : memref<16x32xf32, #tpu.memory_space<vmem>> -> memref<1x32xf32, #tpu.memory_space<vmem>>
        %dma_start3A_1597 = arith.constant 0 : i32
        %dma_start3A_1598 = tpu.memref_slice %arg4[%squeeze3A_1588, %dma_start3A_1597] : memref<1000000x32xf32, #tpu.memory_space<hbm>> -> memref<1x32xf32, #tpu.memory_space<hbm>>
        tpu.enqueue_dma source(%dma_start3A_1598 : memref<1x32xf32, #tpu.memory_space<hbm>>) target(%dma_start3A_1596 : memref<1x32xf32, #tpu.memory_space<vmem>>) target_semaphore(%arg15 : memref<!tpu.dma_semaphore, #tpu.memory_space<semaphore_mem>>)
        %slice3A_1599 = vector.extract_strided_slice %get3A_1376 {offsets = [9], sizes = [1], strides = [1]} : vector<16xi32> to vector<1xi32>
        %squeeze3A_1600 = vector.extract %slice3A_1599[0] : i32 from vector<1xi32>
        %dma_start3A_1601 = arith.constant 9 : i32
        %dma_start3A_1602 = arith.constant 0 : i32
        %dma_start3A_1603 = tpu.memref_slice %arg8[%dma_start3A_1601, %dma_start3A_1602] : memref<16x32xf32, #tpu.memory_space<vmem>> -> memref<1x32xf32, #tpu.memory_space<vmem>>
        %dma_start3A_1604 = arith.constant 0 : i32
        %dma_start3A_1605 = tpu.memref_slice %arg4[%squeeze3A_1600, %dma_start3A_1604] : memref<1000000x32xf32, #tpu.memory_space<hbm>> -> memref<1x32xf32, #tpu.memory_space<hbm>>
        %dma_start3A_1606 = arith.constant 9 : i32
        %dma_start3A_1607 = arith.constant 0 : i32
        %dma_start3A_1608 = tpu.memref_slice %arg8[%dma_start3A_1606, %dma_start3A_1607] : memref<16x32xf32, #tpu.memory_space<vmem>> -> memref<1x32xf32, #tpu.memory_space<vmem>>
        %dma_start3A_1609 = arith.constant 0 : i32
        %dma_start3A_1610 = tpu.memref_slice %arg4[%squeeze3A_1600, %dma_start3A_1609] : memref<1000000x32xf32, #tpu.memory_space<hbm>> -> memref<1x32xf32, #tpu.memory_space<hbm>>
        tpu.enqueue_dma source(%dma_start3A_1610 : memref<1x32xf32, #tpu.memory_space<hbm>>) target(%dma_start3A_1608 : memref<1x32xf32, #tpu.memory_space<vmem>>) target_semaphore(%arg15 : memref<!tpu.dma_semaphore, #tpu.memory_space<semaphore_mem>>)
        %slice3A_1611 = vector.extract_strided_slice %get3A_1382 {offsets = [9], sizes = [1], strides = [1]} : vector<16xi32> to vector<1xi32>
        %squeeze3A_1612 = vector.extract %slice3A_1611[0] : i32 from vector<1xi32>
        %dma_start3A_1613 = arith.constant 9 : i32
        %dma_start3A_1614 = arith.constant 0 : i32
        %dma_start3A_1615 = tpu.memref_slice %arg10[%dma_start3A_1613, %dma_start3A_1614] : memref<16x32xf32, #tpu.memory_space<vmem>> -> memref<1x32xf32, #tpu.memory_space<vmem>>
        %dma_start3A_1616 = arith.constant 0 : i32
        %dma_start3A_1617 = tpu.memref_slice %arg4[%squeeze3A_1612, %dma_start3A_1616] : memref<1000000x32xf32, #tpu.memory_space<hbm>> -> memref<1x32xf32, #tpu.memory_space<hbm>>
        %dma_start3A_1618 = arith.constant 9 : i32
        %dma_start3A_1619 = arith.constant 0 : i32
        %dma_start3A_1620 = tpu.memref_slice %arg10[%dma_start3A_1618, %dma_start3A_1619] : memref<16x32xf32, #tpu.memory_space<vmem>> -> memref<1x32xf32, #tpu.memory_space<vmem>>
        %dma_start3A_1621 = arith.constant 0 : i32
        %dma_start3A_1622 = tpu.memref_slice %arg4[%squeeze3A_1612, %dma_start3A_1621] : memref<1000000x32xf32, #tpu.memory_space<hbm>> -> memref<1x32xf32, #tpu.memory_space<hbm>>
        tpu.enqueue_dma source(%dma_start3A_1622 : memref<1x32xf32, #tpu.memory_space<hbm>>) target(%dma_start3A_1620 : memref<1x32xf32, #tpu.memory_space<vmem>>) target_semaphore(%arg15 : memref<!tpu.dma_semaphore, #tpu.memory_space<semaphore_mem>>)
        %slice3A_1623 = vector.extract_strided_slice %get3A_1376 {offsets = [10], sizes = [1], strides = [1]} : vector<16xi32> to vector<1xi32>
        %squeeze3A_1624 = vector.extract %slice3A_1623[0] : i32 from vector<1xi32>
        %dma_start3A_1625 = arith.constant 10 : i32
        %dma_start3A_1626 = arith.constant 0 : i32
        %dma_start3A_1627 = tpu.memref_slice %arg8[%dma_start3A_1625, %dma_start3A_1626] : memref<16x32xf32, #tpu.memory_space<vmem>> -> memref<1x32xf32, #tpu.memory_space<vmem>>
        %dma_start3A_1628 = arith.constant 0 : i32
        %dma_start3A_1629 = tpu.memref_slice %arg4[%squeeze3A_1624, %dma_start3A_1628] : memref<1000000x32xf32, #tpu.memory_space<hbm>> -> memref<1x32xf32, #tpu.memory_space<hbm>>
        %dma_start3A_1630 = arith.constant 10 : i32
        %dma_start3A_1631 = arith.constant 0 : i32
        %dma_start3A_1632 = tpu.memref_slice %arg8[%dma_start3A_1630, %dma_start3A_1631] : memref<16x32xf32, #tpu.memory_space<vmem>> -> memref<1x32xf32, #tpu.memory_space<vmem>>
        %dma_start3A_1633 = arith.constant 0 : i32
        %dma_start3A_1634 = tpu.memref_slice %arg4[%squeeze3A_1624, %dma_start3A_1633] : memref<1000000x32xf32, #tpu.memory_space<hbm>> -> memref<1x32xf32, #tpu.memory_space<hbm>>
        tpu.enqueue_dma source(%dma_start3A_1634 : memref<1x32xf32, #tpu.memory_space<hbm>>) target(%dma_start3A_1632 : memref<1x32xf32, #tpu.memory_space<vmem>>) target_semaphore(%arg15 : memref<!tpu.dma_semaphore, #tpu.memory_space<semaphore_mem>>)
        %slice3A_1635 = vector.extract_strided_slice %get3A_1382 {offsets = [10], sizes = [1], strides = [1]} : vector<16xi32> to vector<1xi32>
        %squeeze3A_1636 = vector.extract %slice3A_1635[0] : i32 from vector<1xi32>
        %dma_start3A_1637 = arith.constant 10 : i32
        %dma_start3A_1638 = arith.constant 0 : i32
        %dma_start3A_1639 = tpu.memref_slice %arg10[%dma_start3A_1637, %dma_start3A_1638] : memref<16x32xf32, #tpu.memory_space<vmem>> -> memref<1x32xf32, #tpu.memory_space<vmem>>
        %dma_start3A_1640 = arith.constant 0 : i32
        %dma_start3A_1641 = tpu.memref_slice %arg4[%squeeze3A_1636, %dma_start3A_1640] : memref<1000000x32xf32, #tpu.memory_space<hbm>> -> memref<1x32xf32, #tpu.memory_space<hbm>>
        %dma_start3A_1642 = arith.constant 10 : i32
        %dma_start3A_1643 = arith.constant 0 : i32
        %dma_start3A_1644 = tpu.memref_slice %arg10[%dma_start3A_1642, %dma_start3A_1643] : memref<16x32xf32, #tpu.memory_space<vmem>> -> memref<1x32xf32, #tpu.memory_space<vmem>>
        %dma_start3A_1645 = arith.constant 0 : i32
        %dma_start3A_1646 = tpu.memref_slice %arg4[%squeeze3A_1636, %dma_start3A_1645] : memref<1000000x32xf32, #tpu.memory_space<hbm>> -> memref<1x32xf32, #tpu.memory_space<hbm>>
        tpu.enqueue_dma source(%dma_start3A_1646 : memref<1x32xf32, #tpu.memory_space<hbm>>) target(%dma_start3A_1644 : memref<1x32xf32, #tpu.memory_space<vmem>>) target_semaphore(%arg15 : memref<!tpu.dma_semaphore, #tpu.memory_space<semaphore_mem>>)
        %slice3A_1647 = vector.extract_strided_slice %get3A_1376 {offsets = [11], sizes = [1], strides = [1]} : vector<16xi32> to vector<1xi32>
        %squeeze3A_1648 = vector.extract %slice3A_1647[0] : i32 from vector<1xi32>
        %dma_start3A_1649 = arith.constant 11 : i32
        %dma_start3A_1650 = arith.constant 0 : i32
        %dma_start3A_1651 = tpu.memref_slice %arg8[%dma_start3A_1649, %dma_start3A_1650] : memref<16x32xf32, #tpu.memory_space<vmem>> -> memref<1x32xf32, #tpu.memory_space<vmem>>
        %dma_start3A_1652 = arith.constant 0 : i32
        %dma_start3A_1653 = tpu.memref_slice %arg4[%squeeze3A_1648, %dma_start3A_1652] : memref<1000000x32xf32, #tpu.memory_space<hbm>> -> memref<1x32xf32, #tpu.memory_space<hbm>>
        %dma_start3A_1654 = arith.constant 11 : i32
        %dma_start3A_1655 = arith.constant 0 : i32
        %dma_start3A_1656 = tpu.memref_slice %arg8[%dma_start3A_1654, %dma_start3A_1655] : memref<16x32xf32, #tpu.memory_space<vmem>> -> memref<1x32xf32, #tpu.memory_space<vmem>>
        %dma_start3A_1657 = arith.constant 0 : i32
        %dma_start3A_1658 = tpu.memref_slice %arg4[%squeeze3A_1648, %dma_start3A_1657] : memref<1000000x32xf32, #tpu.memory_space<hbm>> -> memref<1x32xf32, #tpu.memory_space<hbm>>
        tpu.enqueue_dma source(%dma_start3A_1658 : memref<1x32xf32, #tpu.memory_space<hbm>>) target(%dma_start3A_1656 : memref<1x32xf32, #tpu.memory_space<vmem>>) target_semaphore(%arg15 : memref<!tpu.dma_semaphore, #tpu.memory_space<semaphore_mem>>)
        %slice3A_1659 = vector.extract_strided_slice %get3A_1382 {offsets = [11], sizes = [1], strides = [1]} : vector<16xi32> to vector<1xi32>
        %squeeze3A_1660 = vector.extract %slice3A_1659[0] : i32 from vector<1xi32>
        %dma_start3A_1661 = arith.constant 11 : i32
        %dma_start3A_1662 = arith.constant 0 : i32
        %dma_start3A_1663 = tpu.memref_slice %arg10[%dma_start3A_1661, %dma_start3A_1662] : memref<16x32xf32, #tpu.memory_space<vmem>> -> memref<1x32xf32, #tpu.memory_space<vmem>>
        %dma_start3A_1664 = arith.constant 0 : i32
        %dma_start3A_1665 = tpu.memref_slice %arg4[%squeeze3A_1660, %dma_start3A_1664] : memref<1000000x32xf32, #tpu.memory_space<hbm>> -> memref<1x32xf32, #tpu.memory_space<hbm>>
        %dma_start3A_1666 = arith.constant 11 : i32
        %dma_start3A_1667 = arith.constant 0 : i32
        %dma_start3A_1668 = tpu.memref_slice %arg10[%dma_start3A_1666, %dma_start3A_1667] : memref<16x32xf32, #tpu.memory_space<vmem>> -> memref<1x32xf32, #tpu.memory_space<vmem>>
        %dma_start3A_1669 = arith.constant 0 : i32
        %dma_start3A_1670 = tpu.memref_slice %arg4[%squeeze3A_1660, %dma_start3A_1669] : memref<1000000x32xf32, #tpu.memory_space<hbm>> -> memref<1x32xf32, #tpu.memory_space<hbm>>
        tpu.enqueue_dma source(%dma_start3A_1670 : memref<1x32xf32, #tpu.memory_space<hbm>>) target(%dma_start3A_1668 : memref<1x32xf32, #tpu.memory_space<vmem>>) target_semaphore(%arg15 : memref<!tpu.dma_semaphore, #tpu.memory_space<semaphore_mem>>)
        %slice3A_1671 = vector.extract_strided_slice %get3A_1376 {offsets = [12], sizes = [1], strides = [1]} : vector<16xi32> to vector<1xi32>
        %squeeze3A_1672 = vector.extract %slice3A_1671[0] : i32 from vector<1xi32>
        %dma_start3A_1673 = arith.constant 12 : i32
        %dma_start3A_1674 = arith.constant 0 : i32
        %dma_start3A_1675 = tpu.memref_slice %arg8[%dma_start3A_1673, %dma_start3A_1674] : memref<16x32xf32, #tpu.memory_space<vmem>> -> memref<1x32xf32, #tpu.memory_space<vmem>>
        %dma_start3A_1676 = arith.constant 0 : i32
        %dma_start3A_1677 = tpu.memref_slice %arg4[%squeeze3A_1672, %dma_start3A_1676] : memref<1000000x32xf32, #tpu.memory_space<hbm>> -> memref<1x32xf32, #tpu.memory_space<hbm>>
        %dma_start3A_1678 = arith.constant 12 : i32
        %dma_start3A_1679 = arith.constant 0 : i32
        %dma_start3A_1680 = tpu.memref_slice %arg8[%dma_start3A_1678, %dma_start3A_1679] : memref<16x32xf32, #tpu.memory_space<vmem>> -> memref<1x32xf32, #tpu.memory_space<vmem>>
        %dma_start3A_1681 = arith.constant 0 : i32
        %dma_start3A_1682 = tpu.memref_slice %arg4[%squeeze3A_1672, %dma_start3A_1681] : memref<1000000x32xf32, #tpu.memory_space<hbm>> -> memref<1x32xf32, #tpu.memory_space<hbm>>
        tpu.enqueue_dma source(%dma_start3A_1682 : memref<1x32xf32, #tpu.memory_space<hbm>>) target(%dma_start3A_1680 : memref<1x32xf32, #tpu.memory_space<vmem>>) target_semaphore(%arg15 : memref<!tpu.dma_semaphore, #tpu.memory_space<semaphore_mem>>)
        %slice3A_1683 = vector.extract_strided_slice %get3A_1382 {offsets = [12], sizes = [1], strides = [1]} : vector<16xi32> to vector<1xi32>
        %squeeze3A_1684 = vector.extract %slice3A_1683[0] : i32 from vector<1xi32>
        %dma_start3A_1685 = arith.constant 12 : i32
        %dma_start3A_1686 = arith.constant 0 : i32
        %dma_start3A_1687 = tpu.memref_slice %arg10[%dma_start3A_1685, %dma_start3A_1686] : memref<16x32xf32, #tpu.memory_space<vmem>> -> memref<1x32xf32, #tpu.memory_space<vmem>>
        %dma_start3A_1688 = arith.constant 0 : i32
        %dma_start3A_1689 = tpu.memref_slice %arg4[%squeeze3A_1684, %dma_start3A_1688] : memref<1000000x32xf32, #tpu.memory_space<hbm>> -> memref<1x32xf32, #tpu.memory_space<hbm>>
        %dma_start3A_1690 = arith.constant 12 : i32
        %dma_start3A_1691 = arith.constant 0 : i32
        %dma_start3A_1692 = tpu.memref_slice %arg10[%dma_start3A_1690, %dma_start3A_1691] : memref<16x32xf32, #tpu.memory_space<vmem>> -> memref<1x32xf32, #tpu.memory_space<vmem>>
        %dma_start3A_1693 = arith.constant 0 : i32
        %dma_start3A_1694 = tpu.memref_slice %arg4[%squeeze3A_1684, %dma_start3A_1693] : memref<1000000x32xf32, #tpu.memory_space<hbm>> -> memref<1x32xf32, #tpu.memory_space<hbm>>
        tpu.enqueue_dma source(%dma_start3A_1694 : memref<1x32xf32, #tpu.memory_space<hbm>>) target(%dma_start3A_1692 : memref<1x32xf32, #tpu.memory_space<vmem>>) target_semaphore(%arg15 : memref<!tpu.dma_semaphore, #tpu.memory_space<semaphore_mem>>)
        %slice3A_1695 = vector.extract_strided_slice %get3A_1376 {offsets = [13], sizes = [1], strides = [1]} : vector<16xi32> to vector<1xi32>
        %squeeze3A_1696 = vector.extract %slice3A_1695[0] : i32 from vector<1xi32>
        %dma_start3A_1697 = arith.constant 13 : i32
        %dma_start3A_1698 = arith.constant 0 : i32
        %dma_start3A_1699 = tpu.memref_slice %arg8[%dma_start3A_1697, %dma_start3A_1698] : memref<16x32xf32, #tpu.memory_space<vmem>> -> memref<1x32xf32, #tpu.memory_space<vmem>>
        %dma_start3A_1700 = arith.constant 0 : i32
        %dma_start3A_1701 = tpu.memref_slice %arg4[%squeeze3A_1696, %dma_start3A_1700] : memref<1000000x32xf32, #tpu.memory_space<hbm>> -> memref<1x32xf32, #tpu.memory_space<hbm>>
        %dma_start3A_1702 = arith.constant 13 : i32
        %dma_start3A_1703 = arith.constant 0 : i32
        %dma_start3A_1704 = tpu.memref_slice %arg8[%dma_start3A_1702, %dma_start3A_1703] : memref<16x32xf32, #tpu.memory_space<vmem>> -> memref<1x32xf32, #tpu.memory_space<vmem>>
        %dma_start3A_1705 = arith.constant 0 : i32
        %dma_start3A_1706 = tpu.memref_slice %arg4[%squeeze3A_1696, %dma_start3A_1705] : memref<1000000x32xf32, #tpu.memory_space<hbm>> -> memref<1x32xf32, #tpu.memory_space<hbm>>
        tpu.enqueue_dma source(%dma_start3A_1706 : memref<1x32xf32, #tpu.memory_space<hbm>>) target(%dma_start3A_1704 : memref<1x32xf32, #tpu.memory_space<vmem>>) target_semaphore(%arg15 : memref<!tpu.dma_semaphore, #tpu.memory_space<semaphore_mem>>)
        %slice3A_1707 = vector.extract_strided_slice %get3A_1382 {offsets = [13], sizes = [1], strides = [1]} : vector<16xi32> to vector<1xi32>
        %squeeze3A_1708 = vector.extract %slice3A_1707[0] : i32 from vector<1xi32>
        %dma_start3A_1709 = arith.constant 13 : i32
        %dma_start3A_1710 = arith.constant 0 : i32
        %dma_start3A_1711 = tpu.memref_slice %arg10[%dma_start3A_1709, %dma_start3A_1710] : memref<16x32xf32, #tpu.memory_space<vmem>> -> memref<1x32xf32, #tpu.memory_space<vmem>>
        %dma_start3A_1712 = arith.constant 0 : i32
        %dma_start3A_1713 = tpu.memref_slice %arg4[%squeeze3A_1708, %dma_start3A_1712] : memref<1000000x32xf32, #tpu.memory_space<hbm>> -> memref<1x32xf32, #tpu.memory_space<hbm>>
        %dma_start3A_1714 = arith.constant 13 : i32
        %dma_start3A_1715 = arith.constant 0 : i32
        %dma_start3A_1716 = tpu.memref_slice %arg10[%dma_start3A_1714, %dma_start3A_1715] : memref<16x32xf32, #tpu.memory_space<vmem>> -> memref<1x32xf32, #tpu.memory_space<vmem>>
        %dma_start3A_1717 = arith.constant 0 : i32
        %dma_start3A_1718 = tpu.memref_slice %arg4[%squeeze3A_1708, %dma_start3A_1717] : memref<1000000x32xf32, #tpu.memory_space<hbm>> -> memref<1x32xf32, #tpu.memory_space<hbm>>
        tpu.enqueue_dma source(%dma_start3A_1718 : memref<1x32xf32, #tpu.memory_space<hbm>>) target(%dma_start3A_1716 : memref<1x32xf32, #tpu.memory_space<vmem>>) target_semaphore(%arg15 : memref<!tpu.dma_semaphore, #tpu.memory_space<semaphore_mem>>)
        %slice3A_1719 = vector.extract_strided_slice %get3A_1376 {offsets = [14], sizes = [1], strides = [1]} : vector<16xi32> to vector<1xi32>
        %squeeze3A_1720 = vector.extract %slice3A_1719[0] : i32 from vector<1xi32>
        %dma_start3A_1721 = arith.constant 14 : i32
        %dma_start3A_1722 = arith.constant 0 : i32
        %dma_start3A_1723 = tpu.memref_slice %arg8[%dma_start3A_1721, %dma_start3A_1722] : memref<16x32xf32, #tpu.memory_space<vmem>> -> memref<1x32xf32, #tpu.memory_space<vmem>>
        %dma_start3A_1724 = arith.constant 0 : i32
        %dma_start3A_1725 = tpu.memref_slice %arg4[%squeeze3A_1720, %dma_start3A_1724] : memref<1000000x32xf32, #tpu.memory_space<hbm>> -> memref<1x32xf32, #tpu.memory_space<hbm>>
        %dma_start3A_1726 = arith.constant 14 : i32
        %dma_start3A_1727 = arith.constant 0 : i32
        %dma_start3A_1728 = tpu.memref_slice %arg8[%dma_start3A_1726, %dma_start3A_1727] : memref<16x32xf32, #tpu.memory_space<vmem>> -> memref<1x32xf32, #tpu.memory_space<vmem>>
        %dma_start3A_1729 = arith.constant 0 : i32
        %dma_start3A_1730 = tpu.memref_slice %arg4[%squeeze3A_1720, %dma_start3A_1729] : memref<1000000x32xf32, #tpu.memory_space<hbm>> -> memref<1x32xf32, #tpu.memory_space<hbm>>
        tpu.enqueue_dma source(%dma_start3A_1730 : memref<1x32xf32, #tpu.memory_space<hbm>>) target(%dma_start3A_1728 : memref<1x32xf32, #tpu.memory_space<vmem>>) target_semaphore(%arg15 : memref<!tpu.dma_semaphore, #tpu.memory_space<semaphore_mem>>)
        %slice3A_1731 = vector.extract_strided_slice %get3A_1382 {offsets = [14], sizes = [1], strides = [1]} : vector<16xi32> to vector<1xi32>
        %squeeze3A_1732 = vector.extract %slice3A_1731[0] : i32 from vector<1xi32>
        %dma_start3A_1733 = arith.constant 14 : i32
        %dma_start3A_1734 = arith.constant 0 : i32
        %dma_start3A_1735 = tpu.memref_slice %arg10[%dma_start3A_1733, %dma_start3A_1734] : memref<16x32xf32, #tpu.memory_space<vmem>> -> memref<1x32xf32, #tpu.memory_space<vmem>>
        %dma_start3A_1736 = arith.constant 0 : i32
        %dma_start3A_1737 = tpu.memref_slice %arg4[%squeeze3A_1732, %dma_start3A_1736] : memref<1000000x32xf32, #tpu.memory_space<hbm>> -> memref<1x32xf32, #tpu.memory_space<hbm>>
        %dma_start3A_1738 = arith.constant 14 : i32
        %dma_start3A_1739 = arith.constant 0 : i32
        %dma_start3A_1740 = tpu.memref_slice %arg10[%dma_start3A_1738, %dma_start3A_1739] : memref<16x32xf32, #tpu.memory_space<vmem>> -> memref<1x32xf32, #tpu.memory_space<vmem>>
        %dma_start3A_1741 = arith.constant 0 : i32
        %dma_start3A_1742 = tpu.memref_slice %arg4[%squeeze3A_1732, %dma_start3A_1741] : memref<1000000x32xf32, #tpu.memory_space<hbm>> -> memref<1x32xf32, #tpu.memory_space<hbm>>
        tpu.enqueue_dma source(%dma_start3A_1742 : memref<1x32xf32, #tpu.memory_space<hbm>>) target(%dma_start3A_1740 : memref<1x32xf32, #tpu.memory_space<vmem>>) target_semaphore(%arg15 : memref<!tpu.dma_semaphore, #tpu.memory_space<semaphore_mem>>)
        %slice3A_1743 = vector.extract_strided_slice %get3A_1376 {offsets = [15], sizes = [1], strides = [1]} : vector<16xi32> to vector<1xi32>
        %squeeze3A_1744 = vector.extract %slice3A_1743[0] : i32 from vector<1xi32>
        %dma_start3A_1745 = arith.constant 15 : i32
        %dma_start3A_1746 = arith.constant 0 : i32
        %dma_start3A_1747 = tpu.memref_slice %arg8[%dma_start3A_1745, %dma_start3A_1746] : memref<16x32xf32, #tpu.memory_space<vmem>> -> memref<1x32xf32, #tpu.memory_space<vmem>>
        %dma_start3A_1748 = arith.constant 0 : i32
        %dma_start3A_1749 = tpu.memref_slice %arg4[%squeeze3A_1744, %dma_start3A_1748] : memref<1000000x32xf32, #tpu.memory_space<hbm>> -> memref<1x32xf32, #tpu.memory_space<hbm>>
        %dma_start3A_1750 = arith.constant 15 : i32
        %dma_start3A_1751 = arith.constant 0 : i32
        %dma_start3A_1752 = tpu.memref_slice %arg8[%dma_start3A_1750, %dma_start3A_1751] : memref<16x32xf32, #tpu.memory_space<vmem>> -> memref<1x32xf32, #tpu.memory_space<vmem>>
        %dma_start3A_1753 = arith.constant 0 : i32
        %dma_start3A_1754 = tpu.memref_slice %arg4[%squeeze3A_1744, %dma_start3A_1753] : memref<1000000x32xf32, #tpu.memory_space<hbm>> -> memref<1x32xf32, #tpu.memory_space<hbm>>
        tpu.enqueue_dma source(%dma_start3A_1754 : memref<1x32xf32, #tpu.memory_space<hbm>>) target(%dma_start3A_1752 : memref<1x32xf32, #tpu.memory_space<vmem>>) target_semaphore(%arg15 : memref<!tpu.dma_semaphore, #tpu.memory_space<semaphore_mem>>)
        %slice3A_1755 = vector.extract_strided_slice %get3A_1382 {offsets = [15], sizes = [1], strides = [1]} : vector<16xi32> to vector<1xi32>
        %squeeze3A_1756 = vector.extract %slice3A_1755[0] : i32 from vector<1xi32>
        %dma_start3A_1757 = arith.constant 15 : i32
        %dma_start3A_1758 = arith.constant 0 : i32
        %dma_start3A_1759 = tpu.memref_slice %arg10[%dma_start3A_1757, %dma_start3A_1758] : memref<16x32xf32, #tpu.memory_space<vmem>> -> memref<1x32xf32, #tpu.memory_space<vmem>>
        %dma_start3A_1760 = arith.constant 0 : i32
        %dma_start3A_1761 = tpu.memref_slice %arg4[%squeeze3A_1756, %dma_start3A_1760] : memref<1000000x32xf32, #tpu.memory_space<hbm>> -> memref<1x32xf32, #tpu.memory_space<hbm>>
        %dma_start3A_1762 = arith.constant 15 : i32
        %dma_start3A_1763 = arith.constant 0 : i32
        %dma_start3A_1764 = tpu.memref_slice %arg10[%dma_start3A_1762, %dma_start3A_1763] : memref<16x32xf32, #tpu.memory_space<vmem>> -> memref<1x32xf32, #tpu.memory_space<vmem>>
        %dma_start3A_1765 = arith.constant 0 : i32
        %dma_start3A_1766 = tpu.memref_slice %arg4[%squeeze3A_1756, %dma_start3A_1765] : memref<1000000x32xf32, #tpu.memory_space<hbm>> -> memref<1x32xf32, #tpu.memory_space<hbm>>
        tpu.enqueue_dma source(%dma_start3A_1766 : memref<1x32xf32, #tpu.memory_space<hbm>>) target(%dma_start3A_1764 : memref<1x32xf32, #tpu.memory_space<vmem>>) target_semaphore(%arg15 : memref<!tpu.dma_semaphore, #tpu.memory_space<semaphore_mem>>)
      } else {
      }
      %dma_wait3A_893 = arith.constant 0 : i32
      %dma_wait3A_894 = arith.constant 0 : i32
      %dma_wait3A_895 = tpu.memref_slice %arg4[%dma_wait3A_893, %dma_wait3A_894] : memref<1000000x32xf32, #tpu.memory_space<hbm>> -> memref<16x32xf32, #tpu.memory_space<hbm>>
      %dma_wait3A_896 = arith.constant 0 : i32
      %dma_wait3A_897 = arith.constant 0 : i32
      %dma_wait3A_898 = tpu.memref_slice %arg4[%dma_wait3A_896, %dma_wait3A_897] : memref<1000000x32xf32, #tpu.memory_space<hbm>> -> memref<16x32xf32, #tpu.memory_space<hbm>>
      tpu.wait_dma2 semaphore(%arg16 : memref<!tpu.dma_semaphore, #tpu.memory_space<semaphore_mem>>) src(%dma_wait3A_898 : memref<16x32xf32, #tpu.memory_space<hbm>>) dst(%arg9 : memref<16x32xf32, #tpu.memory_space<vmem>>)
      %dma_wait3A_899 = arith.constant 0 : i32
      %dma_wait3A_900 = arith.constant 0 : i32
      %dma_wait3A_901 = tpu.memref_slice %arg4[%dma_wait3A_899, %dma_wait3A_900] : memref<1000000x32xf32, #tpu.memory_space<hbm>> -> memref<16x32xf32, #tpu.memory_space<hbm>>
      %dma_wait3A_902 = arith.constant 0 : i32
      %dma_wait3A_903 = arith.constant 0 : i32
      %dma_wait3A_904 = tpu.memref_slice %arg4[%dma_wait3A_902, %dma_wait3A_903] : memref<1000000x32xf32, #tpu.memory_space<hbm>> -> memref<16x32xf32, #tpu.memory_space<hbm>>
      tpu.wait_dma2 semaphore(%arg16 : memref<!tpu.dma_semaphore, #tpu.memory_space<semaphore_mem>>) src(%dma_wait3A_904 : memref<16x32xf32, #tpu.memory_space<hbm>>) dst(%arg11 : memref<16x32xf32, #tpu.memory_space<vmem>>)
      %get3A_905 = arith.constant 0 : i32
      %get3A_906 = arith.index_cast %get3A_905 : i32 to index
      %get3A_907 = arith.constant 0 : index
      %get3A_908 = tpu.vector_load %arg9[%get3A_906, %get3A_907] {strides = array<i32>} : memref<16x32xf32, #tpu.memory_space<vmem>>, vector<16xf32>,
      %get3A_909 = arith.constant 0 : i32
      %get3A_910 = arith.index_cast %get3A_909 : i32 to index
      %get3A_911 = arith.constant 16 : index
      %get3A_912 = tpu.vector_load %arg9[%get3A_910, %get3A_911] {strides = array<i32>} : memref<16x32xf32, #tpu.memory_space<vmem>>, vector<16xf32>,
      %get3A_913 = arith.constant 0 : i32
      %get3A_914 = arith.index_cast %get3A_913 : i32 to index
      %get3A_915 = arith.constant 0 : index
      %get3A_916 = tpu.vector_load %arg11[%get3A_914, %get3A_915] {strides = array<i32>} : memref<16x32xf32, #tpu.memory_space<vmem>>, vector<16xf32>,
      %get3A_917 = arith.constant 0 : i32
      %get3A_918 = arith.index_cast %get3A_917 : i32 to index
      %get3A_919 = arith.constant 16 : index
      %get3A_920 = tpu.vector_load %arg11[%get3A_918, %get3A_919] {strides = array<i32>} : memref<16x32xf32, #tpu.memory_space<vmem>>, vector<16xf32>,
      %mul3A_921 = arith.mulf %get3A_908, %get3A_916 : vector<16xf32>
      %mul3A_922 = arith.mulf %mul3A_921, %get3A_1 : vector<16xf32>
      %mul3A_923 = arith.mulf %get3A_912, %get3A_920 : vector<16xf32>
      %mul3A_924 = arith.mulf %mul3A_923, %get3A_3 : vector<16xf32>
      %add3A_925 = arith.addf %mul3A_922, %mul3A_924 : vector<16xf32>
      %swap3A_926 = arith.constant 0 : index
      %swap3A_927 = tpu.vector_load %arg12[%swap3A_926] {strides = array<i32>} : memref<256xf32, #tpu.memory_space<vmem>>, vector<16xf32>,
      tpu.vector_store %arg12[%swap3A_926], %add3A_925 {strides = array<i32>} : memref<256xf32, #tpu.memory_space<vmem>>, vector<16xf32>,
      %get3A_928 = arith.constant 1 : i32
      %get3A_929 = arith.index_cast %get3A_928 : i32 to index
      %get3A_930 = arith.constant 0 : index
      %get3A_931 = tpu.vector_load %arg9[%get3A_929, %get3A_930] {strides = array<i32>} : memref<16x32xf32, #tpu.memory_space<vmem>>, vector<16xf32>,
      %get3A_932 = arith.constant 1 : i32
      %get3A_933 = arith.index_cast %get3A_932 : i32 to index
      %get3A_934 = arith.constant 16 : index
      %get3A_935 = tpu.vector_load %arg9[%get3A_933, %get3A_934] {strides = array<i32>} : memref<16x32xf32, #tpu.memory_space<vmem>>, vector<16xf32>,
      %get3A_936 = arith.constant 1 : i32
      %get3A_937 = arith.index_cast %get3A_936 : i32 to index
      %get3A_938 = arith.constant 0 : index
      %get3A_939 = tpu.vector_load %arg11[%get3A_937, %get3A_938] {strides = array<i32>} : memref<16x32xf32, #tpu.memory_space<vmem>>, vector<16xf32>,
      %get3A_940 = arith.constant 1 : i32
      %get3A_941 = arith.index_cast %get3A_940 : i32 to index
      %get3A_942 = arith.constant 16 : index
      %get3A_943 = tpu.vector_load %arg11[%get3A_941, %get3A_942] {strides = array<i32>} : memref<16x32xf32, #tpu.memory_space<vmem>>, vector<16xf32>,
      %mul3A_944 = arith.mulf %get3A_931, %get3A_939 : vector<16xf32>
      %mul3A_945 = arith.mulf %mul3A_944, %get3A_1 : vector<16xf32>
      %mul3A_946 = arith.mulf %get3A_935, %get3A_943 : vector<16xf32>
      %mul3A_947 = arith.mulf %mul3A_946, %get3A_3 : vector<16xf32>
      %add3A_948 = arith.addf %mul3A_945, %mul3A_947 : vector<16xf32>
      %swap3A_949 = arith.constant 16 : index
      %swap3A_950 = tpu.vector_load %arg12[%swap3A_949] {strides = array<i32>} : memref<256xf32, #tpu.memory_space<vmem>>, vector<16xf32>,
      tpu.vector_store %arg12[%swap3A_949], %add3A_948 {strides = array<i32>} : memref<256xf32, #tpu.memory_space<vmem>>, vector<16xf32>,
      %get3A_951 = arith.constant 2 : i32
      %get3A_952 = arith.index_cast %get3A_951 : i32 to index
      %get3A_953 = arith.constant 0 : index
      %get3A_954 = tpu.vector_load %arg9[%get3A_952, %get3A_953] {strides = array<i32>} : memref<16x32xf32, #tpu.memory_space<vmem>>, vector<16xf32>,
      %get3A_955 = arith.constant 2 : i32
      %get3A_956 = arith.index_cast %get3A_955 : i32 to index
      %get3A_957 = arith.constant 16 : index
      %get3A_958 = tpu.vector_load %arg9[%get3A_956, %get3A_957] {strides = array<i32>} : memref<16x32xf32, #tpu.memory_space<vmem>>, vector<16xf32>,
      %get3A_959 = arith.constant 2 : i32
      %get3A_960 = arith.index_cast %get3A_959 : i32 to index
      %get3A_961 = arith.constant 0 : index
      %get3A_962 = tpu.vector_load %arg11[%get3A_960, %get3A_961] {strides = array<i32>} : memref<16x32xf32, #tpu.memory_space<vmem>>, vector<16xf32>,
      %get3A_963 = arith.constant 2 : i32
      %get3A_964 = arith.index_cast %get3A_963 : i32 to index
      %get3A_965 = arith.constant 16 : index
      %get3A_966 = tpu.vector_load %arg11[%get3A_964, %get3A_965] {strides = array<i32>} : memref<16x32xf32, #tpu.memory_space<vmem>>, vector<16xf32>,
      %mul3A_967 = arith.mulf %get3A_954, %get3A_962 : vector<16xf32>
      %mul3A_968 = arith.mulf %mul3A_967, %get3A_1 : vector<16xf32>
      %mul3A_969 = arith.mulf %get3A_958, %get3A_966 : vector<16xf32>
      %mul3A_970 = arith.mulf %mul3A_969, %get3A_3 : vector<16xf32>
      %add3A_971 = arith.addf %mul3A_968, %mul3A_970 : vector<16xf32>
      %swap3A_972 = arith.constant 32 : index
      %swap3A_973 = tpu.vector_load %arg12[%swap3A_972] {strides = array<i32>} : memref<256xf32, #tpu.memory_space<vmem>>, vector<16xf32>,
      tpu.vector_store %arg12[%swap3A_972], %add3A_971 {strides = array<i32>} : memref<256xf32, #tpu.memory_space<vmem>>, vector<16xf32>,
      %get3A_974 = arith.constant 3 : i32
      %get3A_975 = arith.index_cast %get3A_974 : i32 to index
      %get3A_976 = arith.constant 0 : index
      %get3A_977 = tpu.vector_load %arg9[%get3A_975, %get3A_976] {strides = array<i32>} : memref<16x32xf32, #tpu.memory_space<vmem>>, vector<16xf32>,
      %get3A_978 = arith.constant 3 : i32
      %get3A_979 = arith.index_cast %get3A_978 : i32 to index
      %get3A_980 = arith.constant 16 : index
      %get3A_981 = tpu.vector_load %arg9[%get3A_979, %get3A_980] {strides = array<i32>} : memref<16x32xf32, #tpu.memory_space<vmem>>, vector<16xf32>,
      %get3A_982 = arith.constant 3 : i32
      %get3A_983 = arith.index_cast %get3A_982 : i32 to index
      %get3A_984 = arith.constant 0 : index
      %get3A_985 = tpu.vector_load %arg11[%get3A_983, %get3A_984] {strides = array<i32>} : memref<16x32xf32, #tpu.memory_space<vmem>>, vector<16xf32>,
      %get3A_986 = arith.constant 3 : i32
      %get3A_987 = arith.index_cast %get3A_986 : i32 to index
      %get3A_988 = arith.constant 16 : index
      %get3A_989 = tpu.vector_load %arg11[%get3A_987, %get3A_988] {strides = array<i32>} : memref<16x32xf32, #tpu.memory_space<vmem>>, vector<16xf32>,
      %mul3A_990 = arith.mulf %get3A_977, %get3A_985 : vector<16xf32>
      %mul3A_991 = arith.mulf %mul3A_990, %get3A_1 : vector<16xf32>
      %mul3A_992 = arith.mulf %get3A_981, %get3A_989 : vector<16xf32>
      %mul3A_993 = arith.mulf %mul3A_992, %get3A_3 : vector<16xf32>
      %add3A_994 = arith.addf %mul3A_991, %mul3A_993 : vector<16xf32>
      %swap3A_995 = arith.constant 48 : index
      %swap3A_996 = tpu.vector_load %arg12[%swap3A_995] {strides = array<i32>} : memref<256xf32, #tpu.memory_space<vmem>>, vector<16xf32>,
      tpu.vector_store %arg12[%swap3A_995], %add3A_994 {strides = array<i32>} : memref<256xf32, #tpu.memory_space<vmem>>, vector<16xf32>,
      %get3A_997 = arith.constant 4 : i32
      %get3A_998 = arith.index_cast %get3A_997 : i32 to index
      %get3A_999 = arith.constant 0 : index
      %get3A_1000 = tpu.vector_load %arg9[%get3A_998, %get3A_999] {strides = array<i32>} : memref<16x32xf32, #tpu.memory_space<vmem>>, vector<16xf32>,
      %get3A_1001 = arith.constant 4 : i32
      %get3A_1002 = arith.index_cast %get3A_1001 : i32 to index
      %get3A_1003 = arith.constant 16 : index
      %get3A_1004 = tpu.vector_load %arg9[%get3A_1002, %get3A_1003] {strides = array<i32>} : memref<16x32xf32, #tpu.memory_space<vmem>>, vector<16xf32>,
      %get3A_1005 = arith.constant 4 : i32
      %get3A_1006 = arith.index_cast %get3A_1005 : i32 to index
      %get3A_1007 = arith.constant 0 : index
      %get3A_1008 = tpu.vector_load %arg11[%get3A_1006, %get3A_1007] {strides = array<i32>} : memref<16x32xf32, #tpu.memory_space<vmem>>, vector<16xf32>,
      %get3A_1009 = arith.constant 4 : i32
      %get3A_1010 = arith.index_cast %get3A_1009 : i32 to index
      %get3A_1011 = arith.constant 16 : index
      %get3A_1012 = tpu.vector_load %arg11[%get3A_1010, %get3A_1011] {strides = array<i32>} : memref<16x32xf32, #tpu.memory_space<vmem>>, vector<16xf32>,
      %mul3A_1013 = arith.mulf %get3A_1000, %get3A_1008 : vector<16xf32>
      %mul3A_1014 = arith.mulf %mul3A_1013, %get3A_1 : vector<16xf32>
      %mul3A_1015 = arith.mulf %get3A_1004, %get3A_1012 : vector<16xf32>
      %mul3A_1016 = arith.mulf %mul3A_1015, %get3A_3 : vector<16xf32>
      %add3A_1017 = arith.addf %mul3A_1014, %mul3A_1016 : vector<16xf32>
      %swap3A_1018 = arith.constant 64 : index
      %swap3A_1019 = tpu.vector_load %arg12[%swap3A_1018] {strides = array<i32>} : memref<256xf32, #tpu.memory_space<vmem>>, vector<16xf32>,
      tpu.vector_store %arg12[%swap3A_1018], %add3A_1017 {strides = array<i32>} : memref<256xf32, #tpu.memory_space<vmem>>, vector<16xf32>,
      %get3A_1020 = arith.constant 5 : i32
      %get3A_1021 = arith.index_cast %get3A_1020 : i32 to index
      %get3A_1022 = arith.constant 0 : index
      %get3A_1023 = tpu.vector_load %arg9[%get3A_1021, %get3A_1022] {strides = array<i32>} : memref<16x32xf32, #tpu.memory_space<vmem>>, vector<16xf32>,
      %get3A_1024 = arith.constant 5 : i32
      %get3A_1025 = arith.index_cast %get3A_1024 : i32 to index
      %get3A_1026 = arith.constant 16 : index
      %get3A_1027 = tpu.vector_load %arg9[%get3A_1025, %get3A_1026] {strides = array<i32>} : memref<16x32xf32, #tpu.memory_space<vmem>>, vector<16xf32>,
      %get3A_1028 = arith.constant 5 : i32
      %get3A_1029 = arith.index_cast %get3A_1028 : i32 to index
      %get3A_1030 = arith.constant 0 : index
      %get3A_1031 = tpu.vector_load %arg11[%get3A_1029, %get3A_1030] {strides = array<i32>} : memref<16x32xf32, #tpu.memory_space<vmem>>, vector<16xf32>,
      %get3A_1032 = arith.constant 5 : i32
      %get3A_1033 = arith.index_cast %get3A_1032 : i32 to index
      %get3A_1034 = arith.constant 16 : index
      %get3A_1035 = tpu.vector_load %arg11[%get3A_1033, %get3A_1034] {strides = array<i32>} : memref<16x32xf32, #tpu.memory_space<vmem>>, vector<16xf32>,
      %mul3A_1036 = arith.mulf %get3A_1023, %get3A_1031 : vector<16xf32>
      %mul3A_1037 = arith.mulf %mul3A_1036, %get3A_1 : vector<16xf32>
      %mul3A_1038 = arith.mulf %get3A_1027, %get3A_1035 : vector<16xf32>
      %mul3A_1039 = arith.mulf %mul3A_1038, %get3A_3 : vector<16xf32>
      %add3A_1040 = arith.addf %mul3A_1037, %mul3A_1039 : vector<16xf32>
      %swap3A_1041 = arith.constant 80 : index
      %swap3A_1042 = tpu.vector_load %arg12[%swap3A_1041] {strides = array<i32>} : memref<256xf32, #tpu.memory_space<vmem>>, vector<16xf32>,
      tpu.vector_store %arg12[%swap3A_1041], %add3A_1040 {strides = array<i32>} : memref<256xf32, #tpu.memory_space<vmem>>, vector<16xf32>,
      %get3A_1043 = arith.constant 6 : i32
      %get3A_1044 = arith.index_cast %get3A_1043 : i32 to index
      %get3A_1045 = arith.constant 0 : index
      %get3A_1046 = tpu.vector_load %arg9[%get3A_1044, %get3A_1045] {strides = array<i32>} : memref<16x32xf32, #tpu.memory_space<vmem>>, vector<16xf32>,
      %get3A_1047 = arith.constant 6 : i32
      %get3A_1048 = arith.index_cast %get3A_1047 : i32 to index
      %get3A_1049 = arith.constant 16 : index
      %get3A_1050 = tpu.vector_load %arg9[%get3A_1048, %get3A_1049] {strides = array<i32>} : memref<16x32xf32, #tpu.memory_space<vmem>>, vector<16xf32>,
      %get3A_1051 = arith.constant 6 : i32
      %get3A_1052 = arith.index_cast %get3A_1051 : i32 to index
      %get3A_1053 = arith.constant 0 : index
      %get3A_1054 = tpu.vector_load %arg11[%get3A_1052, %get3A_1053] {strides = array<i32>} : memref<16x32xf32, #tpu.memory_space<vmem>>, vector<16xf32>,
      %get3A_1055 = arith.constant 6 : i32
      %get3A_1056 = arith.index_cast %get3A_1055 : i32 to index
      %get3A_1057 = arith.constant 16 : index
      %get3A_1058 = tpu.vector_load %arg11[%get3A_1056, %get3A_1057] {strides = array<i32>} : memref<16x32xf32, #tpu.memory_space<vmem>>, vector<16xf32>,
      %mul3A_1059 = arith.mulf %get3A_1046, %get3A_1054 : vector<16xf32>
      %mul3A_1060 = arith.mulf %mul3A_1059, %get3A_1 : vector<16xf32>
      %mul3A_1061 = arith.mulf %get3A_1050, %get3A_1058 : vector<16xf32>
      %mul3A_1062 = arith.mulf %mul3A_1061, %get3A_3 : vector<16xf32>
      %add3A_1063 = arith.addf %mul3A_1060, %mul3A_1062 : vector<16xf32>
      %swap3A_1064 = arith.constant 96 : index
      %swap3A_1065 = tpu.vector_load %arg12[%swap3A_1064] {strides = array<i32>} : memref<256xf32, #tpu.memory_space<vmem>>, vector<16xf32>,
      tpu.vector_store %arg12[%swap3A_1064], %add3A_1063 {strides = array<i32>} : memref<256xf32, #tpu.memory_space<vmem>>, vector<16xf32>,
      %get3A_1066 = arith.constant 7 : i32
      %get3A_1067 = arith.index_cast %get3A_1066 : i32 to index
      %get3A_1068 = arith.constant 0 : index
      %get3A_1069 = tpu.vector_load %arg9[%get3A_1067, %get3A_1068] {strides = array<i32>} : memref<16x32xf32, #tpu.memory_space<vmem>>, vector<16xf32>,
      %get3A_1070 = arith.constant 7 : i32
      %get3A_1071 = arith.index_cast %get3A_1070 : i32 to index
      %get3A_1072 = arith.constant 16 : index
      %get3A_1073 = tpu.vector_load %arg9[%get3A_1071, %get3A_1072] {strides = array<i32>} : memref<16x32xf32, #tpu.memory_space<vmem>>, vector<16xf32>,
      %get3A_1074 = arith.constant 7 : i32
      %get3A_1075 = arith.index_cast %get3A_1074 : i32 to index
      %get3A_1076 = arith.constant 0 : index
      %get3A_1077 = tpu.vector_load %arg11[%get3A_1075, %get3A_1076] {strides = array<i32>} : memref<16x32xf32, #tpu.memory_space<vmem>>, vector<16xf32>,
      %get3A_1078 = arith.constant 7 : i32
      %get3A_1079 = arith.index_cast %get3A_1078 : i32 to index
      %get3A_1080 = arith.constant 16 : index
      %get3A_1081 = tpu.vector_load %arg11[%get3A_1079, %get3A_1080] {strides = array<i32>} : memref<16x32xf32, #tpu.memory_space<vmem>>, vector<16xf32>,
      %mul3A_1082 = arith.mulf %get3A_1069, %get3A_1077 : vector<16xf32>
      %mul3A_1083 = arith.mulf %mul3A_1082, %get3A_1 : vector<16xf32>
      %mul3A_1084 = arith.mulf %get3A_1073, %get3A_1081 : vector<16xf32>
      %mul3A_1085 = arith.mulf %mul3A_1084, %get3A_3 : vector<16xf32>
      %add3A_1086 = arith.addf %mul3A_1083, %mul3A_1085 : vector<16xf32>
      %swap3A_1087 = arith.constant 112 : index
      %swap3A_1088 = tpu.vector_load %arg12[%swap3A_1087] {strides = array<i32>} : memref<256xf32, #tpu.memory_space<vmem>>, vector<16xf32>,
      tpu.vector_store %arg12[%swap3A_1087], %add3A_1086 {strides = array<i32>} : memref<256xf32, #tpu.memory_space<vmem>>, vector<16xf32>,
      %get3A_1089 = arith.constant 8 : i32
      %get3A_1090 = arith.index_cast %get3A_1089 : i32 to index
      %get3A_1091 = arith.constant 0 : index
      %get3A_1092 = tpu.vector_load %arg9[%get3A_1090, %get3A_1091] {strides = array<i32>} : memref<16x32xf32, #tpu.memory_space<vmem>>, vector<16xf32>,
      %get3A_1093 = arith.constant 8 : i32
      %get3A_1094 = arith.index_cast %get3A_1093 : i32 to index
      %get3A_1095 = arith.constant 16 : index
      %get3A_1096 = tpu.vector_load %arg9[%get3A_1094, %get3A_1095] {strides = array<i32>} : memref<16x32xf32, #tpu.memory_space<vmem>>, vector<16xf32>,
      %get3A_1097 = arith.constant 8 : i32
      %get3A_1098 = arith.index_cast %get3A_1097 : i32 to index
      %get3A_1099 = arith.constant 0 : index
      %get3A_1100 = tpu.vector_load %arg11[%get3A_1098, %get3A_1099] {strides = array<i32>} : memref<16x32xf32, #tpu.memory_space<vmem>>, vector<16xf32>,
      %get3A_1101 = arith.constant 8 : i32
      %get3A_1102 = arith.index_cast %get3A_1101 : i32 to index
      %get3A_1103 = arith.constant 16 : index
      %get3A_1104 = tpu.vector_load %arg11[%get3A_1102, %get3A_1103] {strides = array<i32>} : memref<16x32xf32, #tpu.memory_space<vmem>>, vector<16xf32>,
      %mul3A_1105 = arith.mulf %get3A_1092, %get3A_1100 : vector<16xf32>
      %mul3A_1106 = arith.mulf %mul3A_1105, %get3A_1 : vector<16xf32>
      %mul3A_1107 = arith.mulf %get3A_1096, %get3A_1104 : vector<16xf32>
      %mul3A_1108 = arith.mulf %mul3A_1107, %get3A_3 : vector<16xf32>
      %add3A_1109 = arith.addf %mul3A_1106, %mul3A_1108 : vector<16xf32>
      %swap3A_1110 = arith.constant 128 : index
      %swap3A_1111 = tpu.vector_load %arg12[%swap3A_1110] {strides = array<i32>} : memref<256xf32, #tpu.memory_space<vmem>>, vector<16xf32>,
      tpu.vector_store %arg12[%swap3A_1110], %add3A_1109 {strides = array<i32>} : memref<256xf32, #tpu.memory_space<vmem>>, vector<16xf32>,
      %get3A_1112 = arith.constant 9 : i32
      %get3A_1113 = arith.index_cast %get3A_1112 : i32 to index
      %get3A_1114 = arith.constant 0 : index
      %get3A_1115 = tpu.vector_load %arg9[%get3A_1113, %get3A_1114] {strides = array<i32>} : memref<16x32xf32, #tpu.memory_space<vmem>>, vector<16xf32>,
      %get3A_1116 = arith.constant 9 : i32
      %get3A_1117 = arith.index_cast %get3A_1116 : i32 to index
      %get3A_1118 = arith.constant 16 : index
      %get3A_1119 = tpu.vector_load %arg9[%get3A_1117, %get3A_1118] {strides = array<i32>} : memref<16x32xf32, #tpu.memory_space<vmem>>, vector<16xf32>,
      %get3A_1120 = arith.constant 9 : i32
      %get3A_1121 = arith.index_cast %get3A_1120 : i32 to index
      %get3A_1122 = arith.constant 0 : index
      %get3A_1123 = tpu.vector_load %arg11[%get3A_1121, %get3A_1122] {strides = array<i32>} : memref<16x32xf32, #tpu.memory_space<vmem>>, vector<16xf32>,
      %get3A_1124 = arith.constant 9 : i32
      %get3A_1125 = arith.index_cast %get3A_1124 : i32 to index
      %get3A_1126 = arith.constant 16 : index
      %get3A_1127 = tpu.vector_load %arg11[%get3A_1125, %get3A_1126] {strides = array<i32>} : memref<16x32xf32, #tpu.memory_space<vmem>>, vector<16xf32>,
      %mul3A_1128 = arith.mulf %get3A_1115, %get3A_1123 : vector<16xf32>
      %mul3A_1129 = arith.mulf %mul3A_1128, %get3A_1 : vector<16xf32>
      %mul3A_1130 = arith.mulf %get3A_1119, %get3A_1127 : vector<16xf32>
      %mul3A_1131 = arith.mulf %mul3A_1130, %get3A_3 : vector<16xf32>
      %add3A_1132 = arith.addf %mul3A_1129, %mul3A_1131 : vector<16xf32>
      %swap3A_1133 = arith.constant 144 : index
      %swap3A_1134 = tpu.vector_load %arg12[%swap3A_1133] {strides = array<i32>} : memref<256xf32, #tpu.memory_space<vmem>>, vector<16xf32>,
      tpu.vector_store %arg12[%swap3A_1133], %add3A_1132 {strides = array<i32>} : memref<256xf32, #tpu.memory_space<vmem>>, vector<16xf32>,
      %get3A_1135 = arith.constant 10 : i32
      %get3A_1136 = arith.index_cast %get3A_1135 : i32 to index
      %get3A_1137 = arith.constant 0 : index
      %get3A_1138 = tpu.vector_load %arg9[%get3A_1136, %get3A_1137] {strides = array<i32>} : memref<16x32xf32, #tpu.memory_space<vmem>>, vector<16xf32>,
      %get3A_1139 = arith.constant 10 : i32
      %get3A_1140 = arith.index_cast %get3A_1139 : i32 to index
      %get3A_1141 = arith.constant 16 : index
      %get3A_1142 = tpu.vector_load %arg9[%get3A_1140, %get3A_1141] {strides = array<i32>} : memref<16x32xf32, #tpu.memory_space<vmem>>, vector<16xf32>,
      %get3A_1143 = arith.constant 10 : i32
      %get3A_1144 = arith.index_cast %get3A_1143 : i32 to index
      %get3A_1145 = arith.constant 0 : index
      %get3A_1146 = tpu.vector_load %arg11[%get3A_1144, %get3A_1145] {strides = array<i32>} : memref<16x32xf32, #tpu.memory_space<vmem>>, vector<16xf32>,
      %get3A_1147 = arith.constant 10 : i32
      %get3A_1148 = arith.index_cast %get3A_1147 : i32 to index
      %get3A_1149 = arith.constant 16 : index
      %get3A_1150 = tpu.vector_load %arg11[%get3A_1148, %get3A_1149] {strides = array<i32>} : memref<16x32xf32, #tpu.memory_space<vmem>>, vector<16xf32>,
      %mul3A_1151 = arith.mulf %get3A_1138, %get3A_1146 : vector<16xf32>
      %mul3A_1152 = arith.mulf %mul3A_1151, %get3A_1 : vector<16xf32>
      %mul3A_1153 = arith.mulf %get3A_1142, %get3A_1150 : vector<16xf32>
      %mul3A_1154 = arith.mulf %mul3A_1153, %get3A_3 : vector<16xf32>
      %add3A_1155 = arith.addf %mul3A_1152, %mul3A_1154 : vector<16xf32>
      %swap3A_1156 = arith.constant 160 : index
      %swap3A_1157 = tpu.vector_load %arg12[%swap3A_1156] {strides = array<i32>} : memref<256xf32, #tpu.memory_space<vmem>>, vector<16xf32>,
      tpu.vector_store %arg12[%swap3A_1156], %add3A_1155 {strides = array<i32>} : memref<256xf32, #tpu.memory_space<vmem>>, vector<16xf32>,
      %get3A_1158 = arith.constant 11 : i32
      %get3A_1159 = arith.index_cast %get3A_1158 : i32 to index
      %get3A_1160 = arith.constant 0 : index
      %get3A_1161 = tpu.vector_load %arg9[%get3A_1159, %get3A_1160] {strides = array<i32>} : memref<16x32xf32, #tpu.memory_space<vmem>>, vector<16xf32>,
      %get3A_1162 = arith.constant 11 : i32
      %get3A_1163 = arith.index_cast %get3A_1162 : i32 to index
      %get3A_1164 = arith.constant 16 : index
      %get3A_1165 = tpu.vector_load %arg9[%get3A_1163, %get3A_1164] {strides = array<i32>} : memref<16x32xf32, #tpu.memory_space<vmem>>, vector<16xf32>,
      %get3A_1166 = arith.constant 11 : i32
      %get3A_1167 = arith.index_cast %get3A_1166 : i32 to index
      %get3A_1168 = arith.constant 0 : index
      %get3A_1169 = tpu.vector_load %arg11[%get3A_1167, %get3A_1168] {strides = array<i32>} : memref<16x32xf32, #tpu.memory_space<vmem>>, vector<16xf32>,
      %get3A_1170 = arith.constant 11 : i32
      %get3A_1171 = arith.index_cast %get3A_1170 : i32 to index
      %get3A_1172 = arith.constant 16 : index
      %get3A_1173 = tpu.vector_load %arg11[%get3A_1171, %get3A_1172] {strides = array<i32>} : memref<16x32xf32, #tpu.memory_space<vmem>>, vector<16xf32>,
      %mul3A_1174 = arith.mulf %get3A_1161, %get3A_1169 : vector<16xf32>
      %mul3A_1175 = arith.mulf %mul3A_1174, %get3A_1 : vector<16xf32>
      %mul3A_1176 = arith.mulf %get3A_1165, %get3A_1173 : vector<16xf32>
      %mul3A_1177 = arith.mulf %mul3A_1176, %get3A_3 : vector<16xf32>
      %add3A_1178 = arith.addf %mul3A_1175, %mul3A_1177 : vector<16xf32>
      %swap3A_1179 = arith.constant 176 : index
      %swap3A_1180 = tpu.vector_load %arg12[%swap3A_1179] {strides = array<i32>} : memref<256xf32, #tpu.memory_space<vmem>>, vector<16xf32>,
      tpu.vector_store %arg12[%swap3A_1179], %add3A_1178 {strides = array<i32>} : memref<256xf32, #tpu.memory_space<vmem>>, vector<16xf32>,
      %get3A_1181 = arith.constant 12 : i32
      %get3A_1182 = arith.index_cast %get3A_1181 : i32 to index
      %get3A_1183 = arith.constant 0 : index
      %get3A_1184 = tpu.vector_load %arg9[%get3A_1182, %get3A_1183] {strides = array<i32>} : memref<16x32xf32, #tpu.memory_space<vmem>>, vector<16xf32>,
      %get3A_1185 = arith.constant 12 : i32
      %get3A_1186 = arith.index_cast %get3A_1185 : i32 to index
      %get3A_1187 = arith.constant 16 : index
      %get3A_1188 = tpu.vector_load %arg9[%get3A_1186, %get3A_1187] {strides = array<i32>} : memref<16x32xf32, #tpu.memory_space<vmem>>, vector<16xf32>,
      %get3A_1189 = arith.constant 12 : i32
      %get3A_1190 = arith.index_cast %get3A_1189 : i32 to index
      %get3A_1191 = arith.constant 0 : index
      %get3A_1192 = tpu.vector_load %arg11[%get3A_1190, %get3A_1191] {strides = array<i32>} : memref<16x32xf32, #tpu.memory_space<vmem>>, vector<16xf32>,
      %get3A_1193 = arith.constant 12 : i32
      %get3A_1194 = arith.index_cast %get3A_1193 : i32 to index
      %get3A_1195 = arith.constant 16 : index
      %get3A_1196 = tpu.vector_load %arg11[%get3A_1194, %get3A_1195] {strides = array<i32>} : memref<16x32xf32, #tpu.memory_space<vmem>>, vector<16xf32>,
      %mul3A_1197 = arith.mulf %get3A_1184, %get3A_1192 : vector<16xf32>
      %mul3A_1198 = arith.mulf %mul3A_1197, %get3A_1 : vector<16xf32>
      %mul3A_1199 = arith.mulf %get3A_1188, %get3A_1196 : vector<16xf32>
      %mul3A_1200 = arith.mulf %mul3A_1199, %get3A_3 : vector<16xf32>
      %add3A_1201 = arith.addf %mul3A_1198, %mul3A_1200 : vector<16xf32>
      %swap3A_1202 = arith.constant 192 : index
      %swap3A_1203 = tpu.vector_load %arg12[%swap3A_1202] {strides = array<i32>} : memref<256xf32, #tpu.memory_space<vmem>>, vector<16xf32>,
      tpu.vector_store %arg12[%swap3A_1202], %add3A_1201 {strides = array<i32>} : memref<256xf32, #tpu.memory_space<vmem>>, vector<16xf32>,
      %get3A_1204 = arith.constant 13 : i32
      %get3A_1205 = arith.index_cast %get3A_1204 : i32 to index
      %get3A_1206 = arith.constant 0 : index
      %get3A_1207 = tpu.vector_load %arg9[%get3A_1205, %get3A_1206] {strides = array<i32>} : memref<16x32xf32, #tpu.memory_space<vmem>>, vector<16xf32>,
      %get3A_1208 = arith.constant 13 : i32
      %get3A_1209 = arith.index_cast %get3A_1208 : i32 to index
      %get3A_1210 = arith.constant 16 : index
      %get3A_1211 = tpu.vector_load %arg9[%get3A_1209, %get3A_1210] {strides = array<i32>} : memref<16x32xf32, #tpu.memory_space<vmem>>, vector<16xf32>,
      %get3A_1212 = arith.constant 13 : i32
      %get3A_1213 = arith.index_cast %get3A_1212 : i32 to index
      %get3A_1214 = arith.constant 0 : index
      %get3A_1215 = tpu.vector_load %arg11[%get3A_1213, %get3A_1214] {strides = array<i32>} : memref<16x32xf32, #tpu.memory_space<vmem>>, vector<16xf32>,
      %get3A_1216 = arith.constant 13 : i32
      %get3A_1217 = arith.index_cast %get3A_1216 : i32 to index
      %get3A_1218 = arith.constant 16 : index
      %get3A_1219 = tpu.vector_load %arg11[%get3A_1217, %get3A_1218] {strides = array<i32>} : memref<16x32xf32, #tpu.memory_space<vmem>>, vector<16xf32>,
      %mul3A_1220 = arith.mulf %get3A_1207, %get3A_1215 : vector<16xf32>
      %mul3A_1221 = arith.mulf %mul3A_1220, %get3A_1 : vector<16xf32>
      %mul3A_1222 = arith.mulf %get3A_1211, %get3A_1219 : vector<16xf32>
      %mul3A_1223 = arith.mulf %mul3A_1222, %get3A_3 : vector<16xf32>
      %add3A_1224 = arith.addf %mul3A_1221, %mul3A_1223 : vector<16xf32>
      %swap3A_1225 = arith.constant 208 : index
      %swap3A_1226 = tpu.vector_load %arg12[%swap3A_1225] {strides = array<i32>} : memref<256xf32, #tpu.memory_space<vmem>>, vector<16xf32>,
      tpu.vector_store %arg12[%swap3A_1225], %add3A_1224 {strides = array<i32>} : memref<256xf32, #tpu.memory_space<vmem>>, vector<16xf32>,
      %get3A_1227 = arith.constant 14 : i32
      %get3A_1228 = arith.index_cast %get3A_1227 : i32 to index
      %get3A_1229 = arith.constant 0 : index
      %get3A_1230 = tpu.vector_load %arg9[%get3A_1228, %get3A_1229] {strides = array<i32>} : memref<16x32xf32, #tpu.memory_space<vmem>>, vector<16xf32>,
      %get3A_1231 = arith.constant 14 : i32
      %get3A_1232 = arith.index_cast %get3A_1231 : i32 to index
      %get3A_1233 = arith.constant 16 : index
      %get3A_1234 = tpu.vector_load %arg9[%get3A_1232, %get3A_1233] {strides = array<i32>} : memref<16x32xf32, #tpu.memory_space<vmem>>, vector<16xf32>,
      %get3A_1235 = arith.constant 14 : i32
      %get3A_1236 = arith.index_cast %get3A_1235 : i32 to index
      %get3A_1237 = arith.constant 0 : index
      %get3A_1238 = tpu.vector_load %arg11[%get3A_1236, %get3A_1237] {strides = array<i32>} : memref<16x32xf32, #tpu.memory_space<vmem>>, vector<16xf32>,
      %get3A_1239 = arith.constant 14 : i32
      %get3A_1240 = arith.index_cast %get3A_1239 : i32 to index
      %get3A_1241 = arith.constant 16 : index
      %get3A_1242 = tpu.vector_load %arg11[%get3A_1240, %get3A_1241] {strides = array<i32>} : memref<16x32xf32, #tpu.memory_space<vmem>>, vector<16xf32>,
      %mul3A_1243 = arith.mulf %get3A_1230, %get3A_1238 : vector<16xf32>
      %mul3A_1244 = arith.mulf %mul3A_1243, %get3A_1 : vector<16xf32>
      %mul3A_1245 = arith.mulf %get3A_1234, %get3A_1242 : vector<16xf32>
      %mul3A_1246 = arith.mulf %mul3A_1245, %get3A_3 : vector<16xf32>
      %add3A_1247 = arith.addf %mul3A_1244, %mul3A_1246 : vector<16xf32>
      %swap3A_1248 = arith.constant 224 : index
      %swap3A_1249 = tpu.vector_load %arg12[%swap3A_1248] {strides = array<i32>} : memref<256xf32, #tpu.memory_space<vmem>>, vector<16xf32>,
      tpu.vector_store %arg12[%swap3A_1248], %add3A_1247 {strides = array<i32>} : memref<256xf32, #tpu.memory_space<vmem>>, vector<16xf32>,
      %get3A_1250 = arith.constant 15 : i32
      %get3A_1251 = arith.index_cast %get3A_1250 : i32 to index
      %get3A_1252 = arith.constant 0 : index
      %get3A_1253 = tpu.vector_load %arg9[%get3A_1251, %get3A_1252] {strides = array<i32>} : memref<16x32xf32, #tpu.memory_space<vmem>>, vector<16xf32>,
      %get3A_1254 = arith.constant 15 : i32
      %get3A_1255 = arith.index_cast %get3A_1254 : i32 to index
      %get3A_1256 = arith.constant 16 : index
      %get3A_1257 = tpu.vector_load %arg9[%get3A_1255, %get3A_1256] {strides = array<i32>} : memref<16x32xf32, #tpu.memory_space<vmem>>, vector<16xf32>,
      %get3A_1258 = arith.constant 15 : i32
      %get3A_1259 = arith.index_cast %get3A_1258 : i32 to index
      %get3A_1260 = arith.constant 0 : index
      %get3A_1261 = tpu.vector_load %arg11[%get3A_1259, %get3A_1260] {strides = array<i32>} : memref<16x32xf32, #tpu.memory_space<vmem>>, vector<16xf32>,
      %get3A_1262 = arith.constant 15 : i32
      %get3A_1263 = arith.index_cast %get3A_1262 : i32 to index
      %get3A_1264 = arith.constant 16 : index
      %get3A_1265 = tpu.vector_load %arg11[%get3A_1263, %get3A_1264] {strides = array<i32>} : memref<16x32xf32, #tpu.memory_space<vmem>>, vector<16xf32>,
      %mul3A_1266 = arith.mulf %get3A_1253, %get3A_1261 : vector<16xf32>
      %mul3A_1267 = arith.mulf %mul3A_1266, %get3A_1 : vector<16xf32>
      %mul3A_1268 = arith.mulf %get3A_1257, %get3A_1265 : vector<16xf32>
      %mul3A_1269 = arith.mulf %mul3A_1268, %get3A_3 : vector<16xf32>
      %add3A_1270 = arith.addf %mul3A_1267, %mul3A_1269 : vector<16xf32>
      %swap3A_1271 = arith.constant 240 : index
      %swap3A_1272 = tpu.vector_load %arg12[%swap3A_1271] {strides = array<i32>} : memref<256xf32, #tpu.memory_space<vmem>>, vector<16xf32>,
      tpu.vector_store %arg12[%swap3A_1271], %add3A_1270 {strides = array<i32>} : memref<256xf32, #tpu.memory_space<vmem>>, vector<16xf32>,
      %add3A_1273 = arith.constant 0 : i32
      %add3A_1274 = vector.broadcast %add3A_1273 : i32 to vector<16xi32>
      %add3A_1275 = arith.addi %mul3A_8, %add3A_1274 : vector<16xi32>
      %gather3A_1276 = tpu.vector_load_idx %arg12[%add3A_1275] : memref<256xf32, #tpu.memory_space<vmem>>[vector<16xi32>], vector<16xf32>,
      %add3A_1277 = arith.addf %get3A_5, %gather3A_1276 : vector<16xf32>
      %add3A_1278 = arith.constant 1 : i32
      %add3A_1279 = vector.broadcast %add3A_1278 : i32 to vector<16xi32>
      %add3A_1280 = arith.addi %mul3A_8, %add3A_1279 : vector<16xi32>
      %gather3A_1281 = tpu.vector_load_idx %arg12[%add3A_1280] : memref<256xf32, #tpu.memory_space<vmem>>[vector<16xi32>], vector<16xf32>,
      %add3A_1282 = arith.addf %add3A_1277, %gather3A_1281 : vector<16xf32>
      %add3A_1283 = arith.constant 2 : i32
      %add3A_1284 = vector.broadcast %add3A_1283 : i32 to vector<16xi32>
      %add3A_1285 = arith.addi %mul3A_8, %add3A_1284 : vector<16xi32>
      %gather3A_1286 = tpu.vector_load_idx %arg12[%add3A_1285] : memref<256xf32, #tpu.memory_space<vmem>>[vector<16xi32>], vector<16xf32>,
      %add3A_1287 = arith.addf %add3A_1282, %gather3A_1286 : vector<16xf32>
      %add3A_1288 = arith.constant 3 : i32
      %add3A_1289 = vector.broadcast %add3A_1288 : i32 to vector<16xi32>
      %add3A_1290 = arith.addi %mul3A_8, %add3A_1289 : vector<16xi32>
      %gather3A_1291 = tpu.vector_load_idx %arg12[%add3A_1290] : memref<256xf32, #tpu.memory_space<vmem>>[vector<16xi32>], vector<16xf32>,
      %add3A_1292 = arith.addf %add3A_1287, %gather3A_1291 : vector<16xf32>
      %add3A_1293 = arith.constant 4 : i32
      %add3A_1294 = vector.broadcast %add3A_1293 : i32 to vector<16xi32>
      %add3A_1295 = arith.addi %mul3A_8, %add3A_1294 : vector<16xi32>
      %gather3A_1296 = tpu.vector_load_idx %arg12[%add3A_1295] : memref<256xf32, #tpu.memory_space<vmem>>[vector<16xi32>], vector<16xf32>,
      %add3A_1297 = arith.addf %add3A_1292, %gather3A_1296 : vector<16xf32>
      %add3A_1298 = arith.constant 5 : i32
      %add3A_1299 = vector.broadcast %add3A_1298 : i32 to vector<16xi32>
      %add3A_1300 = arith.addi %mul3A_8, %add3A_1299 : vector<16xi32>
      %gather3A_1301 = tpu.vector_load_idx %arg12[%add3A_1300] : memref<256xf32, #tpu.memory_space<vmem>>[vector<16xi32>], vector<16xf32>,
      %add3A_1302 = arith.addf %add3A_1297, %gather3A_1301 : vector<16xf32>
      %add3A_1303 = arith.constant 6 : i32
      %add3A_1304 = vector.broadcast %add3A_1303 : i32 to vector<16xi32>
      %add3A_1305 = arith.addi %mul3A_8, %add3A_1304 : vector<16xi32>
      %gather3A_1306 = tpu.vector_load_idx %arg12[%add3A_1305] : memref<256xf32, #tpu.memory_space<vmem>>[vector<16xi32>], vector<16xf32>,
      %add3A_1307 = arith.addf %add3A_1302, %gather3A_1306 : vector<16xf32>
      %add3A_1308 = arith.constant 7 : i32
      %add3A_1309 = vector.broadcast %add3A_1308 : i32 to vector<16xi32>
      %add3A_1310 = arith.addi %mul3A_8, %add3A_1309 : vector<16xi32>
      %gather3A_1311 = tpu.vector_load_idx %arg12[%add3A_1310] : memref<256xf32, #tpu.memory_space<vmem>>[vector<16xi32>], vector<16xf32>,
      %add3A_1312 = arith.addf %add3A_1307, %gather3A_1311 : vector<16xf32>
      %add3A_1313 = arith.constant 8 : i32
      %add3A_1314 = vector.broadcast %add3A_1313 : i32 to vector<16xi32>
      %add3A_1315 = arith.addi %mul3A_8, %add3A_1314 : vector<16xi32>
      %gather3A_1316 = tpu.vector_load_idx %arg12[%add3A_1315] : memref<256xf32, #tpu.memory_space<vmem>>[vector<16xi32>], vector<16xf32>,
      %add3A_1317 = arith.addf %add3A_1312, %gather3A_1316 : vector<16xf32>
      %add3A_1318 = arith.constant 9 : i32
      %add3A_1319 = vector.broadcast %add3A_1318 : i32 to vector<16xi32>
      %add3A_1320 = arith.addi %mul3A_8, %add3A_1319 : vector<16xi32>
      %gather3A_1321 = tpu.vector_load_idx %arg12[%add3A_1320] : memref<256xf32, #tpu.memory_space<vmem>>[vector<16xi32>], vector<16xf32>,
      %add3A_1322 = arith.addf %add3A_1317, %gather3A_1321 : vector<16xf32>
      %add3A_1323 = arith.constant 10 : i32
      %add3A_1324 = vector.broadcast %add3A_1323 : i32 to vector<16xi32>
      %add3A_1325 = arith.addi %mul3A_8, %add3A_1324 : vector<16xi32>
      %gather3A_1326 = tpu.vector_load_idx %arg12[%add3A_1325] : memref<256xf32, #tpu.memory_space<vmem>>[vector<16xi32>], vector<16xf32>,
      %add3A_1327 = arith.addf %add3A_1322, %gather3A_1326 : vector<16xf32>
      %add3A_1328 = arith.constant 11 : i32
      %add3A_1329 = vector.broadcast %add3A_1328 : i32 to vector<16xi32>
      %add3A_1330 = arith.addi %mul3A_8, %add3A_1329 : vector<16xi32>
      %gather3A_1331 = tpu.vector_load_idx %arg12[%add3A_1330] : memref<256xf32, #tpu.memory_space<vmem>>[vector<16xi32>], vector<16xf32>,
      %add3A_1332 = arith.addf %add3A_1327, %gather3A_1331 : vector<16xf32>
      %add3A_1333 = arith.constant 12 : i32
      %add3A_1334 = vector.broadcast %add3A_1333 : i32 to vector<16xi32>
      %add3A_1335 = arith.addi %mul3A_8, %add3A_1334 : vector<16xi32>
      %gather3A_1336 = tpu.vector_load_idx %arg12[%add3A_1335] : memref<256xf32, #tpu.memory_space<vmem>>[vector<16xi32>], vector<16xf32>,
      %add3A_1337 = arith.addf %add3A_1332, %gather3A_1336 : vector<16xf32>
      %add3A_1338 = arith.constant 13 : i32
      %add3A_1339 = vector.broadcast %add3A_1338 : i32 to vector<16xi32>
      %add3A_1340 = arith.addi %mul3A_8, %add3A_1339 : vector<16xi32>
      %gather3A_1341 = tpu.vector_load_idx %arg12[%add3A_1340] : memref<256xf32, #tpu.memory_space<vmem>>[vector<16xi32>], vector<16xf32>,
      %add3A_1342 = arith.addf %add3A_1337, %gather3A_1341 : vector<16xf32>
      %add3A_1343 = arith.constant 14 : i32
      %add3A_1344 = vector.broadcast %add3A_1343 : i32 to vector<16xi32>
      %add3A_1345 = arith.addi %mul3A_8, %add3A_1344 : vector<16xi32>
      %gather3A_1346 = tpu.vector_load_idx %arg12[%add3A_1345] : memref<256xf32, #tpu.memory_space<vmem>>[vector<16xi32>], vector<16xf32>,
      %add3A_1347 = arith.addf %add3A_1342, %gather3A_1346 : vector<16xf32>
      %add3A_1348 = arith.constant 15 : i32
      %add3A_1349 = vector.broadcast %add3A_1348 : i32 to vector<16xi32>
      %add3A_1350 = arith.addi %mul3A_8, %add3A_1349 : vector<16xi32>
      %gather3A_1351 = tpu.vector_load_idx %arg12[%add3A_1350] : memref<256xf32, #tpu.memory_space<vmem>>[vector<16xi32>], vector<16xf32>,
      %add3A_1352 = arith.addf %add3A_1347, %gather3A_1351 : vector<16xf32>
      %neg3A_1353 = arith.constant 0.000000e+00 : f32
      %neg3A_1354 = vector.broadcast %neg3A_1353 : f32 to vector<16xf32>
      %neg3A_1355 = arith.subf %neg3A_1354, %add3A_1352 : vector<16xf32>
      %exp3A_1356 = math.exp %neg3A_1355 : vector<16xf32>
      %add3A_1357 = arith.constant 1.000000e+00 : f32
      %add3A_1358 = vector.broadcast %add3A_1357 : f32 to vector<16xf32>
      %add3A_1359 = arith.addf %add3A_1358, %exp3A_1356 : vector<16xf32>
      %div3A_1360 = arith.constant 1.000000e+00 : f32
      %div3A_1361 = vector.broadcast %div3A_1360 : f32 to vector<16xf32>
      %div3A_1362 = arith.divf %div3A_1361, %add3A_1359 : vector<16xf32>
      %mul3A_1363 = arith.constant 16 : i32
      %mul3A_1364 = arith.muli %add3A_885, %mul3A_1363 : i32
      %swap3A_1365 = arith.constant 0 : i32
      %swap3A_1366 = arith.index_cast %swap3A_1365 : i32 to index
      %swap3A_1367 = arith.index_cast %mul3A_1364 : i32 to index
      %swap3A_1368 = tpu.vector_load %arg13[%swap3A_1366, %swap3A_1367] {strides = array<i32>} : memref<1x512xf32, #tpu.memory_space<vmem>>, vector<16xf32>,
      tpu.vector_store %arg13[%swap3A_1366, %swap3A_1367], %div3A_1362 {strides = array<i32>} : memref<1x512xf32, #tpu.memory_space<vmem>>, vector<16xf32>,
    }
    %scan3A_402 = arith.constant 16 : i32
    "tpu.region"() ({
      %run_scoped3A = tpu.sem_alloc : memref<!tpu.dma_semaphore, #tpu.memory_space<semaphore_mem>>
      %dma_start3A_403 = arith.constant 0 : i32
      %dma_start3A_404 = tpu.memref_slice %arg6[%add3A, %dma_start3A_403] : memref<32x512xf32, #tpu.memory_space<hbm>> -> memref<1x512xf32, #tpu.memory_space<hbm>>
      %dma_start3A_405 = arith.constant 0 : i32
      %dma_start3A_406 = tpu.memref_slice %arg6[%add3A, %dma_start3A_405] : memref<32x512xf32, #tpu.memory_space<hbm>> -> memref<1x512xf32, #tpu.memory_space<hbm>>
      tpu.enqueue_dma source(%arg13 : memref<1x512xf32, #tpu.memory_space<vmem>>) target(%dma_start3A_406 : memref<1x512xf32, #tpu.memory_space<hbm>>) target_semaphore(%run_scoped3A : memref<!tpu.dma_semaphore, #tpu.memory_space<semaphore_mem>>)
      %dma_wait3A = arith.constant 0 : i32
      %dma_wait3A_407 = tpu.memref_slice %arg6[%add3A, %dma_wait3A] : memref<32x512xf32, #tpu.memory_space<hbm>> -> memref<1x512xf32, #tpu.memory_space<hbm>>
      %dma_wait3A_408 = arith.constant 0 : i32
      %dma_wait3A_409 = tpu.memref_slice %arg6[%add3A, %dma_wait3A_408] : memref<32x512xf32, #tpu.memory_space<hbm>> -> memref<1x512xf32, #tpu.memory_space<hbm>>
      tpu.wait_dma2 semaphore(%run_scoped3A : memref<!tpu.dma_semaphore, #tpu.memory_space<semaphore_mem>>) src(%arg13 : memref<1x512xf32, #tpu.memory_space<vmem>>) dst(%dma_wait3A_409 : memref<1x512xf32, #tpu.memory_space<hbm>>)
      tpu.yield
    }) : () -> ()
    return
  }
}

</mosaic_0001>

<sc_bundles>
// kernel: kernel.3.cloned.1.call-start
scs
__scs_entry_jumppad:
0x0: {  	(pc) =	sbr.rel $0x88, $3  }
0x1: {  	(tag) =	ssettag $0x0;
	lr =	simm.s32 $0x1  }
0x2: {  	[smem:$0x3F9C] =	sst lr;
	_ =	strace $0xD0000000  }
0x3: {  	_ = 	snop  }
0x4: {  	_ = 	snop  }
0x5: {  	_ = 	snop  }
0x6: {  	_ = 	snop  }
0x7: {  	_ = 	snop  }
__scs_overlays_trampoline_lowered:
0x8: {  	[smem:$0x3FAB] =	sst s0  }
0x9: {  	[smem:$0x3FAC] =	sst s1  }
0xa: {  	[smem:$0x3FAD] =	sst s2  }
0xb: {  	[smem:$0x3FAE] =	sst s3  }
0xc: {  	[smem:$0x3FAF] =	sst s4  }
0xd: {  	[smem:$0x3FB0] =	sst s5  }
0xe: {  	[smem:$0x3FB1] =	sst s6  }
0xf: {  	[smem:$0x3FB2] =	sst s7  }
0x10: {  	[smem:$0x3FB3] =	sst s8  }
0x11: {  	[smem:$0x3FB4] =	sst s9;
	s0 =	simm.s32 @!p0 $0x0  }
0x12: {  	s1 =	sld [smem:$0x3F9A];
	s0 =	simm.s32 @p0 $0x1  }
0x13: {  	[smem:$0x3FB5] =	sst s0;
	s0 =	simm.s32 @!p1 $0x0  }
0x14: {  	s2 =	sld [smem:$0x3F99];
	s0 =	simm.s32 @p1 $0x1  }
0x15: {  	[smem:$0x3FB6] =	sst s0;
	s0 =	simm.s32 @!p2 $0x0  }
0x16: {  	s3 =	sld [smem:$0x3FDB];
	s0 =	simm.s32 @p2 $0x1  }
0x17: {  	s4 =	simm.s32 $0x1BF5;
	[smem:$0x3FB8] =	sst s0  }
0x18: {  	s0 =	sld [smem:$0x3F9B];
	_ =	swait.ge [sflag:s4], $0x0  }
0x19: {  	s7 =	sld [smem:$0x3F9C]  }
0x1a: {  	s8 =	sadd.s32 $0xFFFFE003, lr  }
0x1b: {  	s9 =	sadd.s32 $0xFFFFFEF7, lr;
	s5 =	simm.s32 $0xFFFFFFFF;
	p2 =	slt.u32 s8, $0xFFFFF086  }
0x1c: {  	p1 =	slt.u32 s9, $0xF7A;
	s5 =	simm.s32 @!p2 $0x0  }
0x1d: {  	s5 =	simm.s32 @p1 $0x1;
	p0 =	seq.s32 s7, s2  }
0x1e: {  	s7 =	smul.u32 @!p0 $0xF7A, s2;
	p2 =	seq.s32 @!p0 s5, $0x0  }
0x1f: {  	s9 =	smul.u32 $0xF7A, s1;
	s8 =	simm.s32 @!p0 $0x1BF5;
	p2 =	por !p2, p0  }
0x20: {  	[sflag:s8] =	ssyncset.s32 @!p0 $0xFFFFF086;
	s6 =	sadd.s32 @!p0 s3, s7;
	s7 =	simm.s32 @!p0 $0x108  }
0x21: {  	s3 =	sadd.s32 s3, s9;
	s6 =	sadd.s32 @!p0 $0x88, s6;
	s7 =	simm.s32 @p2 $0x1082  }
0x22: {  	[simem:s7], [sflag:s8] =	dma.local @!p0 [hbm:s6], $0xF7A  }
0x23: {  	s9 =	sor.u32 $0xD0000000, s2;
	s6 =	simm.s32 $0x108;
	_ =	swait.ge @!p0 [sflag:s8], $0x0  }
0x24: {  	s3 =	sadd.s32 $0x88, s3;
	s6 =	simm.s32 @!p1 $0x1082;
	[sflag:s4] =	ssyncset.s32 $0xFFFFF086  }
0x25: {  	[simem:s6], [sflag:s4] =	dma.local [hbm:s3], $0xF7A  }
0x26: {  	[smem:$0x3F9C] =	sst s1;
	(tag) =	ssettag s2;
	_ =	strace s9  }
0x27: {  	s1 =	sld [smem:$0x3FAC]  }
0x28: {  	s2 =	sld [smem:$0x3FAD]  }
0x29: {  	s4 =	sld [smem:$0x3FAF]  }
0x2a: {  	p0 =	seq.s32 s5, $0x0;
	s5 =	sld [smem:$0x3FB0]  }
0x2b: {  	s6 =	sld [smem:$0x3FB1]  }
0x2c: {  	s7 =	sld [smem:$0x3FB2]  }
0x2d: {  	s3 =	simm.s32 $0x108;
	s8 =	sld [smem:$0x3FB3]  }
0x2e: {  	s3 =	simm.s32 @!p0 $0x1082;
	s9 =	sld [smem:$0x3FB4]  }
0x2f: {  	lr =	sadd.s32 s0, s3;
	s0 =	sld [smem:$0x3FAB]  }
0x30: {  	s3 =	sld [smem:$0x3FAE]  }
0x31: {  	[smem:$0x3FB7] =	sst s10  }
0x32: {  	s10 =	sld [smem:$0x3FB5];
	_ =	sdelay $0x3  }
0x33: {  	p0 =	seq.s32 s10, $0x1;
	s10 =	sld [smem:$0x3FB7];
	_ =	sdelay $0x3  }
0x34: {  	[smem:$0x3FB7] =	sst s10  }
0x35: {  	s10 =	sld [smem:$0x3FB6];
	_ =	sdelay $0x3  }
0x36: {  	p1 =	seq.s32 s10, $0x1;
	s10 =	sld [smem:$0x3FB7];
	_ =	sdelay $0x3  }
0x37: {  	[smem:$0x3FB7] =	sst s10  }
0x38: {  	s10 =	sld [smem:$0x3FB8]  }
0x39: {  	_ = 	snop;
	(pc) =	sbr.ind lr, $3  }
0x3a: {  	_ = 	snop  }
0x3b: {  	_ = 	snop  }
0x3c: {  	p2 =	seq.s32 s10, $0x1;
	s10 =	sld [smem:$0x3FB7]  }
0x3d: {  	_ =	shalt  }
0x3e: {  	_ =	shalt  }
0x3f: {  	_ =	shalt  }
0x40: {  	_ =	shalt  }
0x41: {  	_ =	shalt  }
0x42: {  	_ =	shalt  }
0x43: {  	_ =	shalt  }
0x44: {  	_ =	shalt  }
0x45: {  	_ =	shalt  }
0x46: {  	_ =	shalt  }
0x47: {  	_ =	shalt  }
0x48: {  	_ =	shalt  }
0x49: {  	_ =	shalt  }
0x4a: {  	_ =	shalt  }
0x4b: {  	_ =	shalt  }
0x4c: {  	_ =	shalt  }
0x4d: {  	_ =	shalt  }
0x4e: {  	_ =	shalt  }
0x4f: {  	_ =	shalt  }
0x50: {  	_ =	shalt  }
0x51: {  	_ =	shalt  }
0x52: {  	_ =	shalt  }
0x53: {  	_ =	shalt  }
0x54: {  	_ =	shalt  }
0x55: {  	_ =	shalt  }
0x56: {  	_ =	shalt  }
0x57: {  	_ =	shalt  }
0x58: {  	_ =	shalt  }
0x59: {  	_ =	shalt  }
0x5a: {  	_ =	shalt  }
0x5b: {  	_ =	shalt  }
0x5c: {  	_ =	shalt  }
0x5d: {  	_ =	shalt  }
0x5e: {  	_ =	shalt  }
0x5f: {  	_ =	shalt  }
0x60: {  	_ =	shalt  }
0x61: {  	_ =	shalt  }
0x62: {  	_ =	shalt  }
0x63: {  	_ =	shalt  }
0x64: {  	_ =	shalt  }
0x65: {  	_ =	shalt  }
0x66: {  	_ =	shalt  }
0x67: {  	_ =	shalt  }
0x68: {  	_ =	shalt  }
0x69: {  	_ =	shalt  }
0x6a: {  	_ =	shalt  }
0x6b: {  	_ =	shalt  }
0x6c: {  	_ =	shalt  }
0x6d: {  	_ =	shalt  }
0x6e: {  	_ =	shalt  }
0x6f: {  	_ =	shalt  }
0x70: {  	_ =	shalt  }
0x71: {  	_ =	shalt  }
0x72: {  	_ =	shalt  }
0x73: {  	_ =	shalt  }
0x74: {  	_ =	shalt  }
0x75: {  	_ =	shalt  }
0x76: {  	_ =	shalt  }
0x77: {  	_ =	shalt  }
0x78: {  	_ =	shalt  }
0x79: {  	_ =	shalt  }
0x7a: {  	_ =	shalt  }
0x7b: {  	_ =	shalt  }
0x7c: {  	_ =	shalt  }
0x7d: {  	_ =	shalt  }
0x7e: {  	_ =	shalt  }
0x7f: {  	_ =	shalt  }
0x80: {  	_ =	shalt  }
0x81: {  	_ =	shalt  }
0x82: {  	_ =	shalt  }
0x83: {  	_ =	shalt  }
0x84: {  	_ =	shalt  }
0x85: {  	_ =	shalt  }
0x86: {  	_ =	shalt  }
0x87: {  	_ =	shalt  }
.Lfunc_end0:
.L_simem_size_0:
called_computation_lowered:
.L_overlay_start_0:
0x88: {  	s2 =	sld [smem:$0x3FD9]  }
0x89: {  	s3 =	sld [smem:$0x3FFE];
	_ =	sdelay $0x1  }
0x8a: {  	s1 =	srdreg.scid  }
0x8b: {  	s0 =	sand.u32 $0x1, s1  }
0x8c: {  	s17 =	sshll.u32 s0, $0xA;
	s2 =	sadd.s32 s3, s2  }
0x8d: {  	s2 =	sadd.s32 s2, s17  }
0x8e: {  	[smem:$0x3FC3] =	sst s2  }
0x8f: {  	_ = 	snop  }
0x90: {  	s2 =	sld [smem:$0x3FD0];
	(tm) =	ssettm $0x1  }
0x91: {  	s18 =	sld [smem:$0x3FFB];
	_ =	sdelay $0x3  }
0x92: {  	_ =	strace s18  }
0x93: {  	s3 =	sld [smem:$0x3FFC];
	_ =	sdelay $0x3  }
0x94: {  	_ =	strace s3  }
0x95: {  	s3 =	sld [smem:$0x3FFD];
	_ =	sdelay $0x3  }
0x96: {  	_ =	strace s3  }
0x97: {  	_ =	strace $0x8FFFFFFF  }
0x98: {  	s19 =	sld [smem:$0x3FDB];
	_ =	sdelay $0x1  }
0x99: {  	s4 =	simm.s32 $_scs_section_size  }
0x9a: {  	s5 =	simm.s32 $_size__tile_overlayer_lowered;
	s6 =	simm.s32 $_tile_overlayer_lowered  }
0x9b: {  	s22 =	simm.s32 $0x1BFF;
	s21 =	sshll.u32 s6, $0x1;
	s3 =	sadd.s32 s4, s19  }
0x9c: {  	s7 =	simm.s32 $0x0;
	s20 =	sshll.u32 s5, $0x1;
	s5 =	sadd.s32 s21, s3  }
0x9d: {  	[timem:s7], [sflag:s22] =	dma.local [hbm:s5], s20  }
0x9e: {  	_ =	swait.ge [sflag:s22], s20  }
0x9f: {  	s4 =	ssub.s32 $0x0, s20;
	[sflag:s22] =	ssyncset.done $0x0  }
0xa0: {  	[sflag:s22] =	ssyncadd.s32 s4;
	_ =	sdelay $0x1  }
0xa1: {  	s23 =	simm.s32 $0x1B8B  }
0xa2: {  	_ =	swait.ge [sflag:s23], $0x1  }
0xa3: {  	[sflag:s23] =	ssyncset.done $0x0  }
0xa4: {  	s25 =	simm.s32 $0x1B8E;
	s24 =	sld [smem:$0x3FFE];
	[sflag:s23] =	ssyncadd.s32 $0xFFFFFFFF  }
0xa5: {  	s26 =	simm.s32 $execute0_lowered;
	[smem:$0x3FD2] =	sst s25  }
0xa6: {  	s5 =	sshll.u32 s26, $0x1;
	_ =	strace $0x80000046;
	[dreg:$0x1] =	wrdreg $0xFFFFFFFF  }
0xa7: {  	s28 =	simm.s32 $_size_execute0_lowered;
	s3 =	sadd.s32 s3, s5;
	[dreg:$0x0] =	wrdreg $0x0  }
0xa8: {  	s5 =	sshll.u32 s28, $0x1;
	[dreg:$0x2] =	wrdreg s3  }
0xa9: {  	[dreg:$0x3] =	wrdreg s5  }
0xaa: {  	[dreg:$0x4] =	wrdreg $0xC0  }
0xab: {  	_ =	task [dreg:s7], $0x5FFFF  }
0xac: {  	[dreg:$0x1] =	wrdreg $0xFFFFFFFF  }
0xad: {  	[dreg:$0x0] =	wrdreg $0x60  }
0xae: {  	[dreg:$0x2] =	wrdreg s2  }
0xaf: {  	[dreg:$0x3] =	wrdreg s24  }
0xb0: {  	[dreg:$0x4] =	wrdreg $0x9  }
0xb1: {  	_ =	task.clear_ibuf [dreg:s7], $0x5FFFF;
	_ =	strace $0x90000046  }
0xb2: {  	s29 =	simm.s32 $0x9;
	_ =	strace $0x80000048  }
0xb3: {  	_ =	swait.ge [sflag:s29], $0x1  }
0xb4: {  	[sflag:s29] =	ssyncadd.s32 $0xFFFFFFFF  }
0xb5: {  	_ =	strace $0x90000048  }
0xb6: {  	_ =	sfence  }
0xb7: {  	s30 =	sld [smem:$0x0];
	_ =	sdelay $0x2  }
0xb8: {  	s31 =	sshll.u32 s1, $0xD;
	s1 =	sshrl.u32 s1, $0x2  }
0xb9: {  	s3 =	sand.u32 $0x4000, s31;
	s1 =	sadd.s32 s1, s30  }
0xba: {  	s0 =	sor.u32 s3, s0;
	s1 =	sshll.u32 s1, $0x11  }
0xbb: {  	s0 =	sor.u32 s1, s0  }
0xbc: {  	s0 =	sadd.s32 $0x8F2B, s0  }
0xbd: {  	[sflag:s0] =	ssyncadd.remote.s32 $0x1  }
0xbe: {  	_ =	sfence.sel $0xFFFF  }
0xbf: {  	[dreg:$0x0] =	wrdreg $0xFFFFFFFF;
	(pc) =	sbr.abs _section_cstart, $3  }
0xc0: {  	[dreg:$0x1] =	wrdreg $0xFFFFFFFF  }
0xc1: {  	_ =	task.clear_ibuf [dreg:s7], $0x2FFFF;
	_ =	strace $0x9FFFFFFF  }
0xc2: {  	(tm) =	ssettm $0x7FFFFFFF  }
0xc3: {  	_ =	shalt  }
tec
execute0_lowered:
.L_overlay_start_1:
0x0: {  	(tag) =	ssettag $0x1  }
0x1: {  	s0 =	rddreg [dreg:$0x0]  }
0x2: {  	s1 =	rddreg [dreg:$0x1]  }
0x3: {  	s2 =	simm.s32 $0x0;
	s4 =	srdreg.scid;
	s7 =	stileid.u32  }
0x4: {  	s20 =	simm.s32 $0x80;
	s8 =	simm.s32 $0x1F80;
	s9 =	simm.s32 $0x1000  }
0x5: {  	s10 =	simm.s32 $0x2000;
	s11 =	simm.s32 $0x1080;
	s15 =	simm.s32 $0x1200  }
0x6: {  	s28 =	simm.s32 $0x2280;
	s29 =	simm.s32 $0x2300;
	s30 =	simm.s32 $0x1380  }
0x7: {  	s31 =	simm.s32 $0x2380;
	s12 =	simm.s32 $0x2;
	s14 =	simm.s32 $0x0  }
0x8: {  	[smem:$0x7FF] =	sst s2;
	s3 =	sadd.s32 $0x1000, s1;
	s4 =	sand.u32 $0x1, s4  }
0x9: {  	s5 =	sshll.u32 s7, $0x6;
	s7 =	sshll.u32 s7, $0x4;
	s17 =	sadd.s32 $0xF43400, s1  }
0xa: {  	_ =	strace $0x80000047;
	s6 =	sshll.u32 s4, $0xA;
	s5 =	sand.u32 $0x200, s5  }
0xb: {  	s16 =	sand.u32 $0x70, s7;
	s4 =	ssub.s32 $0x2, s4;
	[dreg:$0x3] =	wrdreg s17  }
0xc: {  	s7 =	simm.s32 $0xF80;
	s17 =	simm.s32 $0x2080;
	s18 =	sshrl.u32 s4, $0x1  }
0xd: {  	v0 =	vlaneseq.u32;
	s5 =	sor.u32 s6, s5;
	s6 =	simm.s32 $0x2180;
	s4 =	ssub.s32 s4, s18  }
0xe: {  	v4 =	vmul.u32 $0x10, v0;
	s5 =	sor.u32 s16, s5;
	s18 =	simm.s32 $0x3;
	s21 =	smax.u32 s4, $0x1  }
0xf: {  	s1 =	sadd.s32 s5, s1;
	s0 =	sadd.s32 s0, s5;
	[dreg:$0x7] =	wrdreg s21  }
0x10: {  	v0 =	vor.u32 $0x1, v4;
	[tilespmem:$0x1FFE0] =	vst v4;
	s19 =	sadd.s32 $0x800, s1;
	s1 =	sadd.s32 $0xF43600, s1;
	[dreg:$0x4] =	wrdreg s0  }
0x11: {  	v57 =	vor.u32 $0x2, v4;
	s16 =	simm.s32 $0xF00;
	[tilespmem:$0x1FF60] =	vst v0;
	s22 =	sadd.s32 $0x80, s0;
	[dreg:$0x6] =	wrdreg s1  }
0x12: {  	v58 =	vor.u32 $0x3, v4;
	[tilespmem:$0x1FF70] =	vst v57;
	s4 =	simm.s32 $0x1F00;
	s23 =	sadd.s32 $0x100, s0;
	[dreg:$0x8] =	wrdreg s22  }
0x13: {  	v59 =	vor.u32 $0x4, v4;
	[tilespmem:$0x1FF80] =	vst v58;
	s5 =	simm.s32 $0x1180;
	s0 =	sadd.s32 $0x180, s0;
	[dreg:$0x9] =	wrdreg s23  }
0x14: {  	v60 =	vor.u32 $0x5, v4;
	[tilespmem:$0x1FF90] =	vst v59;
	s21 =	simm.s32 $0x2100;
	[dreg:$0xa] =	wrdreg s0;
	s24 =	sadd.s32 $0x80, s19  }
.Ltmp0:
0x15: {  	v61 =	vor.u32 $0x6, v4;
	[tilespmem:$0x1FFA0] =	vst v60;
	s25 =	sadd.s32 $0x100, s19;
	[dreg:$0x5] =	wrdreg s19;
	(pc) =	sbr.rel .LBB2_1-.Ltmp0, $4  }
0x16: {  	v62 =	vor.u32 $0x7, v4;
	[tilespmem:$0x1FFB0] =	vst v61;
	s26 =	sadd.s32 $0x180, s19;
	s22 =	simm.s32 $0x400;
	[dreg:$0xb] =	wrdreg s24  }
0x17: {  	v63 =	vor.u32 $0x8, v4;
	v18 =	vor.u32 $0x9, v4;
	v5 =	vor.u32 $0xA, v4;
	[tilespmem:$0x1FFC0] =	vst v62;
	s23 =	simm.s32 $0x1E80;
	s19 =	simm.s32 $0x1100;
	[dreg:$0xc] =	wrdreg s25  }
0x18: {  	v10 =	vor.u32 $0xB, v4;
	v11 =	vor.u32 $0xC, v4;
	v12 =	vor.u32 $0xD, v4;
	[tilespmem:$0x1FFD0] =	vst v63;
	s0 =	simm.s32 $0x1;
	s1 =	simm.s32 $0x2400;
	[dreg:$0xd] =	wrdreg s26  }
0x19: {  	v13 =	vor.u32 $0xE, v4;
	v15 =	vor.u32 $0xF, v4;
	[tilespmem:$0x1FFF0] =	vst v18;
	s25 =	simm.s32 $0x2200;
	s26 =	simm.s32 $0x1280;
	s24 =	simm.s32 $0x1300  }
.LBB2_5:
0x1a: {  	s13 =	rddreg [dreg:$0x6];
	s20 =	simm.s32 $0x80  }
0x1b: {  	s22 =	simm.s32 $0x400;
	s14 =	simm.s32 $0x2500;
	s18 =	simm.s32 $0x3  }
0x1c: {  	[hbm4b:s13+s20] =	stream.strided.scatter [tilespmem:s14], [sflag:$0x3], $0x200, s22, s20, $0x38;
	[tilespmem:$0x2780] =	vst v63  }
0x1d: {  	_ =	swait.ge [sflag:s18], $0x200  }
0x1e: {  	s13 =	rddreg [dreg:$0xe]  }
0x1f: {  	s14 =	sadd.s32 $0x1, s13;
	s13 =	rddreg [dreg:$0x7]  }
0x20: {  	p0 =	sne.s32 s14, s13  }
.Ltmp1:
0x21: {  	_ = 	snop;
	(pc) =	sbr.rel @!p0 .LBB2_6-.Ltmp1, $3  }
0x22: {  	_ =	sdelay $0x1  }
0x23: {  	[sflag:s18] =	ssyncset.done $0x0  }
0x24: {  	[sflag:s18] =	ssyncadd.s32 $0xFFFFFE00  }
.LBB2_1:
0x25: {  	[dreg:$0xe] =	wrdreg s14  }
0x26: {  	s13 =	rddreg [dreg:$0x4]  }
0x27: {  	[tilespmem:s2], [sflag:$0x3] =	stream.linear.gather [hbm4b:s13+s2], $0x80, $0x38;
	[tilespmem:$0x2780] =	vst v63  }
0x28: {  	s14 =	simm.s32 $0x100;
	s13 =	rddreg [dreg:$0x8]  }
0x29: {  	[tilespmem:s14], [sflag:$0x3] =	stream.linear.gather [hbm4b:s13+s2], $0x80, $0x38;
	[tilespmem:$0x2780] =	vst v63  }
0x2a: {  	s13 =	rddreg [dreg:$0x9];
	s14 =	simm.s32 $0x200  }
0x2b: {  	[tilespmem:s14], [sflag:$0x3] =	stream.linear.gather [hbm4b:s13+s2], $0x80, $0x38;
	[tilespmem:$0x2780] =	vst v63  }
0x2c: {  	s13 =	rddreg [dreg:$0xa];
	s14 =	simm.s32 $0x300  }
0x2d: {  	[tilespmem:s14], [sflag:$0x3] =	stream.linear.gather [hbm4b:s13+s2], $0x80, $0x38;
	[tilespmem:$0x2780] =	vst v63  }
0x2e: {  	_ =	swait.ge [sflag:s18], $0x200  }
0x2f: {  	[sflag:s18] =	ssyncset.done $0x0  }
0x30: {  	s14 =	rddreg [dreg:$0x5];
	[sflag:s18] =	ssyncadd.s32 $0xFFFFFE00  }
0x31: {  	[tilespmem:s20], [sflag:$0x3] =	stream.linear.gather [hbm4b:s14+s2], $0x80, $0x38;
	[tilespmem:$0x2780] =	vst v63  }
0x32: {  	s14 =	rddreg [dreg:$0xb];
	s20 =	simm.s32 $0x180  }
0x33: {  	[tilespmem:s20], [sflag:$0x3] =	stream.linear.gather [hbm4b:s14+s2], $0x80, $0x38;
	[tilespmem:$0x2780] =	vst v63  }
0x34: {  	s14 =	rddreg [dreg:$0xc];
	s20 =	simm.s32 $0x280  }
0x35: {  	[tilespmem:s20], [sflag:$0x3] =	stream.linear.gather [hbm4b:s14+s2], $0x80, $0x38;
	[tilespmem:$0x2780] =	vst v63  }
0x36: {  	s14 =	rddreg [dreg:$0xd];
	s20 =	simm.s32 $0x380  }
0x37: {  	[tilespmem:s20], [sflag:$0x3] =	stream.linear.gather [hbm4b:s14+s2], $0x80, $0x38;
	[tilespmem:$0x2780] =	vst v63  }
0x38: {  	_ =	swait.ge [sflag:s18], $0x200  }
0x39: {  	[sflag:s18] =	ssyncset.done $0x0  }
0x3a: {  	s20 =	simm.s32 $0x2700;
	s14 =	rddreg [dreg:$0x3];
	[sflag:s18] =	ssyncadd.s32 $0xFFFFFE00  }
0x3b: {  	[tilespmem:s20], [sflag:$0x3] =	stream.linear.gather [hbm4b:s14+s2], $0x80, $0x38;
	[tilespmem:$0x2780] =	vst v63  }
0x3c: {  	_ =	swait.ge [sflag:s18], $0x80  }
0x3d: {  	[sflag:s18] =	ssyncset.done $0x0  }
0x3e: {  	[sflag:s18] =	ssyncadd.s32 $0xFFFFFF80  }
0x3f: {  	v16 =	vld [tilespmem:$0x0]  }
0x40: {  	v17 =	vld [tilespmem:$0x80];
	_ =	sdelay $0x3  }
0x41: {  	v20 =	vshll.u32 v16, $0x4  }
0x42: {  	v19 =	vshll.u32 v17, $0x4;
	(v2sf) =	vpush v20, $0x0  }
0x43: {  	(v2sf) =	vpush v19, $0x0;
	_ =	sdelay $0x5  }
0x44: {  	(v2sf) =	vpush v20, $0x1;
	_ =	sdelay $0x1  }
0x45: {  	(v2sf) =	vpush v19, $0x1;
	_ =	sdelay $0x5  }
0x46: {  	s18 =	spop (v2sf);
	(v2sf) =	vpush v20, $0x2  }
0x47: {  	s20 =	spop (v2sf);
	(v2sf) =	vpush v19, $0x2;
	_ =	sdelay $0x4  }
0x48: {  	v9 =	vld [tilespmem:$0x2720];
	s13 =	sand.u32 $0x1FFFFFF0, s18  }
0x49: {  	v16 =	vld [tilespmem:$0x2700];
	s13 =	sadd.s32 s3, s13;
	s14 =	spop (v2sf);
	(v2sf) =	vpush v20, $0x3  }
0x4a: {  	v17 =	vld [tilespmem:$0x2710];
	[tilespmem:s22], [sflag:$0x1] =	stream.linear.gather [hbm4b:s13+s2], $0x80, $0x38  }
0x4b: {  	s13 =	sand.u32 $0x1FFFFFF0, s20;
	s20 =	spop (v2sf);
	(v2sf) =	vpush v19, $0x3  }
0x4c: {  	s22 =	simm.s32 $0x1400;
	s13 =	sadd.s32 s3, s13  }
0x4d: {  	[tilespmem:s22], [sflag:$0x1] =	stream.linear.gather [hbm4b:s13+s2], $0x80, $0x38;
	[tilespmem:$0x2780] =	vst v63  }
0x4e: {  	s13 =	sand.u32 $0x1FFFFFF0, s14  }
0x4f: {  	s18 =	simm.s32 $0x480;
	s13 =	sadd.s32 s3, s13  }
0x50: {  	[tilespmem:s18], [sflag:$0x1] =	stream.linear.gather [hbm4b:s13+s2], $0x80, $0x38;
	[tilespmem:$0x2780] =	vst v63  }
0x51: {  	s14 =	spop (v2sf);
	(v2sf) =	vpush v20, $0x4  }
0x52: {  	s13 =	sand.u32 $0x1FFFFFF0, s20;
	s20 =	spop (v2sf);
	(v2sf) =	vpush v19, $0x4;
	_ =	sdelay $0x2  }
0x53: {  	s22 =	simm.s32 $0x1480;
	s13 =	sadd.s32 s3, s13  }
0x54: {  	[tilespmem:s22], [sflag:$0x1] =	stream.linear.gather [hbm4b:s13+s2], $0x80, $0x38;
	[tilespmem:$0x2780] =	vst v63  }
0x55: {  	s13 =	sand.u32 $0x1FFFFFF0, s14  }
0x56: {  	s18 =	simm.s32 $0x500;
	s13 =	sadd.s32 s3, s13;
	s14 =	spop (v2sf);
	(v2sf) =	vpush v20, $0x5  }
0x57: {  	[tilespmem:s18], [sflag:$0x1] =	stream.linear.gather [hbm4b:s13+s2], $0x80, $0x38;
	[tilespmem:$0x2780] =	vst v63  }
0x58: {  	s13 =	sand.u32 $0x1FFFFFF0, s20;
	s20 =	spop (v2sf);
	(v2sf) =	vpush v19, $0x5  }
0x59: {  	s22 =	simm.s32 $0x1500;
	s13 =	sadd.s32 s3, s13  }
0x5a: {  	[tilespmem:s22], [sflag:$0x1] =	stream.linear.gather [hbm4b:s13+s2], $0x80, $0x38;
	[tilespmem:$0x2780] =	vst v63  }
0x5b: {  	s13 =	sand.u32 $0x1FFFFFF0, s14  }
0x5c: {  	s18 =	simm.s32 $0x580;
	s13 =	sadd.s32 s3, s13  }
0x5d: {  	[tilespmem:s18], [sflag:$0x1] =	stream.linear.gather [hbm4b:s13+s2], $0x80, $0x38;
	[tilespmem:$0x2780] =	vst v63  }
0x5e: {  	s14 =	spop (v2sf);
	(v2sf) =	vpush v20, $0x6  }
0x5f: {  	s13 =	sand.u32 $0x1FFFFFF0, s20;
	s20 =	spop (v2sf);
	(v2sf) =	vpush v19, $0x6;
	_ =	sdelay $0x2  }
0x60: {  	s22 =	simm.s32 $0x1580;
	s13 =	sadd.s32 s3, s13  }
0x61: {  	[tilespmem:s22], [sflag:$0x1] =	stream.linear.gather [hbm4b:s13+s2], $0x80, $0x38;
	[tilespmem:$0x2780] =	vst v63  }
0x62: {  	s13 =	sand.u32 $0x1FFFFFF0, s14  }
0x63: {  	s18 =	simm.s32 $0x600;
	s13 =	sadd.s32 s3, s13;
	s14 =	spop (v2sf);
	(v2sf) =	vpush v20, $0x7  }
0x64: {  	[tilespmem:s18], [sflag:$0x1] =	stream.linear.gather [hbm4b:s13+s2], $0x80, $0x38;
	[tilespmem:$0x2780] =	vst v63  }
0x65: {  	s13 =	sand.u32 $0x1FFFFFF0, s20;
	s20 =	spop (v2sf);
	(v2sf) =	vpush v19, $0x7  }
0x66: {  	s22 =	simm.s32 $0x1600;
	s13 =	sadd.s32 s3, s13  }
0x67: {  	[tilespmem:s22], [sflag:$0x1] =	stream.linear.gather [hbm4b:s13+s2], $0x80, $0x38;
	[tilespmem:$0x2780] =	vst v63  }
0x68: {  	s13 =	sand.u32 $0x1FFFFFF0, s14  }
0x69: {  	s18 =	simm.s32 $0x680;
	s13 =	sadd.s32 s3, s13  }
0x6a: {  	[tilespmem:s18], [sflag:$0x1] =	stream.linear.gather [hbm4b:s13+s2], $0x80, $0x38;
	[tilespmem:$0x2780] =	vst v63  }
0x6b: {  	s14 =	spop (v2sf);
	(v2sf) =	vpush v20, $0x8  }
0x6c: {  	s13 =	sand.u32 $0x1FFFFFF0, s20;
	s20 =	spop (v2sf);
	(v2sf) =	vpush v19, $0x8;
	_ =	sdelay $0x2  }
0x6d: {  	s22 =	simm.s32 $0x1680;
	s13 =	sadd.s32 s3, s13  }
0x6e: {  	[tilespmem:s22], [sflag:$0x1] =	stream.linear.gather [hbm4b:s13+s2], $0x80, $0x38;
	[tilespmem:$0x2780] =	vst v63  }
0x6f: {  	s13 =	sand.u32 $0x1FFFFFF0, s14  }
0x70: {  	s18 =	simm.s32 $0x700;
	s13 =	sadd.s32 s3, s13;
	s14 =	spop (v2sf);
	(v2sf) =	vpush v20, $0x9  }
0x71: {  	[tilespmem:s18], [sflag:$0x1] =	stream.linear.gather [hbm4b:s13+s2], $0x80, $0x38;
	[tilespmem:$0x2780] =	vst v63  }
0x72: {  	s13 =	sand.u32 $0x1FFFFFF0, s20;
	s20 =	spop (v2sf);
	(v2sf) =	vpush v19, $0x9  }
0x73: {  	s22 =	simm.s32 $0x1700;
	s13 =	sadd.s32 s3, s13  }
0x74: {  	[tilespmem:s22], [sflag:$0x1] =	stream.linear.gather [hbm4b:s13+s2], $0x80, $0x38;
	[tilespmem:$0x2780] =	vst v63  }
0x75: {  	s13 =	sand.u32 $0x1FFFFFF0, s14  }
0x76: {  	s18 =	simm.s32 $0x780;
	s13 =	sadd.s32 s3, s13  }
0x77: {  	[tilespmem:s18], [sflag:$0x1] =	stream.linear.gather [hbm4b:s13+s2], $0x80, $0x38;
	[tilespmem:$0x2780] =	vst v63  }
0x78: {  	s14 =	spop (v2sf);
	(v2sf) =	vpush v20, $0xA  }
0x79: {  	s13 =	sand.u32 $0x1FFFFFF0, s20;
	s20 =	spop (v2sf);
	(v2sf) =	vpush v19, $0xA;
	_ =	sdelay $0x2  }
0x7a: {  	s22 =	simm.s32 $0x1780;
	s13 =	sadd.s32 s3, s13  }
0x7b: {  	[tilespmem:s22], [sflag:$0x1] =	stream.linear.gather [hbm4b:s13+s2], $0x80, $0x38;
	[tilespmem:$0x2780] =	vst v63  }
0x7c: {  	s13 =	sand.u32 $0x1FFFFFF0, s14  }
0x7d: {  	s18 =	simm.s32 $0x800;
	s13 =	sadd.s32 s3, s13;
	s14 =	spop (v2sf);
	(v2sf) =	vpush v20, $0xB  }
0x7e: {  	[tilespmem:s18], [sflag:$0x1] =	stream.linear.gather [hbm4b:s13+s2], $0x80, $0x38;
	[tilespmem:$0x2780] =	vst v63  }
0x7f: {  	s13 =	sand.u32 $0x1FFFFFF0, s20;
	s20 =	spop (v2sf);
	(v2sf) =	vpush v19, $0xB  }
0x80: {  	s22 =	simm.s32 $0x1800;
	s13 =	sadd.s32 s3, s13  }
0x81: {  	[tilespmem:s22], [sflag:$0x1] =	stream.linear.gather [hbm4b:s13+s2], $0x80, $0x38;
	[tilespmem:$0x2780] =	vst v63  }
0x82: {  	s13 =	sand.u32 $0x1FFFFFF0, s14  }
0x83: {  	s18 =	simm.s32 $0x880;
	s13 =	sadd.s32 s3, s13  }
0x84: {  	[tilespmem:s18], [sflag:$0x1] =	stream.linear.gather [hbm4b:s13+s2], $0x80, $0x38;
	[tilespmem:$0x2780] =	vst v63  }
0x85: {  	s13 =	sand.u32 $0x1FFFFFF0, s20;
	s14 =	spop (v2sf);
	(v2sf) =	vpush v20, $0xC  }
0x86: {  	s22 =	simm.s32 $0x1880;
	s13 =	sadd.s32 s3, s13;
	s20 =	spop (v2sf);
	(v2sf) =	vpush v19, $0xC  }
0x87: {  	[tilespmem:s22], [sflag:$0x1] =	stream.linear.gather [hbm4b:s13+s2], $0x80, $0x38;
	[tilespmem:$0x2780] =	vst v63  }
0x88: {  	s13 =	sand.u32 $0x1FFFFFF0, s14  }
0x89: {  	s18 =	simm.s32 $0x900;
	s13 =	sadd.s32 s3, s13  }
0x8a: {  	[tilespmem:s18], [sflag:$0x1] =	stream.linear.gather [hbm4b:s13+s2], $0x80, $0x38;
	[tilespmem:$0x2780] =	vst v63  }
0x8b: {  	(v2sf) =	vpush v20, $0xD;
	s13 =	sand.u32 $0x1FFFFFF0, s20  }
0x8c: {  	s22 =	simm.s32 $0x1900;
	s14 =	spop (v2sf);
	s13 =	sadd.s32 s3, s13  }
0x8d: {  	(v2sf) =	vpush v19, $0xD;
	[tilespmem:s22], [sflag:$0x1] =	stream.linear.gather [hbm4b:s13+s2], $0x80, $0x38;
	[tilespmem:$0x2780] =	vst v63  }
0x8e: {  	s20 =	spop (v2sf);
	(v2sf) =	vpush v20, $0xE;
	s13 =	sand.u32 $0x1FFFFFF0, s14  }
0x8f: {  	s18 =	simm.s32 $0x980;
	s13 =	sadd.s32 s3, s13  }
0x90: {  	[tilespmem:s18], [sflag:$0x1] =	stream.linear.gather [hbm4b:s13+s2], $0x80, $0x38;
	[tilespmem:$0x2780] =	vst v63  }
0x91: {  	s13 =	sand.u32 $0x1FFFFFF0, s20  }
0x92: {  	s22 =	simm.s32 $0x1980;
	s13 =	sadd.s32 s3, s13  }
0x93: {  	[tilespmem:s22], [sflag:$0x1] =	stream.linear.gather [hbm4b:s13+s2], $0x80, $0x38;
	[tilespmem:$0x2780] =	vst v63  }
0x94: {  	s14 =	spop (v2sf);
	(v2sf) =	vpush v19, $0xE  }
0x95: {  	s20 =	spop (v2sf);
	(v2sf) =	vpush v20, $0xF  }
0x96: {  	s13 =	sand.u32 $0x1FFFFFF0, s14  }
0x97: {  	s18 =	simm.s32 $0xA00;
	s13 =	sadd.s32 s3, s13  }
0x98: {  	[tilespmem:s18], [sflag:$0x1] =	stream.linear.gather [hbm4b:s13+s2], $0x80, $0x38;
	[tilespmem:$0x2780] =	vst v63  }
0x99: {  	s13 =	sand.u32 $0x1FFFFFF0, s20  }
0x9a: {  	s22 =	simm.s32 $0x1A00;
	s18 =	spop (v2sf);
	(v2sf) =	vpush v19, $0xF;
	s13 =	sadd.s32 s3, s13  }
0x9b: {  	[tilespmem:s22], [sflag:$0x1] =	stream.linear.gather [hbm4b:s13+s2], $0x80, $0x38;
	[tilespmem:$0x2780] =	vst v63  }
0x9c: {  	s20 =	spop (v2sf);
	s13 =	sand.u32 $0x1FFFFFF0, s18;
	s22 =	simm.s32 $0xA80  }
0x9d: {  	s18 =	sand.u32 $0x1FFFFFF0, s20;
	s20 =	spop (v2sf);
	s13 =	sadd.s32 s3, s13  }
0x9e: {  	[tilespmem:s22], [sflag:$0x1] =	stream.linear.gather [hbm4b:s13+s2], $0x80, $0x38;
	[tilespmem:$0x2780] =	vst v63  }
0x9f: {  	s13 =	sadd.s32 s3, s18;
	s22 =	simm.s32 $0x1A80;
	s18 =	sand.u32 $0x1FFFFFF0, s20  }
0xa0: {  	[tilespmem:s22], [sflag:$0x1] =	stream.linear.gather [hbm4b:s13+s2], $0x80, $0x38;
	[tilespmem:$0x2780] =	vst v63  }
0xa1: {  	s13 =	sadd.s32 s3, s18;
	s22 =	simm.s32 $0xB00  }
0xa2: {  	[tilespmem:s22], [sflag:$0x1] =	stream.linear.gather [hbm4b:s13+s2], $0x80, $0x38;
	[tilespmem:$0x2780] =	vst v63  }
0xa3: {  	s20 =	spop (v2sf)  }
0xa4: {  	s18 =	sand.u32 $0x1FFFFFF0, s20;
	s20 =	spop (v2sf)  }
0xa5: {  	s22 =	simm.s32 $0x1B00;
	s13 =	sadd.s32 s3, s18;
	s14 =	sand.u32 $0x1FFFFFF0, s20  }
0xa6: {  	[tilespmem:s22], [sflag:$0x1] =	stream.linear.gather [hbm4b:s13+s2], $0x80, $0x38;
	[tilespmem:$0x2780] =	vst v63  }
0xa7: {  	s18 =	simm.s32 $0xB80;
	s13 =	sadd.s32 s3, s14  }
0xa8: {  	[tilespmem:s18], [sflag:$0x1] =	stream.linear.gather [hbm4b:s13+s2], $0x80, $0x38;
	[tilespmem:$0x2780] =	vst v63  }
.Ltmp2:
0xa9: {  	s20 =	spop (v2sf);
	(pc) =	sbr.rel .LBB2_2-.Ltmp2, $4  }
0xaa: {  	s13 =	sand.u32 $0x1FFFFFF0, s20  }
0xab: {  	s22 =	simm.s32 $0x1B80;
	s13 =	sadd.s32 s3, s13  }
0xac: {  	[tilespmem:s22], [sflag:$0x1] =	stream.linear.gather [hbm4b:s13+s2], $0x80, $0x38;
	[tilespmem:$0x2780] =	vst v63  }
0xad: {  	s14 =	simm.s32 $0x2510;
	s18 =	simm.s32 $0x0;
	s13 =	simm.s32 $0x20  }
.LBB2_4:
0xae: {  	_ =	swait.ge [sflag:s12], $0x800  }
0xaf: {  	[sflag:s12] =	ssyncset.done $0x0  }
0xb0: {  	[sflag:s12] =	ssyncadd.s32 $0xFFFFF800  }
0xb1: {  	_ =	swait.ge [sflag:s12], $0x800  }
0xb2: {  	[sflag:s12] =	ssyncset.done $0x0  }
0xb3: {  	[sflag:s12] =	ssyncadd.s32 $0xFFFFF800  }
0xb4: {  	v0 =	vld [tilespmem:$0xC00]  }
0xb5: {  	v1 =	vld [tilespmem:$0xC10]  }
0xb6: {  	v2 =	vld [tilespmem:$0x1C00]  }
0xb7: {  	v3 =	vld [tilespmem:$0x1C10]  }
0xb8: {  	v4 =	vld [tilespmem:$0xC80]  }
0xb9: {  	v5 =	vld [tilespmem:$0xC90]  }
0xba: {  	v6 =	vld [tilespmem:$0x1C80]  }
0xbb: {  	v7 =	vld [tilespmem:$0x1C90]  }
0xbc: {  	v19 =	vld [tilespmem:$0xD00]  }
0xbd: {  	v20 =	vld [tilespmem:$0xD10]  }
0xbe: {  	v21 =	vld [tilespmem:$0x1D00]  }
0xbf: {  	v22 =	vld [tilespmem:$0x1D10]  }
0xc0: {  	v23 =	vld [tilespmem:$0xD80]  }
0xc1: {  	v24 =	vld [tilespmem:$0xD90]  }
0xc2: {  	v25 =	vld [tilespmem:$0x1D80]  }
0xc3: {  	v26 =	vld [tilespmem:$0x1D90]  }
0xc4: {  	v27 =	vld [tilespmem:$0xE00]  }
0xc5: {  	v28 =	vld [tilespmem:$0xE10]  }
0xc6: {  	v29 =	vld [tilespmem:$0x1E00]  }
0xc7: {  	v30 =	vld [tilespmem:$0x1E10]  }
0xc8: {  	v31 =	vld [tilespmem:$0xE80]  }
0xc9: {  	v32 =	vld [tilespmem:$0xE90]  }
0xca: {  	v33 =	vld [tilespmem:$0x1E80]  }
0xcb: {  	v34 =	vld [tilespmem:$0x1E90]  }
0xcc: {  	v35 =	vld [tilespmem:$0xF00]  }
0xcd: {  	v36 =	vld [tilespmem:$0xF10]  }
0xce: {  	v37 =	vld [tilespmem:$0x1F00]  }
0xcf: {  	v38 =	vld [tilespmem:$0x1F10]  }
0xd0: {  	v39 =	vld [tilespmem:$0xF80]  }
0xd1: {  	v40 =	vld [tilespmem:$0xF90]  }
0xd2: {  	v41 =	vld [tilespmem:$0x1F80]  }
0xd3: {  	v42 =	vld [tilespmem:$0x1F90]  }
0xd4: {  	v43 =	vld [tilespmem:$0x1000]  }
0xd5: {  	v44 =	vld [tilespmem:$0x1010]  }
0xd6: {  	v45 =	vld [tilespmem:$0x2000]  }
0xd7: {  	v46 =	vld [tilespmem:$0x2010]  }
0xd8: {  	v47 =	vld [tilespmem:$0x1080]  }
0xd9: {  	v48 =	vld [tilespmem:$0x1090]  }
0xda: {  	v49 =	vld [tilespmem:$0x2080]  }
0xdb: {  	v50 =	vld [tilespmem:$0x2090]  }
0xdc: {  	v51 =	vld [tilespmem:$0x1100]  }
0xdd: {  	v52 =	vld [tilespmem:$0x1110]  }
0xde: {  	v53 =	vld [tilespmem:$0x2100]  }
0xdf: {  	v54 =	vld [tilespmem:$0x2110]  }
0xe0: {  	v55 =	vld [tilespmem:$0x1180];
	v0 =	vmul.f32 v2, v0  }
0xe1: {  	v56 =	vld [tilespmem:$0x1190];
	v1 =	vmul.f32 v3, v1;
	v3 =	vmul.f32 v6, v4  }
0xe2: {  	v57 =	vld [tilespmem:$0x2180];
	v4 =	vmul.f32 v7, v5;
	v6 =	vmul.f32 v21, v19  }
0xe3: {  	v58 =	vld [tilespmem:$0x2190];
	v7 =	vmul.f32 v22, v20;
	v20 =	vmul.f32 v25, v23  }
0xe4: {  	v59 =	vld [tilespmem:$0x1200];
	v21 =	vmul.f32 v26, v24;
	v23 =	vmul.f32 v29, v27  }
0xe5: {  	v60 =	vld [tilespmem:$0x1210];
	v24 =	vmul.f32 v30, v28;
	v26 =	vmul.f32 v33, v31  }
0xe6: {  	v61 =	vld [tilespmem:$0x2200];
	v27 =	vmul.f32 v34, v32;
	v29 =	vmul.f32 v37, v35  }
0xe7: {  	v62 =	vld [tilespmem:$0x2210];
	v30 =	vmul.f32 v38, v36;
	v32 =	vmul.f32 v41, v39  }
0xe8: {  	v63 =	vld [tilespmem:$0x1280];
	v33 =	vmul.f32 v42, v40;
	v35 =	vmul.f32 v45, v43  }
0xe9: {  	v2 =	vld [tilespmem:$0x1290];
	v36 =	vmul.f32 v46, v44;
	v38 =	vmul.f32 v49, v47  }
0xea: {  	v5 =	vld [tilespmem:$0x2280];
	v49 =	vmul.f32 v50, v48;
	v51 =	vmul.f32 v53, v51  }
0xeb: {  	v19 =	vld [tilespmem:$0x2290];
	v53 =	vmul.f32 v54, v52;
	v55 =	vmul.f32 v57, v55  }
0xec: {  	v25 =	vld [tilespmem:$0x1310];
	v57 =	vmul.f32 v58, v56;
	v58 =	vmul.f32 v61, v59  }
0xed: {  	v31 =	vld [tilespmem:$0x2310];
	v3 =	vmul.f32 v3, v16;
	v4 =	vmul.f32 v4, v17  }
0xee: {  	v34 =	vld [tilespmem:$0x1380];
	v59 =	vmul.f32 v62, v60;
	v0 =	vmul.f32 v0, v16  }
0xef: {  	v50 =	vld [tilespmem:$0x2380];
	v1 =	vmul.f32 v1, v17;
	v3 =	vadd.f32 v4, v3;
	v4 =	vmul.f32 v20, v16  }
0xf0: {  	v37 =	vld [tilespmem:$0x1390];
	v5 =	vmul.f32 v5, v63;
	v63 =	vmul.f32 v6, v16  }
0xf1: {  	v54 =	vld [tilespmem:$0x2390];
	v6 =	vmul.f32 v7, v17;
	v7 =	vmul.f32 v21, v17  }
0xf2: {  	v23 =	vmul.f32 v23, v16;
	v2 =	vmul.f32 v19, v2  }
0xf3: {  	[tilespmem:$0x2410] =	vst v3;
	v3 =	vadd.f32 v7, v4;
	v4 =	vmul.f32 v26, v16;
	v7 =	vmul.f32 v27, v17  }
0xf4: {  	v0 =	vadd.f32 v1, v0;
	v60 =	vmul.f32 v31, v25;
	v61 =	vmul.f32 v50, v34  }
0xf5: {  	[tilespmem:$0x2430] =	vst v3;
	v3 =	vadd.f32 v7, v4;
	v4 =	vmul.f32 v32, v16;
	v7 =	vmul.f32 v33, v17  }
0xf6: {  	v62 =	vmul.f32 v54, v37;
	v21 =	vadd.f32 v6, v63;
	v6 =	vmul.f32 v24, v17  }
0xf7: {  	[tilespmem:$0x2450] =	vst v3;
	v3 =	vadd.f32 v7, v4;
	v4 =	vmul.f32 v38, v16;
	v7 =	vmul.f32 v49, v17  }
0xf8: {  	v22 =	vld [tilespmem:$0x1300];
	v31 =	vmul.f32 v29, v16;
	v27 =	vadd.f32 v6, v23;
	v6 =	vmul.f32 v30, v17  }
0xf9: {  	v28 =	vld [tilespmem:$0x2300];
	[tilespmem:$0x2470] =	vst v3;
	v3 =	vadd.f32 v7, v4;
	v4 =	vmul.f32 v55, v16;
	v7 =	vmul.f32 v57, v17  }
0xfa: {  	v37 =	vmul.f32 v35, v16;
	v34 =	vadd.f32 v6, v31;
	v6 =	vmul.f32 v36, v17  }
0xfb: {  	v2 =	vmul.f32 v2, v17;
	[tilespmem:$0x2490] =	vst v3;
	v3 =	vadd.f32 v7, v4;
	v4 =	vmul.f32 v5, v16  }
0xfc: {  	v43 =	vmul.f32 v51, v16;
	[tilespmem:$0x2400] =	vst v0;
	v40 =	vadd.f32 v6, v37;
	v6 =	vmul.f32 v53, v17  }
0xfd: {  	[tilespmem:$0x24B0] =	vst v3;
	v2 =	vadd.f32 v2, v4;
	v3 =	vmul.f32 v61, v16;
	v4 =	vmul.f32 v62, v17  }
0xfe: {  	v19 =	vmul.f32 v28, v22;
	[tilespmem:$0x2420] =	vst v21;
	v49 =	vmul.f32 v58, v16  }
0xff: {  	[tilespmem:$0x2440] =	vst v27;
	v48 =	vadd.f32 v6, v43;
	v6 =	vmul.f32 v59, v17;
	v53 =	vadd.f32 v4, v3;
	v4 =	vld [tilespmem:$0x1FFE0]  }
0x100: {  	[tilespmem:$0x2460] =	vst v34  }
0x101: {  	v54 =	vld [tilespmem:$0x1FF60];
	v51 =	vmul.f32 v19, v16;
	[tilespmem:$0x2480] =	vst v40;
	v5 =	vmul.f32 v60, v17;
	v50 =	vadd.f32 v6, v49  }
0x102: {  	[tilespmem:$0x24A0] =	vst v48  }
0x103: {  	v55 =	vld [tilespmem:$0x1FF70];
	v52 =	vadd.f32 v5, v51;
	[tilespmem:$0x24C0] =	vst v50  }
0x104: {  	[tilespmem:$0x24D0] =	vst v2  }
0x105: {  	[tilespmem:$0x24E0] =	vst v52;
	v3 =	vld [tilespmem:$0x1FF80]  }
0x106: {  	[tilespmem:$0x24F0] =	vst v53  }
0x107: {  	v0 =	vld.idx.msk [tilespmem:v4+s1+$0x0], $0xffff;
	_ =	sdelay $0x1  }
0x108: {  	v1 =	vld.idx.msk [tilespmem:v54+s1+$0x0], $0xffff;
	_ =	sdelay $0x1  }
0x109: {  	v2 =	vld.idx.msk [tilespmem:v55+s1+$0x0], $0xffff  }
0x10a: {  	v0 =	vadd.f32 v0, v9  }
0x10b: {  	v3 =	vld.idx.msk [tilespmem:v3+s1+$0x0], $0xffff  }
0x10c: {  	v56 =	vld [tilespmem:$0x1FF90];
	v0 =	vadd.f32 v1, v0;
	_ =	sdelay $0x1  }
0x10d: {  	v57 =	vld [tilespmem:$0x1FFA0];
	v0 =	vadd.f32 v2, v0;
	_ =	sdelay $0x1  }
0x10e: {  	v0 =	vadd.f32 v3, v0;
	v3 =	vld [tilespmem:$0x1FFB0];
	_ =	sdelay $0x1  }
0x10f: {  	v58 =	vld [tilespmem:$0x1FFC0]  }
0x110: {  	v59 =	vld [tilespmem:$0x1FFD0]  }
0x111: {  	v1 =	vld.idx.msk [tilespmem:v56+s1+$0x0], $0xffff;
	_ =	sdelay $0x1  }
0x112: {  	v2 =	vld.idx.msk [tilespmem:v57+s1+$0x0], $0xffff;
	_ =	sdelay $0x1  }
0x113: {  	v3 =	vld.idx.msk [tilespmem:v3+s1+$0x0], $0xffff  }
0x114: {  	v0 =	vadd.f32 v1, v0  }
0x115: {  	v1 =	vld.idx.msk [tilespmem:v58+s1+$0x0], $0xffff  }
0x116: {  	v0 =	vadd.f32 v2, v0  }
0x117: {  	v2 =	vld.idx.msk [tilespmem:v59+s1+$0x0], $0xffff  }
0x118: {  	v0 =	vadd.f32 v3, v0  }
0x119: {  	v3 =	vld.idx.msk [tilespmem:v18+s1+$0x0], $0xffff  }
0x11a: {  	v0 =	vadd.f32 v1, v0  }
0x11b: {  	v60 =	vld.idx.msk [tilespmem:v8+s1+$0x0], $0xffff  }
0x11c: {  	v0 =	vadd.f32 v2, v0  }
0x11d: {  	v61 =	vld.idx.msk [tilespmem:v10+s1+$0x0], $0xffff  }
0x11e: {  	v0 =	vadd.f32 v3, v0  }
0x11f: {  	v3 =	vld.idx.msk [tilespmem:v11+s1+$0x0], $0xffff  }
0x120: {  	v0 =	vadd.f32 v60, v0  }
0x121: {  	v62 =	vld.idx.msk [tilespmem:v12+s1+$0x0], $0xffff  }
0x122: {  	v0 =	vadd.f32 v61, v0  }
0x123: {  	v63 =	vld.idx.msk [tilespmem:v13+s1+$0x0], $0xffff  }
0x124: {  	v0 =	vadd.f32 v3, v0  }
0x125: {  	v3 =	vld.idx.msk [tilespmem:v15+s1+$0x0], $0xffff  }
0x126: {  	v0 =	vadd.f32 v62, v0;
	_ =	sdelay $0x1  }
0x127: {  	v0 =	vadd.f32 v63, v0;
	_ =	sdelay $0x1  }
0x128: {  	v0 =	vadd.f32 v3, v0;
	_ =	sdelay $0x1  }
0x129: {  	v0 =	vsub.f32 $0.0e+00, v0;
	_ =	sdelay $0x1  }
0x12a: {  	v0 =	vmul.f32 $1.442695020e+00, v0;
	_ =	sdelay $0x1  }
0x12b: {  	(erf) = vpow2.f32 v0;
	_ =	sdelay $0x8  }
0x12c: {  	v0 =	vpop (erf)  }
0x12d: {  	v0 =	vadd.f32 $1.000000000e+00, v0;
	_ =	sdelay $0x1  }
0x12e: {  	(erf) = vrcp.f32 v0;
	_ =	sdelay $0x3  }
0x12f: {  	s18 =	sadd.s32 $0x40, s18  }
0x130: {  	p0 =	sne.s32 s18, $0x400  }
.Ltmp3:
0x131: {  	_ = 	snop;
	(pc) =	sbr.rel @!p0 .LBB2_5-.Ltmp3, $3  }
0x132: {  	_ =	sdelay $0x1  }
0x133: {  	v0 =	vpop (erf)  }
0x134: {  	s13 =	sadd.s32 $0x20, s13;
	v5 =	vmov v8;
	[tilespmem:s14+$0x0] =	vst v0;
	s14 =	sadd.s32 $0x20, s14  }
.LBB2_2:
0x135: {  	s20 =	sadd.s32 $0xFFFFFFF0, s13  }
0x136: {  	s22 =	sand.u32 $0x300, s18;
	s20 =	sand.u32 $0x70, s20  }
0x137: {  	s20 =	sor.u32 s20, s22  }
0x138: {  	v19 =	vld [tilespmem:s20+$0x0];
	_ =	sdelay $0x3  }
0x139: {  	v21 =	vld [tilespmem:s20+$0x80]  }
0x13a: {  	v20 =	vshll.u32 v19, $0x4  }
0x13b: {  	(v2sf) =	vpush v20, $0x0;
	_ =	sdelay $0x2  }
0x13c: {  	v19 =	vshll.u32 v21, $0x4  }
0x13d: {  	(v2sf) =	vpush v19, $0x0;
	_ =	sdelay $0x3  }
0x13e: {  	(v2sf) =	vpush v20, $0x1;
	_ =	sdelay $0x3  }
0x13f: {  	(v2sf) =	vpush v19, $0x1;
	_ =	sdelay $0x2  }
0x140: {  	s22 =	spop (v2sf)  }
0x141: {  	(v2sf) =	vpush v20, $0x2;
	s20 =	sand.u32 $0x1FFFFFF0, s22  }
0x142: {  	s22 =	simm.s32 $0xC00;
	s20 =	sadd.s32 s3, s20  }
0x143: {  	[tilespmem:s22], [sflag:$0x2] =	stream.linear.gather [hbm4b:s20+s2], $0x80, $0x38;
	[tilespmem:$0x2780] =	vst v63  }
0x144: {  	s22 =	spop (v2sf)  }
0x145: {  	(v2sf) =	vpush v19, $0x2;
	s20 =	sand.u32 $0x1FFFFFF0, s22  }
0x146: {  	s22 =	simm.s32 $0x1C00;
	s20 =	sadd.s32 s3, s20  }
0x147: {  	[tilespmem:s22], [sflag:$0x2] =	stream.linear.gather [hbm4b:s20+s2], $0x80, $0x38;
	[tilespmem:$0x2780] =	vst v63  }
0x148: {  	s22 =	spop (v2sf)  }
0x149: {  	(v2sf) =	vpush v20, $0x3;
	s20 =	sand.u32 $0x1FFFFFF0, s22  }
0x14a: {  	s22 =	simm.s32 $0xC80;
	s20 =	sadd.s32 s3, s20  }
0x14b: {  	[tilespmem:s22], [sflag:$0x2] =	stream.linear.gather [hbm4b:s20+s2], $0x80, $0x38;
	[tilespmem:$0x2780] =	vst v63  }
0x14c: {  	s22 =	spop (v2sf)  }
0x14d: {  	(v2sf) =	vpush v19, $0x3;
	s20 =	sand.u32 $0x1FFFFFF0, s22  }
0x14e: {  	s22 =	simm.s32 $0x1C80;
	s20 =	sadd.s32 s3, s20  }
0x14f: {  	[tilespmem:s22], [sflag:$0x2] =	stream.linear.gather [hbm4b:s20+s2], $0x80, $0x38;
	[tilespmem:$0x2780] =	vst v63  }
0x150: {  	s22 =	spop (v2sf)  }
0x151: {  	(v2sf) =	vpush v20, $0x4;
	s20 =	sand.u32 $0x1FFFFFF0, s22  }
0x152: {  	s22 =	simm.s32 $0xD00;
	s20 =	sadd.s32 s3, s20  }
0x153: {  	[tilespmem:s22], [sflag:$0x2] =	stream.linear.gather [hbm4b:s20+s2], $0x80, $0x38;
	[tilespmem:$0x2780] =	vst v63  }
0x154: {  	s22 =	spop (v2sf)  }
0x155: {  	(v2sf) =	vpush v19, $0x4;
	s20 =	sand.u32 $0x1FFFFFF0, s22  }
0x156: {  	s22 =	simm.s32 $0x1D00;
	s20 =	sadd.s32 s3, s20  }
0x157: {  	[tilespmem:s22], [sflag:$0x2] =	stream.linear.gather [hbm4b:s20+s2], $0x80, $0x38;
	[tilespmem:$0x2780] =	vst v63  }
0x158: {  	s22 =	spop (v2sf)  }
0x159: {  	(v2sf) =	vpush v20, $0x5;
	s20 =	sand.u32 $0x1FFFFFF0, s22  }
0x15a: {  	s22 =	simm.s32 $0xD80;
	s20 =	sadd.s32 s3, s20  }
0x15b: {  	[tilespmem:s22], [sflag:$0x2] =	stream.linear.gather [hbm4b:s20+s2], $0x80, $0x38;
	[tilespmem:$0x2780] =	vst v63  }
0x15c: {  	s22 =	spop (v2sf)  }
0x15d: {  	(v2sf) =	vpush v19, $0x5;
	s20 =	sand.u32 $0x1FFFFFF0, s22  }
0x15e: {  	s22 =	simm.s32 $0x1D80;
	s20 =	sadd.s32 s3, s20  }
0x15f: {  	[tilespmem:s22], [sflag:$0x2] =	stream.linear.gather [hbm4b:s20+s2], $0x80, $0x38;
	[tilespmem:$0x2780] =	vst v63  }
0x160: {  	s22 =	spop (v2sf)  }
0x161: {  	(v2sf) =	vpush v20, $0x6;
	s20 =	sand.u32 $0x1FFFFFF0, s22  }
0x162: {  	s22 =	simm.s32 $0xE00;
	s20 =	sadd.s32 s3, s20  }
0x163: {  	[tilespmem:s22], [sflag:$0x2] =	stream.linear.gather [hbm4b:s20+s2], $0x80, $0x38;
	[tilespmem:$0x2780] =	vst v63  }
0x164: {  	s22 =	spop (v2sf)  }
0x165: {  	(v2sf) =	vpush v19, $0x6;
	s20 =	sand.u32 $0x1FFFFFF0, s22  }
0x166: {  	s22 =	simm.s32 $0x1E00;
	s20 =	sadd.s32 s3, s20  }
0x167: {  	[tilespmem:s22], [sflag:$0x2] =	stream.linear.gather [hbm4b:s20+s2], $0x80, $0x38;
	[tilespmem:$0x2780] =	vst v63  }
0x168: {  	s22 =	spop (v2sf)  }
0x169: {  	(v2sf) =	vpush v20, $0x7;
	s20 =	sand.u32 $0x1FFFFFF0, s22  }
0x16a: {  	s22 =	simm.s32 $0xE80;
	s20 =	sadd.s32 s3, s20  }
0x16b: {  	[tilespmem:s22], [sflag:$0x2] =	stream.linear.gather [hbm4b:s20+s2], $0x80, $0x38;
	[tilespmem:$0x2780] =	vst v63  }
0x16c: {  	s22 =	spop (v2sf)  }
0x16d: {  	(v2sf) =	vpush v19, $0x7;
	s20 =	sand.u32 $0x1FFFFFF0, s22  }
0x16e: {  	s20 =	sadd.s32 s3, s20  }
0x16f: {  	[tilespmem:s23], [sflag:$0x2] =	stream.linear.gather [hbm4b:s20+s2], $0x80, $0x38;
	[tilespmem:$0x2780] =	vst v63  }
0x170: {  	s22 =	spop (v2sf)  }
0x171: {  	(v2sf) =	vpush v20, $0x8;
	s20 =	sand.u32 $0x1FFFFFF0, s22  }
0x172: {  	s20 =	sadd.s32 s3, s20  }
0x173: {  	[tilespmem:s16], [sflag:$0x2] =	stream.linear.gather [hbm4b:s20+s2], $0x80, $0x38;
	[tilespmem:$0x2780] =	vst v63  }
0x174: {  	s22 =	spop (v2sf)  }
0x175: {  	(v2sf) =	vpush v19, $0x8;
	s20 =	sand.u32 $0x1FFFFFF0, s22  }
0x176: {  	s20 =	sadd.s32 s3, s20  }
0x177: {  	[tilespmem:s4], [sflag:$0x2] =	stream.linear.gather [hbm4b:s20+s2], $0x80, $0x38;
	[tilespmem:$0x2780] =	vst v63  }
0x178: {  	s22 =	spop (v2sf)  }
0x179: {  	(v2sf) =	vpush v20, $0x9;
	s20 =	sand.u32 $0x1FFFFFF0, s22  }
0x17a: {  	s20 =	sadd.s32 s3, s20  }
0x17b: {  	[tilespmem:s7], [sflag:$0x2] =	stream.linear.gather [hbm4b:s20+s2], $0x80, $0x38;
	[tilespmem:$0x2780] =	vst v63  }
0x17c: {  	s22 =	spop (v2sf)  }
0x17d: {  	(v2sf) =	vpush v19, $0x9;
	s20 =	sand.u32 $0x1FFFFFF0, s22  }
0x17e: {  	s20 =	sadd.s32 s3, s20  }
0x17f: {  	[tilespmem:s8], [sflag:$0x2] =	stream.linear.gather [hbm4b:s20+s2], $0x80, $0x38;
	[tilespmem:$0x2780] =	vst v63  }
0x180: {  	s22 =	spop (v2sf)  }
0x181: {  	(v2sf) =	vpush v20, $0xA;
	s20 =	sand.u32 $0x1FFFFFF0, s22  }
0x182: {  	s20 =	sadd.s32 s3, s20  }
0x183: {  	[tilespmem:s9], [sflag:$0x2] =	stream.linear.gather [hbm4b:s20+s2], $0x80, $0x38;
	[tilespmem:$0x2780] =	vst v63  }
0x184: {  	s22 =	spop (v2sf)  }
0x185: {  	(v2sf) =	vpush v19, $0xA;
	s20 =	sand.u32 $0x1FFFFFF0, s22  }
0x186: {  	s20 =	sadd.s32 s3, s20  }
0x187: {  	[tilespmem:s10], [sflag:$0x2] =	stream.linear.gather [hbm4b:s20+s2], $0x80, $0x38;
	[tilespmem:$0x2780] =	vst v63  }
0x188: {  	s22 =	spop (v2sf)  }
0x189: {  	(v2sf) =	vpush v20, $0xB;
	s20 =	sand.u32 $0x1FFFFFF0, s22  }
0x18a: {  	s20 =	sadd.s32 s3, s20  }
0x18b: {  	[tilespmem:s11], [sflag:$0x2] =	stream.linear.gather [hbm4b:s20+s2], $0x80, $0x38;
	[tilespmem:$0x2780] =	vst v63  }
0x18c: {  	s22 =	spop (v2sf)  }
0x18d: {  	(v2sf) =	vpush v19, $0xB;
	s20 =	sand.u32 $0x1FFFFFF0, s22  }
0x18e: {  	s20 =	sadd.s32 s3, s20  }
0x18f: {  	[tilespmem:s17], [sflag:$0x2] =	stream.linear.gather [hbm4b:s20+s2], $0x80, $0x38;
	[tilespmem:$0x2780] =	vst v63  }
0x190: {  	s22 =	spop (v2sf)  }
0x191: {  	(v2sf) =	vpush v20, $0xC;
	s20 =	sand.u32 $0x1FFFFFF0, s22  }
0x192: {  	s20 =	sadd.s32 s3, s20  }
0x193: {  	[tilespmem:s19], [sflag:$0x2] =	stream.linear.gather [hbm4b:s20+s2], $0x80, $0x38;
	[tilespmem:$0x2780] =	vst v63  }
0x194: {  	s22 =	spop (v2sf)  }
0x195: {  	(v2sf) =	vpush v19, $0xC;
	s20 =	sand.u32 $0x1FFFFFF0, s22  }
0x196: {  	s20 =	sadd.s32 s3, s20  }
0x197: {  	[tilespmem:s21], [sflag:$0x2] =	stream.linear.gather [hbm4b:s20+s2], $0x80, $0x38;
	[tilespmem:$0x2780] =	vst v63  }
0x198: {  	s22 =	spop (v2sf)  }
0x199: {  	(v2sf) =	vpush v20, $0xD;
	s20 =	sand.u32 $0x1FFFFFF0, s22  }
0x19a: {  	s20 =	sadd.s32 s3, s20  }
0x19b: {  	[tilespmem:s5], [sflag:$0x2] =	stream.linear.gather [hbm4b:s20+s2], $0x80, $0x38;
	[tilespmem:$0x2780] =	vst v63  }
0x19c: {  	s22 =	spop (v2sf)  }
0x19d: {  	(v2sf) =	vpush v19, $0xD;
	s20 =	sand.u32 $0x1FFFFFF0, s22  }
0x19e: {  	s20 =	sadd.s32 s3, s20  }
0x19f: {  	[tilespmem:s6], [sflag:$0x2] =	stream.linear.gather [hbm4b:s20+s2], $0x80, $0x38;
	[tilespmem:$0x2780] =	vst v63  }
0x1a0: {  	s22 =	spop (v2sf)  }
0x1a1: {  	(v2sf) =	vpush v20, $0xE;
	s20 =	sand.u32 $0x1FFFFFF0, s22  }
0x1a2: {  	s20 =	sadd.s32 s3, s20  }
0x1a3: {  	[tilespmem:s15], [sflag:$0x2] =	stream.linear.gather [hbm4b:s20+s2], $0x80, $0x38;
	[tilespmem:$0x2780] =	vst v63  }
0x1a4: {  	s22 =	spop (v2sf)  }
0x1a5: {  	(v2sf) =	vpush v19, $0xE;
	s20 =	sand.u32 $0x1FFFFFF0, s22  }
0x1a6: {  	s20 =	sadd.s32 s3, s20  }
0x1a7: {  	[tilespmem:s25], [sflag:$0x2] =	stream.linear.gather [hbm4b:s20+s2], $0x80, $0x38;
	[tilespmem:$0x2780] =	vst v63  }
0x1a8: {  	s22 =	spop (v2sf)  }
0x1a9: {  	(v2sf) =	vpush v20, $0xF;
	s20 =	sand.u32 $0x1FFFFFF0, s22  }
0x1aa: {  	s20 =	sadd.s32 s3, s20  }
0x1ab: {  	[tilespmem:s26], [sflag:$0x2] =	stream.linear.gather [hbm4b:s20+s2], $0x80, $0x38;
	[tilespmem:$0x2780] =	vst v63  }
0x1ac: {  	s22 =	spop (v2sf)  }
0x1ad: {  	(v2sf) =	vpush v19, $0xF;
	s20 =	sand.u32 $0x1FFFFFF0, s22  }
0x1ae: {  	s20 =	sadd.s32 s3, s20  }
0x1af: {  	[tilespmem:s28], [sflag:$0x2] =	stream.linear.gather [hbm4b:s20+s2], $0x80, $0x38;
	[tilespmem:$0x2780] =	vst v63  }
0x1b0: {  	s22 =	spop (v2sf)  }
0x1b1: {  	s20 =	sand.u32 $0x1FFFFFF0, s22  }
0x1b2: {  	s20 =	sadd.s32 s3, s20  }
0x1b3: {  	[tilespmem:s24], [sflag:$0x2] =	stream.linear.gather [hbm4b:s20+s2], $0x80, $0x38;
	[tilespmem:$0x2780] =	vst v63  }
0x1b4: {  	s22 =	spop (v2sf)  }
0x1b5: {  	s20 =	sand.u32 $0x1FFFFFF0, s22  }
0x1b6: {  	s20 =	sadd.s32 s3, s20  }
0x1b7: {  	[tilespmem:s29], [sflag:$0x2] =	stream.linear.gather [hbm4b:s20+s2], $0x80, $0x38;
	[tilespmem:$0x2780] =	vst v63  }
0x1b8: {  	s22 =	spop (v2sf)  }
0x1b9: {  	s20 =	sand.u32 $0x1FFFFFF0, s22  }
0x1ba: {  	s20 =	sadd.s32 s3, s20  }
0x1bb: {  	[tilespmem:s30], [sflag:$0x2] =	stream.linear.gather [hbm4b:s20+s2], $0x80, $0x38;
	[tilespmem:$0x2780] =	vst v63  }
0x1bc: {  	s22 =	spop (v2sf)  }
0x1bd: {  	s20 =	sand.u32 $0x1FFFFFF0, s22  }
0x1be: {  	s20 =	sadd.s32 s3, s20  }
0x1bf: {  	[tilespmem:s31], [sflag:$0x2] =	stream.linear.gather [hbm4b:s20+s2], $0x80, $0x38;
	[tilespmem:$0x2780] =	vst v63  }
0x1c0: {  	_ =	swait.ge [sflag:s0], $0x800  }
0x1c1: {  	[sflag:s0] =	ssyncset.done $0x0  }
0x1c2: {  	[sflag:s0] =	ssyncadd.s32 $0xFFFFF800  }
0x1c3: {  	_ =	swait.ge [sflag:s0], $0x800  }
0x1c4: {  	[sflag:s0] =	ssyncset.done $0x0  }
0x1c5: {  	[sflag:s0] =	ssyncadd.s32 $0xFFFFF800  }
0x1c6: {  	v19 =	vld [tilespmem:$0x400]  }
0x1c7: {  	v20 =	vld [tilespmem:$0x410]  }
0x1c8: {  	v21 =	vld [tilespmem:$0x1400]  }
0x1c9: {  	v22 =	vld [tilespmem:$0x1410]  }
0x1ca: {  	v23 =	vld [tilespmem:$0x480]  }
0x1cb: {  	v24 =	vld [tilespmem:$0x490]  }
0x1cc: {  	v25 =	vld [tilespmem:$0x1480]  }
0x1cd: {  	v26 =	vld [tilespmem:$0x1490]  }
0x1ce: {  	v27 =	vld [tilespmem:$0x500]  }
0x1cf: {  	v28 =	vld [tilespmem:$0x510]  }
0x1d0: {  	v29 =	vld [tilespmem:$0x1500]  }
0x1d1: {  	v30 =	vld [tilespmem:$0x1510]  }
0x1d2: {  	v31 =	vld [tilespmem:$0x580]  }
0x1d3: {  	v32 =	vld [tilespmem:$0x590]  }
0x1d4: {  	v33 =	vld [tilespmem:$0x1580]  }
0x1d5: {  	v34 =	vld [tilespmem:$0x1590]  }
0x1d6: {  	v35 =	vld [tilespmem:$0x600]  }
0x1d7: {  	v36 =	vld [tilespmem:$0x610]  }
0x1d8: {  	v37 =	vld [tilespmem:$0x1600]  }
0x1d9: {  	v38 =	vld [tilespmem:$0x1610]  }
0x1da: {  	v39 =	vld [tilespmem:$0x680]  }
0x1db: {  	v40 =	vld [tilespmem:$0x690]  }
0x1dc: {  	v41 =	vld [tilespmem:$0x1680]  }
0x1dd: {  	v42 =	vld [tilespmem:$0x1690]  }
0x1de: {  	v43 =	vld [tilespmem:$0x700]  }
0x1df: {  	v44 =	vld [tilespmem:$0x710]  }
0x1e0: {  	v45 =	vld [tilespmem:$0x1700]  }
0x1e1: {  	v46 =	vld [tilespmem:$0x1710]  }
0x1e2: {  	v47 =	vld [tilespmem:$0x780]  }
0x1e3: {  	v48 =	vld [tilespmem:$0x790]  }
0x1e4: {  	v49 =	vld [tilespmem:$0x1780]  }
0x1e5: {  	v50 =	vld [tilespmem:$0x1790]  }
0x1e6: {  	v51 =	vld [tilespmem:$0x800]  }
0x1e7: {  	v52 =	vld [tilespmem:$0x810]  }
0x1e8: {  	v53 =	vld [tilespmem:$0x1800]  }
0x1e9: {  	v54 =	vld [tilespmem:$0x1810]  }
0x1ea: {  	v55 =	vld [tilespmem:$0x880]  }
0x1eb: {  	v56 =	vld [tilespmem:$0x890]  }
0x1ec: {  	v57 =	vld [tilespmem:$0x1880]  }
0x1ed: {  	v58 =	vld [tilespmem:$0x1890]  }
0x1ee: {  	v59 =	vld [tilespmem:$0x900]  }
0x1ef: {  	v60 =	vld [tilespmem:$0x910]  }
0x1f0: {  	v61 =	vld [tilespmem:$0x1900]  }
0x1f1: {  	v62 =	vld [tilespmem:$0x1910]  }
0x1f2: {  	v63 =	vld [tilespmem:$0x980];
	v19 =	vmul.f32 v21, v19  }
0x1f3: {  	v1 =	vld [tilespmem:$0x990];
	v20 =	vmul.f32 v22, v20;
	v22 =	vmul.f32 v25, v23  }
0x1f4: {  	v0 =	vld [tilespmem:$0x1980];
	v23 =	vmul.f32 v26, v24;
	v25 =	vmul.f32 v29, v27  }
0x1f5: {  	v2 =	vld [tilespmem:$0x1990];
	v26 =	vmul.f32 v30, v28;
	v28 =	vmul.f32 v33, v31  }
0x1f6: {  	v3 =	vld [tilespmem:$0xA00];
	v29 =	vmul.f32 v34, v32;
	v31 =	vmul.f32 v37, v35  }
0x1f7: {  	v8 =	vmovc v4;
	v14 =	vmovc v13;
	v13 =	vmov v12;
	v4 =	vld [tilespmem:$0xA10];
	v32 =	vmul.f32 v38, v36;
	v34 =	vmul.f32 v41, v39  }
0x1f8: {  	v12 =	vmovc v11;
	v11 =	vmovc v10;
	v10 =	vmov v5;
	v5 =	vld [tilespmem:$0x1A00];
	v35 =	vmul.f32 v42, v40;
	v37 =	vmul.f32 v45, v43  }
0x1f9: {  	v6 =	vld [tilespmem:$0x1A10];
	v38 =	vmul.f32 v46, v44;
	v40 =	vmul.f32 v49, v47  }
0x1fa: {  	v7 =	vld [tilespmem:$0xA80];
	v41 =	vmul.f32 v50, v48;
	v43 =	vmul.f32 v53, v51  }
0x1fb: {  	v21 =	vld [tilespmem:$0xA90];
	v44 =	vmul.f32 v54, v52;
	v46 =	vmul.f32 v57, v55  }
0x1fc: {  	v24 =	vld [tilespmem:$0x1A80];
	v47 =	vmul.f32 v58, v56;
	v49 =	vmul.f32 v61, v59  }
0x1fd: {  	v27 =	vld [tilespmem:$0x1A90];
	v50 =	vmul.f32 v62, v60;
	v0 =	vmul.f32 v0, v63  }
0x1fe: {  	v30 =	vld [tilespmem:$0xB00];
	v1 =	vmul.f32 v2, v1;
	v2 =	vmul.f32 v5, v3  }
0x1ff: {  	v33 =	vld [tilespmem:$0xB10];
	v52 =	vmul.f32 v6, v4;
	v19 =	vmul.f32 v19, v16  }
0x200: {  	v36 =	vld [tilespmem:$0x1B00];
	v20 =	vmul.f32 v20, v17;
	v22 =	vmul.f32 v22, v16  }
0x201: {  	v42 =	vld [tilespmem:$0xB80];
	v23 =	vmul.f32 v23, v17;
	v57 =	vmul.f32 v26, v17  }
0x202: {  	v45 =	vld [tilespmem:$0xB90];
	v59 =	vmul.f32 v29, v17;
	v60 =	vmul.f32 v32, v17  }
0x203: {  	v58 =	vld [tilespmem:$0x1B80];
	v63 =	vmul.f32 v35, v17;
	v35 =	vmul.f32 v47, v17  }
0x204: {  	v62 =	vld [tilespmem:$0x1B90];
	v0 =	vmul.f32 v0, v16;
	v1 =	vmul.f32 v1, v17  }
0x205: {  	v39 =	vld [tilespmem:$0x1B10];
	v2 =	vmul.f32 v2, v16;
	v3 =	vmul.f32 v52, v17;
	v19 =	vadd.f32 v20, v19  }
0x206: {  	v20 =	vmul.f32 v25, v16;
	v22 =	vadd.f32 v23, v22;
	v53 =	vmul.f32 v24, v7  }
0x207: {  	v0 =	vadd.f32 v1, v0;
	v54 =	vmul.f32 v27, v21;
	v6 =	vmul.f32 v36, v30;
	[tilespmem:$0x2400] =	vst v19  }
0x208: {  	v2 =	vadd.f32 v3, v2;
	v55 =	vmul.f32 v58, v42;
	v58 =	vmul.f32 v28, v16;
	[tilespmem:$0x2410] =	vst v22  }
0x209: {  	v56 =	vmul.f32 v62, v45;
	v62 =	vmul.f32 v34, v16;
	v19 =	vadd.f32 v57, v20;
	[tilespmem:$0x24B0] =	vst v0  }
0x20a: {  	v7 =	vmul.f32 v39, v33;
	v20 =	vmul.f32 v31, v16;
	[tilespmem:$0x24C0] =	vst v2;
	v61 =	vadd.f32 v59, v58  }
0x20b: {  	v30 =	vmul.f32 v40, v16;
	v31 =	vmul.f32 v41, v17;
	v29 =	vadd.f32 v63, v62;
	[tilespmem:$0x2420] =	vst v19  }
0x20c: {  	v28 =	vmul.f32 v38, v17;
	v34 =	vmul.f32 v46, v16;
	v19 =	vadd.f32 v60, v20;
	[tilespmem:$0x2430] =	vst v61  }
0x20d: {  	v38 =	vmul.f32 v53, v16;
	v39 =	vmul.f32 v54, v17;
	v33 =	vadd.f32 v31, v30;
	[tilespmem:$0x2450] =	vst v29  }
0x20e: {  	v20 =	vmul.f32 v37, v16;
	v37 =	vadd.f32 v35, v34;
	[tilespmem:$0x2440] =	vst v19  }
0x20f: {  	v40 =	vmul.f32 v6, v16;
	v41 =	vmul.f32 v7, v17;
	v42 =	vadd.f32 v39, v38;
	[tilespmem:$0x2470] =	vst v33  }
0x210: {  	v32 =	vmul.f32 v44, v17;
	v19 =	vadd.f32 v28, v20;
	v20 =	vmul.f32 v43, v16;
	[tilespmem:$0x2490] =	vst v37  }
0x211: {  	v47 =	vld [tilespmem:$0x1FF60];
	v44 =	vmul.f32 v56, v17;
	v45 =	vadd.f32 v41, v40;
	v43 =	vmul.f32 v55, v16;
	[tilespmem:$0x24D0] =	vst v42  }
0x212: {  	v36 =	vmul.f32 v50, v17;
	[tilespmem:$0x2460] =	vst v19;
	v19 =	vadd.f32 v32, v20;
	v20 =	vmul.f32 v49, v16  }
0x213: {  	v48 =	vld [tilespmem:$0x1FF70];
	[tilespmem:$0x24E0] =	vst v45;
	v46 =	vadd.f32 v44, v43  }
0x214: {  	[tilespmem:$0x2480] =	vst v19;
	v19 =	vadd.f32 v36, v20  }
0x215: {  	v49 =	vld [tilespmem:$0x1FF80];
	[tilespmem:$0x24F0] =	vst v46  }
0x216: {  	v50 =	vld [tilespmem:$0x1FF90];
	[tilespmem:$0x24A0] =	vst v19  }
0x217: {  	v0 =	vld.idx.msk [tilespmem:v8+s1+$0x0], $0xffff  }
0x218: {  	v51 =	vld [tilespmem:$0x1FFA0]  }
0x219: {  	v1 =	vld.idx.msk [tilespmem:v47+s1+$0x0], $0xffff  }
0x21a: {  	v6 =	vld [tilespmem:$0x1FFB0]  }
0x21b: {  	v2 =	vld.idx.msk [tilespmem:v48+s1+$0x0], $0xffff  }
0x21c: {  	v7 =	vld [tilespmem:$0x1FFC0];
	v0 =	vadd.f32 v0, v9  }
0x21d: {  	v3 =	vld.idx.msk [tilespmem:v49+s1+$0x0], $0xffff  }
0x21e: {  	v8 =	vld [tilespmem:$0x1FFD0];
	v0 =	vadd.f32 v1, v0  }
0x21f: {  	v52 =	vld.idx.msk [tilespmem:v50+s1+$0x0], $0xffff  }
0x220: {  	v19 =	vld [tilespmem:$0x1FFF0];
	v0 =	vadd.f32 v2, v0  }
0x221: {  	v53 =	vld.idx.msk [tilespmem:v51+s1+$0x0], $0xffff  }
0x222: {  	v0 =	vadd.f32 v3, v0  }
0x223: {  	v54 =	vld.idx.msk [tilespmem:v6+s1+$0x0], $0xffff  }
0x224: {  	v0 =	vadd.f32 v52, v0  }
0x225: {  	v55 =	vld.idx.msk [tilespmem:v7+s1+$0x0], $0xffff  }
0x226: {  	v0 =	vadd.f32 v53, v0  }
0x227: {  	v56 =	vld.idx.msk [tilespmem:v8+s1+$0x0], $0xffff  }
0x228: {  	v58 =	vld.idx.msk [tilespmem:v10+s1+$0x0], $0xffff;
	v8 =	vmov v10;
	v10 =	vmov v11;
	v0 =	vadd.f32 v54, v0  }
0x229: {  	v57 =	vld.idx.msk [tilespmem:v19+s1+$0x0], $0xffff  }
0x22a: {  	v11 =	vmov v12;
	v0 =	vadd.f32 v55, v0;
	_ =	sdelay $0x1  }
0x22b: {  	v12 =	vmov v13;
	v0 =	vadd.f32 v56, v0  }
0x22c: {  	v59 =	vld.idx.msk [tilespmem:v10+s1+$0x0], $0xffff  }
0x22d: {  	v0 =	vadd.f32 v57, v0  }
0x22e: {  	v60 =	vld.idx.msk [tilespmem:v11+s1+$0x0], $0xffff  }
0x22f: {  	v0 =	vadd.f32 v58, v0  }
0x230: {  	v61 =	vld.idx.msk [tilespmem:v12+s1+$0x0], $0xffff  }
0x231: {  	v0 =	vadd.f32 v59, v0  }
0x232: {  	v62 =	vld.idx.msk [tilespmem:v14+s1+$0x0], $0xffff  }
0x233: {  	v0 =	vadd.f32 v60, v0  }
0x234: {  	v63 =	vld.idx.msk [tilespmem:v15+s1+$0x0], $0xffff  }
0x235: {  	v0 =	vadd.f32 v61, v0;
	_ =	sdelay $0x1  }
0x236: {  	v0 =	vadd.f32 v62, v0;
	_ =	sdelay $0x1  }
0x237: {  	v0 =	vadd.f32 v63, v0;
	_ =	sdelay $0x1  }
0x238: {  	v0 =	vsub.f32 $0.0e+00, v0;
	_ =	sdelay $0x1  }
0x239: {  	v0 =	vmul.f32 $1.442695020e+00, v0;
	_ =	sdelay $0x1  }
0x23a: {  	(erf) = vpow2.f32 v0;
	_ =	sdelay $0x8  }
0x23b: {  	v0 =	vpop (erf)  }
0x23c: {  	v0 =	vadd.f32 $1.000000000e+00, v0;
	_ =	sdelay $0x1  }
0x23d: {  	(erf) = vrcp.f32 v0;
	_ =	sdelay $0x4  }
0x23e: {  	p0 =	seq.s32 s18, $0x3C0  }
.Ltmp4:
0x23f: {  	_ = 	snop;
	(pc) =	sbr.rel @p0 .LBB2_4-.Ltmp4, $3  }
0x240: {  	_ =	sdelay $0x1  }
0x241: {  	v0 =	vpop (erf)  }
0x242: {  	v18 =	vmov v19;
	v13 =	vmov v14;
	[tilespmem:s14+$0xFFFFFFF0] =	vst v0  }
0x243: {  	s20 =	sadd.s32 $0x40, s18  }
0x244: {  	s22 =	sand.u32 $0x60, s13;
	s20 =	sand.u32 $0x700, s20  }
0x245: {  	s20 =	sor.u32 s22, s20  }
0x246: {  	v0 =	vld [tilespmem:s20+$0x0];
	_ =	sdelay $0x3  }
0x247: {  	v1 =	vld [tilespmem:s20+$0x80]  }
0x248: {  	v20 =	vshll.u32 v0, $0x4  }
0x249: {  	(v2sf) =	vpush v20, $0x0;
	_ =	sdelay $0x2  }
0x24a: {  	v19 =	vshll.u32 v1, $0x4  }
0x24b: {  	(v2sf) =	vpush v19, $0x0;
	_ =	sdelay $0x3  }
0x24c: {  	(v2sf) =	vpush v20, $0x1;
	_ =	sdelay $0x3  }
0x24d: {  	(v2sf) =	vpush v19, $0x1;
	_ =	sdelay $0x2  }
0x24e: {  	s22 =	spop (v2sf)  }
0x24f: {  	(v2sf) =	vpush v20, $0x2;
	s20 =	sand.u32 $0x1FFFFFF0, s22  }
0x250: {  	s22 =	simm.s32 $0x400;
	s20 =	sadd.s32 s3, s20  }
0x251: {  	[tilespmem:s22], [sflag:$0x1] =	stream.linear.gather [hbm4b:s20+s2], $0x80, $0x38;
	[tilespmem:$0x2780] =	vst v63  }
0x252: {  	s22 =	spop (v2sf)  }
0x253: {  	(v2sf) =	vpush v19, $0x2;
	s20 =	sand.u32 $0x1FFFFFF0, s22  }
0x254: {  	s22 =	simm.s32 $0x1400;
	s20 =	sadd.s32 s3, s20  }
0x255: {  	[tilespmem:s22], [sflag:$0x1] =	stream.linear.gather [hbm4b:s20+s2], $0x80, $0x38;
	[tilespmem:$0x2780] =	vst v63  }
0x256: {  	s22 =	spop (v2sf)  }
0x257: {  	(v2sf) =	vpush v20, $0x3;
	s20 =	sand.u32 $0x1FFFFFF0, s22  }
0x258: {  	s22 =	simm.s32 $0x480;
	s20 =	sadd.s32 s3, s20  }
0x259: {  	[tilespmem:s22], [sflag:$0x1] =	stream.linear.gather [hbm4b:s20+s2], $0x80, $0x38;
	[tilespmem:$0x2780] =	vst v63  }
0x25a: {  	s22 =	spop (v2sf)  }
0x25b: {  	(v2sf) =	vpush v19, $0x3;
	s20 =	sand.u32 $0x1FFFFFF0, s22  }
0x25c: {  	s22 =	simm.s32 $0x1480;
	s20 =	sadd.s32 s3, s20  }
0x25d: {  	[tilespmem:s22], [sflag:$0x1] =	stream.linear.gather [hbm4b:s20+s2], $0x80, $0x38;
	[tilespmem:$0x2780] =	vst v63  }
0x25e: {  	s22 =	spop (v2sf)  }
0x25f: {  	(v2sf) =	vpush v20, $0x4;
	s20 =	sand.u32 $0x1FFFFFF0, s22  }
0x260: {  	s22 =	simm.s32 $0x500;
	s20 =	sadd.s32 s3, s20  }
0x261: {  	[tilespmem:s22], [sflag:$0x1] =	stream.linear.gather [hbm4b:s20+s2], $0x80, $0x38;
	[tilespmem:$0x2780] =	vst v63  }
0x262: {  	s22 =	spop (v2sf)  }
0x263: {  	(v2sf) =	vpush v19, $0x4;
	s20 =	sand.u32 $0x1FFFFFF0, s22  }
0x264: {  	s22 =	simm.s32 $0x1500;
	s20 =	sadd.s32 s3, s20  }
0x265: {  	[tilespmem:s22], [sflag:$0x1] =	stream.linear.gather [hbm4b:s20+s2], $0x80, $0x38;
	[tilespmem:$0x2780] =	vst v63  }
0x266: {  	s22 =	spop (v2sf)  }
0x267: {  	(v2sf) =	vpush v20, $0x5;
	s20 =	sand.u32 $0x1FFFFFF0, s22  }
0x268: {  	s22 =	simm.s32 $0x580;
	s20 =	sadd.s32 s3, s20  }
0x269: {  	[tilespmem:s22], [sflag:$0x1] =	stream.linear.gather [hbm4b:s20+s2], $0x80, $0x38;
	[tilespmem:$0x2780] =	vst v63  }
0x26a: {  	s22 =	spop (v2sf)  }
0x26b: {  	(v2sf) =	vpush v19, $0x5;
	s20 =	sand.u32 $0x1FFFFFF0, s22  }
0x26c: {  	s22 =	simm.s32 $0x1580;
	s20 =	sadd.s32 s3, s20  }
0x26d: {  	[tilespmem:s22], [sflag:$0x1] =	stream.linear.gather [hbm4b:s20+s2], $0x80, $0x38;
	[tilespmem:$0x2780] =	vst v63  }
0x26e: {  	s22 =	spop (v2sf)  }
0x26f: {  	(v2sf) =	vpush v20, $0x6;
	s20 =	sand.u32 $0x1FFFFFF0, s22  }
0x270: {  	s22 =	simm.s32 $0x600;
	s20 =	sadd.s32 s3, s20  }
0x271: {  	[tilespmem:s22], [sflag:$0x1] =	stream.linear.gather [hbm4b:s20+s2], $0x80, $0x38;
	[tilespmem:$0x2780] =	vst v63  }
0x272: {  	s22 =	spop (v2sf)  }
0x273: {  	(v2sf) =	vpush v19, $0x6;
	s20 =	sand.u32 $0x1FFFFFF0, s22  }
0x274: {  	s22 =	simm.s32 $0x1600;
	s20 =	sadd.s32 s3, s20  }
0x275: {  	[tilespmem:s22], [sflag:$0x1] =	stream.linear.gather [hbm4b:s20+s2], $0x80, $0x38;
	[tilespmem:$0x2780] =	vst v63  }
0x276: {  	s22 =	spop (v2sf)  }
0x277: {  	(v2sf) =	vpush v20, $0x7;
	s20 =	sand.u32 $0x1FFFFFF0, s22  }
0x278: {  	s22 =	simm.s32 $0x680;
	s20 =	sadd.s32 s3, s20  }
0x279: {  	[tilespmem:s22], [sflag:$0x1] =	stream.linear.gather [hbm4b:s20+s2], $0x80, $0x38;
	[tilespmem:$0x2780] =	vst v63  }
0x27a: {  	s22 =	spop (v2sf)  }
0x27b: {  	(v2sf) =	vpush v19, $0x7;
	s20 =	sand.u32 $0x1FFFFFF0, s22  }
0x27c: {  	s22 =	simm.s32 $0x1680;
	s20 =	sadd.s32 s3, s20  }
0x27d: {  	[tilespmem:s22], [sflag:$0x1] =	stream.linear.gather [hbm4b:s20+s2], $0x80, $0x38;
	[tilespmem:$0x2780] =	vst v63  }
0x27e: {  	s22 =	spop (v2sf)  }
0x27f: {  	(v2sf) =	vpush v20, $0x8;
	s20 =	sand.u32 $0x1FFFFFF0, s22  }
0x280: {  	s22 =	simm.s32 $0x700;
	s20 =	sadd.s32 s3, s20  }
0x281: {  	[tilespmem:s22], [sflag:$0x1] =	stream.linear.gather [hbm4b:s20+s2], $0x80, $0x38;
	[tilespmem:$0x2780] =	vst v63  }
0x282: {  	s22 =	spop (v2sf)  }
0x283: {  	(v2sf) =	vpush v19, $0x8;
	s20 =	sand.u32 $0x1FFFFFF0, s22  }
0x284: {  	s22 =	simm.s32 $0x1700;
	s20 =	sadd.s32 s3, s20  }
0x285: {  	[tilespmem:s22], [sflag:$0x1] =	stream.linear.gather [hbm4b:s20+s2], $0x80, $0x38;
	[tilespmem:$0x2780] =	vst v63  }
0x286: {  	s22 =	spop (v2sf)  }
0x287: {  	(v2sf) =	vpush v20, $0x9;
	s20 =	sand.u32 $0x1FFFFFF0, s22  }
0x288: {  	s22 =	simm.s32 $0x780;
	s20 =	sadd.s32 s3, s20  }
0x289: {  	[tilespmem:s22], [sflag:$0x1] =	stream.linear.gather [hbm4b:s20+s2], $0x80, $0x38;
	[tilespmem:$0x2780] =	vst v63  }
0x28a: {  	s22 =	spop (v2sf)  }
0x28b: {  	(v2sf) =	vpush v19, $0x9;
	s20 =	sand.u32 $0x1FFFFFF0, s22  }
0x28c: {  	s22 =	simm.s32 $0x1780;
	s20 =	sadd.s32 s3, s20  }
0x28d: {  	[tilespmem:s22], [sflag:$0x1] =	stream.linear.gather [hbm4b:s20+s2], $0x80, $0x38;
	[tilespmem:$0x2780] =	vst v63  }
0x28e: {  	s22 =	spop (v2sf)  }
0x28f: {  	(v2sf) =	vpush v20, $0xA;
	s20 =	sand.u32 $0x1FFFFFF0, s22  }
0x290: {  	s22 =	simm.s32 $0x800;
	s20 =	sadd.s32 s3, s20  }
0x291: {  	[tilespmem:s22], [sflag:$0x1] =	stream.linear.gather [hbm4b:s20+s2], $0x80, $0x38;
	[tilespmem:$0x2780] =	vst v63  }
0x292: {  	s22 =	spop (v2sf)  }
0x293: {  	(v2sf) =	vpush v19, $0xA;
	s20 =	sand.u32 $0x1FFFFFF0, s22  }
0x294: {  	s22 =	simm.s32 $0x1800;
	s20 =	sadd.s32 s3, s20  }
0x295: {  	[tilespmem:s22], [sflag:$0x1] =	stream.linear.gather [hbm4b:s20+s2], $0x80, $0x38;
	[tilespmem:$0x2780] =	vst v63  }
0x296: {  	s22 =	spop (v2sf)  }
0x297: {  	(v2sf) =	vpush v20, $0xB;
	s20 =	sand.u32 $0x1FFFFFF0, s22  }
0x298: {  	s22 =	simm.s32 $0x880;
	s20 =	sadd.s32 s3, s20  }
0x299: {  	[tilespmem:s22], [sflag:$0x1] =	stream.linear.gather [hbm4b:s20+s2], $0x80, $0x38;
	[tilespmem:$0x2780] =	vst v63  }
0x29a: {  	s22 =	spop (v2sf)  }
0x29b: {  	(v2sf) =	vpush v19, $0xB;
	s20 =	sand.u32 $0x1FFFFFF0, s22  }
0x29c: {  	s22 =	simm.s32 $0x1880;
	s20 =	sadd.s32 s3, s20  }
0x29d: {  	[tilespmem:s22], [sflag:$0x1] =	stream.linear.gather [hbm4b:s20+s2], $0x80, $0x38;
	[tilespmem:$0x2780] =	vst v63  }
0x29e: {  	s22 =	spop (v2sf)  }
0x29f: {  	(v2sf) =	vpush v20, $0xC;
	s20 =	sand.u32 $0x1FFFFFF0, s22  }
0x2a0: {  	s22 =	simm.s32 $0x900;
	s20 =	sadd.s32 s3, s20  }
0x2a1: {  	[tilespmem:s22], [sflag:$0x1] =	stream.linear.gather [hbm4b:s20+s2], $0x80, $0x38;
	[tilespmem:$0x2780] =	vst v63  }
0x2a2: {  	s22 =	spop (v2sf)  }
0x2a3: {  	(v2sf) =	vpush v19, $0xC;
	s20 =	sand.u32 $0x1FFFFFF0, s22  }
0x2a4: {  	s22 =	simm.s32 $0x1900;
	s20 =	sadd.s32 s3, s20  }
0x2a5: {  	[tilespmem:s22], [sflag:$0x1] =	stream.linear.gather [hbm4b:s20+s2], $0x80, $0x38;
	[tilespmem:$0x2780] =	vst v63  }
0x2a6: {  	s22 =	spop (v2sf)  }
0x2a7: {  	(v2sf) =	vpush v20, $0xD;
	s20 =	sand.u32 $0x1FFFFFF0, s22  }
0x2a8: {  	s22 =	simm.s32 $0x980;
	s20 =	sadd.s32 s3, s20  }
0x2a9: {  	[tilespmem:s22], [sflag:$0x1] =	stream.linear.gather [hbm4b:s20+s2], $0x80, $0x38;
	[tilespmem:$0x2780] =	vst v63  }
0x2aa: {  	s22 =	spop (v2sf)  }
0x2ab: {  	(v2sf) =	vpush v19, $0xD;
	s20 =	sand.u32 $0x1FFFFFF0, s22  }
0x2ac: {  	s22 =	simm.s32 $0x1980;
	s20 =	sadd.s32 s3, s20  }
0x2ad: {  	[tilespmem:s22], [sflag:$0x1] =	stream.linear.gather [hbm4b:s20+s2], $0x80, $0x38;
	[tilespmem:$0x2780] =	vst v63  }
0x2ae: {  	s22 =	spop (v2sf)  }
0x2af: {  	(v2sf) =	vpush v20, $0xE;
	s20 =	sand.u32 $0x1FFFFFF0, s22  }
0x2b0: {  	s22 =	simm.s32 $0xA00;
	s20 =	sadd.s32 s3, s20  }
0x2b1: {  	[tilespmem:s22], [sflag:$0x1] =	stream.linear.gather [hbm4b:s20+s2], $0x80, $0x38;
	[tilespmem:$0x2780] =	vst v63  }
0x2b2: {  	s22 =	spop (v2sf)  }
0x2b3: {  	(v2sf) =	vpush v19, $0xE;
	s20 =	sand.u32 $0x1FFFFFF0, s22  }
0x2b4: {  	s22 =	simm.s32 $0x1A00;
	s20 =	sadd.s32 s3, s20  }
0x2b5: {  	[tilespmem:s22], [sflag:$0x1] =	stream.linear.gather [hbm4b:s20+s2], $0x80, $0x38;
	[tilespmem:$0x2780] =	vst v63  }
0x2b6: {  	s22 =	spop (v2sf)  }
0x2b7: {  	(v2sf) =	vpush v20, $0xF;
	s20 =	sand.u32 $0x1FFFFFF0, s22  }
0x2b8: {  	s22 =	simm.s32 $0xA80;
	s20 =	sadd.s32 s3, s20  }
0x2b9: {  	[tilespmem:s22], [sflag:$0x1] =	stream.linear.gather [hbm4b:s20+s2], $0x80, $0x38;
	[tilespmem:$0x2780] =	vst v63  }
0x2ba: {  	s22 =	spop (v2sf)  }
0x2bb: {  	s20 =	sand.u32 $0x1FFFFFF0, s22  }
0x2bc: {  	(v2sf) =	vpush v19, $0xF;
	s22 =	simm.s32 $0x1A80;
	s20 =	sadd.s32 s3, s20  }
0x2bd: {  	[tilespmem:s22], [sflag:$0x1] =	stream.linear.gather [hbm4b:s20+s2], $0x80, $0x38;
	[tilespmem:$0x2780] =	vst v63  }
0x2be: {  	s22 =	spop (v2sf)  }
0x2bf: {  	s20 =	sand.u32 $0x1FFFFFF0, s22  }
0x2c0: {  	s22 =	simm.s32 $0xB00;
	s20 =	sadd.s32 s3, s20  }
0x2c1: {  	[tilespmem:s22], [sflag:$0x1] =	stream.linear.gather [hbm4b:s20+s2], $0x80, $0x38;
	[tilespmem:$0x2780] =	vst v63  }
0x2c2: {  	s22 =	spop (v2sf)  }
0x2c3: {  	s20 =	sand.u32 $0x1FFFFFF0, s22  }
0x2c4: {  	s22 =	simm.s32 $0x1B00;
	s20 =	sadd.s32 s3, s20  }
0x2c5: {  	[tilespmem:s22], [sflag:$0x1] =	stream.linear.gather [hbm4b:s20+s2], $0x80, $0x38;
	[tilespmem:$0x2780] =	vst v63  }
0x2c6: {  	s22 =	spop (v2sf)  }
0x2c7: {  	s20 =	sand.u32 $0x1FFFFFF0, s22  }
0x2c8: {  	s22 =	simm.s32 $0xB80;
	s20 =	sadd.s32 s3, s20  }
0x2c9: {  	[tilespmem:s22], [sflag:$0x1] =	stream.linear.gather [hbm4b:s20+s2], $0x80, $0x38;
	[tilespmem:$0x2780] =	vst v63  }
.Ltmp5:
0x2ca: {  	_ = 	snop;
	(pc) =	sbr.rel .LBB2_4-.Ltmp5, $4  }
0x2cb: {  	s22 =	spop (v2sf)  }
0x2cc: {  	s20 =	sand.u32 $0x1FFFFFF0, s22  }
0x2cd: {  	s22 =	simm.s32 $0x1B80;
	s20 =	sadd.s32 s3, s20  }
0x2ce: {  	[tilespmem:s22], [sflag:$0x1] =	stream.linear.gather [hbm4b:s20+s2], $0x80, $0x38;
	[tilespmem:$0x2780] =	vst v63  }
.LBB2_6:
0x2cf: {  	_ =	sfence.sel $0x180000  }
0x2d0: {  	[bflag:$0x0] =	sbarrier.arrive $0xFFFF  }
0x2d1: {  	_ =	strace $0x90000047  }
0x2d2: {  	s0 =	stileid.u32;
	[bflag:$0x2] =	sbarrier.arrive $0xFFFF  }
0x2d3: {  	p0 =	sne.s32 s0, $0x0;
	s0 =	rddreg [dreg:$0x2]  }
0x2d4: {  	s0 =	sadd.s32 @!p0 $0x100000, s0  }
0x2d5: {  	[sflag:s0] =	ssyncadd.tile.s32 @!p0 $0x1;
	_ =	shalt  }
.Lfunc_end2:
_tile_overlayer_lowered:
.L_overlay_start_2:
0x2d6: {  	(tag) =	ssettag $0x2  }
0x2d7: {  	s0 =	rddreg [dreg:$0x0];
	s2 =	stileid.u32  }
0x2d8: {  	s1 =	rddreg [dreg:$0x1];
	p0 =	sne.s32 s2, $0x0  }
0x2d9: {  	s3 =	rddreg [dreg:$0x2];
	[bflag:$0x3] =	sbarrier.arrive $0xFFFF;
	s2 =	simm.s32 @!p0 $0x1C03  }
0x2da: {  	[timem:s3], [sflag:s2] =	dma.local @!p0 [hbm:s0], s1  }
0x2db: {  	s0 =	simm.s32 @!p0 $0x3  }
0x2dc: {  	_ =	swait.ge @!p0 [sflag:s0], s1  }
0x2dd: {  	s1 =	ssub.s32 @!p0 $0x0, s1;
	[sflag:s0] =	ssyncset.done @!p0 $0x0  }
0x2de: {  	[sflag:s0] =	ssyncadd.s32 @!p0 s1  }
0x2df: {  	[bflag:$0x3] =	sbarrier.arrive $0xFFFF  }
0x2e0: {  	_ =	shalt  }

</sc_bundles>
